<compile_context>
chip_gen: v7x
topology: tpu7x:2x2x1
jax: 0.10.2.dev20260603
libtpu: 0.0.44.dev20260713+nightly
codegen_flags: <defaults>
</compile_context>

<pallas_src>
import functools

import jax
import jax.numpy as jnp
from jax import lax
from jax.experimental import pallas as pl
from jax.experimental.pallas import tpu as pltpu
from jax.experimental.pallas import tpu_sc as plsc

NC = 2
NS = 16
LB = 64
DEGW = 16

_F32 = jnp.float32
_HIGH = jax.lax.Precision.HIGHEST


def _dotT(a, b):
    return lax.dot_general(a, b, (((1,), (1,)), ((), ())),
                           precision=_HIGH, preferred_element_type=_F32)


def _zero_block(buf, width):
    zv = jnp.zeros((16,), _F32)

    def body(i, carry):
        for k in range(width // 16):
            buf[i, pl.ds(k * 16, 16)] = zv
        return carry

    lax.fori_loop(0, buf.shape[0], body, 0)


def _zero_spmem_rows(shared, srcz, row0, nrows):
    rz = srcz.shape[0]
    full, tail = nrows // rz, nrows % rz
    for k in range(full):
        pltpu.sync_copy(srcz,
                        shared.at[pl.ds(pl.multiple_of(row0 + k * rz, 8), rz)])
    if tail:
        pltpu.sync_copy(srcz.at[pl.ds(0, tail)],
                        shared.at[pl.ds(pl.multiple_of(row0 + full * rz, 8), tail)])


@functools.lru_cache(maxsize=None)
def _make_deg_kernel(NP, NBLK):
    rpt = NP // NS
    mesh = plsc.VectorSubcoreMesh(core_axis_name="c", subcore_axis_name="s",
                                  num_cores=NC, num_subcores=NS)

    @functools.partial(
        pl.kernel,
        mesh=mesh,
        out_type=jax.ShapeDtypeStruct((NC * NP, DEGW), _F32),
        scratch_types=[
            pltpu.VMEM((NBLK, LB), jnp.int32),
            pltpu.VMEM((LB, DEGW), _F32),
            pltpu.VMEM((LB, DEGW), _F32),
            pltpu.VMEM_SHARED((NP, DEGW), _F32),
        ],
    )
    def deg_kernel(c2d_hbm, out_hbm, c_v, ones_v, zeros_v, hist_sh):
        cid = lax.axis_index("c")
        sid = lax.axis_index("s")
        wid = cid * NS + sid

        ov = jnp.full((16,), 1.0, _F32)

        def init(i, carry):
            ones_v[i] = ov
            return carry

        lax.fori_loop(0, ones_v.shape[0], init, 0)
        _zero_block(zeros_v, DEGW)
        _zero_spmem_rows(hist_sh, zeros_v, sid * rpt, rpt)

        pltpu.sync_copy(c2d_hbm.at[pl.ds(pl.multiple_of(wid * NBLK, 8), NBLK)], c_v)
        plsc.subcore_barrier()

        def body(j, carry):
            pltpu.sync_copy(ones_v, hist_sh.at[c_v.at[j]], add=True)
            return carry

        lax.fori_loop(0, NBLK, body, 0)
        plsc.subcore_barrier()
        pltpu.sync_copy(hist_sh.at[pl.ds(pl.multiple_of(sid * rpt, 8), rpt)],
                        out_hbm.at[pl.ds(pl.multiple_of(cid * NP + sid * rpt, 8), rpt)])

    return deg_kernel


@functools.lru_cache(maxsize=None)
def _make_scatter_kernel(NP, F, NB0, NB1, CH):
    rpt = NP // NS
    IC = 16
    assert NB0 % IC == 0 and NB1 % IC == 0
    mesh = plsc.VectorSubcoreMesh(core_axis_name="c", subcore_axis_name="s",
                                  num_cores=NC, num_subcores=NS)

    @functools.partial(
        pl.kernel,
        mesh=mesh,
        out_type=jax.ShapeDtypeStruct((NC * NP, F), _F32),
        scratch_types=[
            pltpu.VMEM((IC, LB), jnp.int32),
            pltpu.VMEM((IC, LB), jnp.int32),
            pltpu.VMEM((CH, LB, F), _F32),
            pltpu.VMEM_SHARED((NP, F), _F32),
            pltpu.SemaphoreType.DMA,
        ],
    )
    def scatter_kernel(u_hbm, r2d_hbm, c2d_hbm, out_hbm,
                       r_v, c_v, rows_v, acc_sh, sem):
        cid = lax.axis_index("c")
        sid = lax.axis_index("s")
        assert NB0 == NB1
        wid = cid * NS + sid

        _zero_block(rows_v.at[0], F)
        _zero_spmem_rows(acc_sh, rows_v.at[0], sid * rpt, rpt)
        plsc.subcore_barrier()

        def chunk(ci, carry):
            off = pl.multiple_of(wid * NB0 + ci * IC, 8)
            pltpu.sync_copy(r2d_hbm.at[pl.ds(off, IC)], r_v)
            pltpu.sync_copy(c2d_hbm.at[pl.ds(off, IC)], c_v)

            def fire(j):
                return pltpu.async_copy(
                    u_hbm.at[r_v.at[j]], rows_v.at[j % CH], sem)

            descs = [None] * IC
            for j in range(min(CH, IC)):
                descs[j] = fire(j)
            for j in range(IC):
                descs[j].wait()
                if j + CH < IC:
                    descs[j + CH] = fire(j + CH)
                pltpu.sync_copy(rows_v.at[j % CH], acc_sh.at[c_v.at[j]],
                                add=True)
            return carry

        lax.fori_loop(0, NB0 // IC, chunk, 0)
        plsc.subcore_barrier()
        pltpu.sync_copy(acc_sh.at[pl.ds(pl.multiple_of(sid * rpt, 8), rpt)],
                        out_hbm.at[pl.ds(pl.multiple_of(cid * NP + sid * rpt, 8), rpt)])

    return scatter_kernel


def _tc_prep_body(N, NP, x_ref, w1_ref, degp_ref, u_ref, dinv_ref):
    deg = degp_ref[0:N, 0:1] + degp_ref[NP:NP + N, 0:1] + 1.0
    dinv = lax.rsqrt(deg)
    dinv_ref[...] = dinv
    u = _dotT(x_ref[...], w1_ref[...]) * dinv
    u_ref[0:N, :] = u
    u_ref[N:NP, :] = jnp.zeros((NP - N, u.shape[1]), _F32)


def _tc_combine_body(N, NP, accp_ref, u_ref, dinv_ref,
                     b_ref, g_ref, be_ref, h_ref):
    dinv = dinv_ref[...]
    s = u_ref[0:N, :] + accp_ref[0:N, :] + accp_ref[NP:NP + N, :]
    t = s * dinv + b_ref[...]
    t = jnp.maximum(t, 0.0)
    mu = jnp.mean(t, axis=0, keepdims=True)
    var = jnp.mean(t * t, axis=0, keepdims=True) - mu * mu
    h_ref[...] = (t - mu) * lax.rsqrt(var + 1e-5) * g_ref[...] + be_ref[...]


def _tc_pool_next_body(N, NP, G, h_ref, dinv_ref, batch_ref, w_ref,
                       un_ref, pool_ref):
    h = h_ref[...]
    seg = lax.broadcasted_iota(jnp.int32, (N, G), 1)
    onehot = (batch_ref[...] == seg).astype(_F32)
    pool_ref[...] = lax.dot_general(onehot, h, (((0,), (0,)), ((), ())),
                                    precision=_HIGH,
                                    preferred_element_type=_F32)
    un = _dotT(h, w_ref[...]) * dinv_ref[...]
    un_ref[0:N, :] = un
    un_ref[N:NP, :] = jnp.zeros((NP - N, un.shape[1]), _F32)


def kernel(x, edge_index, batch, W1, b1, g1, be1, W2, b2, g2, be2,
           W3, b3, g3, be3):
    N, F = x.shape
    E = edge_index.shape[1]
    G = 64
    H = W1.shape[0]

    CH = 5
    NP = ((N + 127) // 128) * 128
    if NP == N:
        NP += 128
    epb = NC * NS * LB * 16
    E_pad = ((E + epb - 1) // epb) * epb
    NBLK = E_pad // (NC * NS * LB)

    r = jnp.concatenate([edge_index[0],
                         jnp.full((E_pad - E,), N, jnp.int32)]).reshape(-1, LB)
    c = jnp.concatenate([edge_index[1],
                         jnp.full((E_pad - E,), N, jnp.int32)]).reshape(-1, LB)
    batch2d = batch.reshape(N, 1)

    NBLK_PAIR = E_pad // (NS * LB)
    NB0 = NBLK_PAIR // 2
    NB1 = NBLK_PAIR - NB0
    deg_k = _make_deg_kernel(NP, NBLK)
    scat_k = _make_scatter_kernel(NP, H, NB0, NB1, CH)

    degp = deg_k(c)

    tc_prep = pl.pallas_call(
        functools.partial(_tc_prep_body, N, NP),
        out_shape=(jax.ShapeDtypeStruct((NP, H), _F32),
                   jax.ShapeDtypeStruct((N, 1), _F32)),
    )
    u1, dinv = tc_prep(x, W1, degp)

    tc_combine = pl.pallas_call(
        functools.partial(_tc_combine_body, N, NP),
        out_shape=jax.ShapeDtypeStruct((N, H), _F32))
    tc_pool_next = pl.pallas_call(
        functools.partial(_tc_pool_next_body, N, NP, G),
        out_shape=(jax.ShapeDtypeStruct((NP, H), _F32),
                   jax.ShapeDtypeStruct((G, H), _F32)))

    bs = jnp.stack([b1, b2, b3]).reshape(3, 1, H)
    gs = jnp.stack([g1, g2, g3]).reshape(3, 1, H)
    bes = jnp.stack([be1, be2, be3]).reshape(3, 1, H)
    Ws = jnp.stack([W2, W3, W3])

    def step(carry, p):
        u_cur, _ = carry
        b_, g_, be_, W_ = p
        accp = scat_k(u_cur, r, c)
        h = tc_combine(accp, u_cur, dinv, b_, g_, be_)
        un, pool = tc_pool_next(h, dinv, batch2d, W_)
        return (un, h), pool

    h0 = jnp.zeros((N, H), _F32)
    (_, h3), pools = lax.scan(step, (u1, h0), (bs, gs, bes, Ws))

    global_rep = jnp.concatenate([pools[0], pools[1], pools[2]], axis=1)
    return (global_rep, h3)

# --- scband reference (transcript-rebuilt; emitter-appended) ---
"""Pipeline reference for scband-gcn-6554120094214 (READ-ONLY COPY).

The authoritative reference and input builder live on the scoring server;
editing this copy changes nothing except your own understanding.
"""

import jax, jax.numpy as jnp
import numpy as np

N = 10000
E = 320000
FEAT = 128
HID = 128
GRAPHS = 64


def _xavier(key, shape):
    fan_out, fan_in = shape[0], shape[1]
    limit = float(np.sqrt(6.0 / (fan_in + fan_out)))
    return jax.random.uniform(key, shape, dtype=jnp.float32, minval=-limit, maxval=limit)


def setup_inputs(seed: int = 0):
    key = jax.random.key(seed)
    ks = jax.random.split(key, 8)
    inp = {}
    inp["x"] = jax.random.normal(ks[0], (N, FEAT), dtype=jnp.float32)
    inp["edge_index"] = jax.random.randint(ks[1], (2, E), 0, N, dtype=jnp.int32)
    inp["batch"] = jnp.sort(jax.random.randint(ks[2], (N,), 0, GRAPHS, dtype=jnp.int32))
    dims = [(HID, FEAT), (HID, HID), (HID, HID)]
    for i, d in enumerate(dims):
        inp["W%d" % (i + 1)] = _xavier(ks[3 + i], d)
        inp["b%d" % (i + 1)] = jnp.zeros((HID,), dtype=jnp.float32)
        inp["g%d" % (i + 1)] = jnp.ones((HID,), dtype=jnp.float32)
        inp["be%d" % (i + 1)] = jnp.zeros((HID,), dtype=jnp.float32)
    return inp


def _gcn_conv(x, row, col, W, b):
    # PyG GCNConv: x' = D^{-1/2} (A + I) D^{-1/2} (X W^T) + b, self-loops added
    n = x.shape[0]
    loop = jnp.arange(n, dtype=row.dtype)
    r = jnp.concatenate([row, loop])
    c = jnp.concatenate([col, loop])
    deg = jnp.zeros((n,), dtype=x.dtype).at[c].add(1.0)
    dinv = jnp.where(deg > 0, jax.lax.rsqrt(deg), 0.0)
    norm = dinv[r] * dinv[c]
    h = x @ W.T
    msg = h[r] * norm[:, None]
    out = jnp.zeros_like(h).at[c].add(msg)
    return out + b


def _bn(x, g, b, eps=1e-5):
    # BatchNorm1d in training mode: biased batch statistics
    mu = jnp.mean(x, axis=0)
    var = jnp.var(x, axis=0)
    return (x - mu) * jax.lax.rsqrt(var + eps) * g + b


def reference(x, edge_index, batch, W1, b1, g1, be1, W2, b2, g2, be2, W3, b3, g3, be3):
    row, col = edge_index[0], edge_index[1]
    params = [(W1, b1, g1, be1), (W2, b2, g2, be2), (W3, b3, g3, be3)]
    h = x
    xs = []
    for (W, b, g, be) in params:
        h = _gcn_conv(h, row, col, W, b)
        h = jax.nn.relu(h)
        h = _bn(h, g, be)
        xs.append(h)
    pools = [jax.ops.segment_sum(t, batch, num_segments=GRAPHS) for t in xs]
    global_rep = jnp.concatenate(pools, axis=1)
    return (global_rep, h)

if __name__ == "__main__":
    import jax
    _d = setup_inputs()
    print(jax.jit(kernel)(*tuple(_d.values())))

</pallas_src>

<mosaic_0001>
#map = affine_map<(d0, d1) -> (0, 0)>
module attributes {stable_mosaic.version = 14 : i64} {
  func.func @scatter_kernel(%arg0: i32, %arg1: i32, %arg2: memref<10112x128xf32, #tpu.memory_space<hbm>>, %arg3: memref<5120x64xi32, #tpu.memory_space<hbm>>, %arg4: memref<5120x64xi32, #tpu.memory_space<hbm>>, %arg5: memref<20224x128xf32, #tpu.memory_space<hbm>>, %arg6: memref<16x64xi32, #tpu.memory_space<vmem>>, %arg7: memref<16x64xi32, #tpu.memory_space<vmem>>, %arg8: memref<5x64x128xf32, #tpu.memory_space<vmem>>, %arg9: memref<10112x128xf32, #tpu.memory_space<vmem_shared>>, %arg10: memref<!tpu.dma_semaphore, #tpu.memory_space<semaphore_mem>>) attributes {dimension_semantics = [#tpu.dimension_semantics<core_parallel>, #tpu.dimension_semantics<subcore_parallel>], iteration_bounds = array<i64: 2, 16>, scalar_prefetch = 0 : i64, scratch_operands = 5 : i64, tpu.core_type = #tpu.core_type<sc_vector_subcore>, window_params = [{transform_indices = #map}, {transform_indices = #map}, {transform_indices = #map}, {transform_indices = #map}]} {
    %mul3A = arith.constant 16 : i32
    %mul3A_0 = arith.muli %arg0, %mul3A : i32
    %add3A = arith.addi %mul3A_0, %arg1 : i32
    %broadcast_in_dim3A = arith.constant 0.000000e+00 : f32
    %broadcast_in_dim3A_1 = vector.broadcast %broadcast_in_dim3A : f32 to vector<16xf32>
    %scan3A = arith.constant 0 : i32
    %scan3A_2 = arith.constant 0 : i32
    %scan3A_3 = arith.constant 0 : i32
    %scan3A_4 = arith.constant 64 : i32
    %scan3A_5 = arith.addi %scan3A_3, %scan3A_4 : i32
    %scan3A_6 = arith.constant 1 : i32
    scf.for %scan3A_64 = %scan3A_3 to %scan3A_5 step %scan3A_6  : i32 {
      %swap3A = arith.constant 0 : i32
      %swap3A_65 = arith.constant 0 : i32
      %swap3A_66 = tpu.memref_slice %arg8[%scan3A_2, %swap3A, %swap3A_65] : memref<5x64x128xf32, #tpu.memory_space<vmem>> -> memref<1x64x128xf32, #tpu.memory_space<vmem>>
      %swap3A_67 = tpu.memref_squeeze %swap3A_66 : memref<1x64x128xf32, #tpu.memory_space<vmem>> -> memref<64x128xf32, #tpu.memory_space<vmem>>
      %swap3A_68 = arith.index_cast %scan3A_64 : i32 to index
      %swap3A_69 = arith.constant 0 : index
      %swap3A_70 = tpu.vector_load %swap3A_67[%swap3A_68, %swap3A_69] {strides = array<i32>} : memref<64x128xf32, #tpu.memory_space<vmem>>, vector<1x16xf32>,
      %swap3A_71 = vector.shape_cast %swap3A_70 : vector<1x16xf32> to vector<16xf32>
      %swap3A_72 = vector.shape_cast %broadcast_in_dim3A_1 : vector<16xf32> to vector<1x16xf32>
      tpu.vector_store %swap3A_67[%swap3A_68, %swap3A_69], %swap3A_72 {strides = array<i32>} : memref<64x128xf32, #tpu.memory_space<vmem>>, vector<1x16xf32>,
      %swap3A_73 = arith.constant 0 : i32
      %swap3A_74 = arith.constant 0 : i32
      %swap3A_75 = tpu.memref_slice %arg8[%scan3A_2, %swap3A_73, %swap3A_74] : memref<5x64x128xf32, #tpu.memory_space<vmem>> -> memref<1x64x128xf32, #tpu.memory_space<vmem>>
      %swap3A_76 = tpu.memref_squeeze %swap3A_75 : memref<1x64x128xf32, #tpu.memory_space<vmem>> -> memref<64x128xf32, #tpu.memory_space<vmem>>
      %swap3A_77 = arith.index_cast %scan3A_64 : i32 to index
      %swap3A_78 = arith.constant 16 : index
      %swap3A_79 = tpu.vector_load %swap3A_76[%swap3A_77, %swap3A_78] {strides = array<i32>} : memref<64x128xf32, #tpu.memory_space<vmem>>, vector<1x16xf32>,
      %swap3A_80 = vector.shape_cast %swap3A_79 : vector<1x16xf32> to vector<16xf32>
      %swap3A_81 = vector.shape_cast %broadcast_in_dim3A_1 : vector<16xf32> to vector<1x16xf32>
      tpu.vector_store %swap3A_76[%swap3A_77, %swap3A_78], %swap3A_81 {strides = array<i32>} : memref<64x128xf32, #tpu.memory_space<vmem>>, vector<1x16xf32>,
      %swap3A_82 = arith.constant 0 : i32
      %swap3A_83 = arith.constant 0 : i32
      %swap3A_84 = tpu.memref_slice %arg8[%scan3A_2, %swap3A_82, %swap3A_83] : memref<5x64x128xf32, #tpu.memory_space<vmem>> -> memref<1x64x128xf32, #tpu.memory_space<vmem>>
      %swap3A_85 = tpu.memref_squeeze %swap3A_84 : memref<1x64x128xf32, #tpu.memory_space<vmem>> -> memref<64x128xf32, #tpu.memory_space<vmem>>
      %swap3A_86 = arith.index_cast %scan3A_64 : i32 to index
      %swap3A_87 = arith.constant 32 : index
      %swap3A_88 = tpu.vector_load %swap3A_85[%swap3A_86, %swap3A_87] {strides = array<i32>} : memref<64x128xf32, #tpu.memory_space<vmem>>, vector<1x16xf32>,
      %swap3A_89 = vector.shape_cast %swap3A_88 : vector<1x16xf32> to vector<16xf32>
      %swap3A_90 = vector.shape_cast %broadcast_in_dim3A_1 : vector<16xf32> to vector<1x16xf32>
      tpu.vector_store %swap3A_85[%swap3A_86, %swap3A_87], %swap3A_90 {strides = array<i32>} : memref<64x128xf32, #tpu.memory_space<vmem>>, vector<1x16xf32>,
      %swap3A_91 = arith.constant 0 : i32
      %swap3A_92 = arith.constant 0 : i32
      %swap3A_93 = tpu.memref_slice %arg8[%scan3A_2, %swap3A_91, %swap3A_92] : memref<5x64x128xf32, #tpu.memory_space<vmem>> -> memref<1x64x128xf32, #tpu.memory_space<vmem>>
      %swap3A_94 = tpu.memref_squeeze %swap3A_93 : memref<1x64x128xf32, #tpu.memory_space<vmem>> -> memref<64x128xf32, #tpu.memory_space<vmem>>
      %swap3A_95 = arith.index_cast %scan3A_64 : i32 to index
      %swap3A_96 = arith.constant 48 : index
      %swap3A_97 = tpu.vector_load %swap3A_94[%swap3A_95, %swap3A_96] {strides = array<i32>} : memref<64x128xf32, #tpu.memory_space<vmem>>, vector<1x16xf32>,
      %swap3A_98 = vector.shape_cast %swap3A_97 : vector<1x16xf32> to vector<16xf32>
      %swap3A_99 = vector.shape_cast %broadcast_in_dim3A_1 : vector<16xf32> to vector<1x16xf32>
      tpu.vector_store %swap3A_94[%swap3A_95, %swap3A_96], %swap3A_99 {strides = array<i32>} : memref<64x128xf32, #tpu.memory_space<vmem>>, vector<1x16xf32>,
      %swap3A_100 = arith.constant 0 : i32
      %swap3A_101 = arith.constant 0 : i32
      %swap3A_102 = tpu.memref_slice %arg8[%scan3A_2, %swap3A_100, %swap3A_101] : memref<5x64x128xf32, #tpu.memory_space<vmem>> -> memref<1x64x128xf32, #tpu.memory_space<vmem>>
      %swap3A_103 = tpu.memref_squeeze %swap3A_102 : memref<1x64x128xf32, #tpu.memory_space<vmem>> -> memref<64x128xf32, #tpu.memory_space<vmem>>
      %swap3A_104 = arith.index_cast %scan3A_64 : i32 to index
      %swap3A_105 = arith.constant 64 : index
      %swap3A_106 = tpu.vector_load %swap3A_103[%swap3A_104, %swap3A_105] {strides = array<i32>} : memref<64x128xf32, #tpu.memory_space<vmem>>, vector<1x16xf32>,
      %swap3A_107 = vector.shape_cast %swap3A_106 : vector<1x16xf32> to vector<16xf32>
      %swap3A_108 = vector.shape_cast %broadcast_in_dim3A_1 : vector<16xf32> to vector<1x16xf32>
      tpu.vector_store %swap3A_103[%swap3A_104, %swap3A_105], %swap3A_108 {strides = array<i32>} : memref<64x128xf32, #tpu.memory_space<vmem>>, vector<1x16xf32>,
      %swap3A_109 = arith.constant 0 : i32
      %swap3A_110 = arith.constant 0 : i32
      %swap3A_111 = tpu.memref_slice %arg8[%scan3A_2, %swap3A_109, %swap3A_110] : memref<5x64x128xf32, #tpu.memory_space<vmem>> -> memref<1x64x128xf32, #tpu.memory_space<vmem>>
      %swap3A_112 = tpu.memref_squeeze %swap3A_111 : memref<1x64x128xf32, #tpu.memory_space<vmem>> -> memref<64x128xf32, #tpu.memory_space<vmem>>
      %swap3A_113 = arith.index_cast %scan3A_64 : i32 to index
      %swap3A_114 = arith.constant 80 : index
      %swap3A_115 = tpu.vector_load %swap3A_112[%swap3A_113, %swap3A_114] {strides = array<i32>} : memref<64x128xf32, #tpu.memory_space<vmem>>, vector<1x16xf32>,
      %swap3A_116 = vector.shape_cast %swap3A_115 : vector<1x16xf32> to vector<16xf32>
      %swap3A_117 = vector.shape_cast %broadcast_in_dim3A_1 : vector<16xf32> to vector<1x16xf32>
      tpu.vector_store %swap3A_112[%swap3A_113, %swap3A_114], %swap3A_117 {strides = array<i32>} : memref<64x128xf32, #tpu.memory_space<vmem>>, vector<1x16xf32>,
      %swap3A_118 = arith.constant 0 : i32
      %swap3A_119 = arith.constant 0 : i32
      %swap3A_120 = tpu.memref_slice %arg8[%scan3A_2, %swap3A_118, %swap3A_119] : memref<5x64x128xf32, #tpu.memory_space<vmem>> -> memref<1x64x128xf32, #tpu.memory_space<vmem>>
      %swap3A_121 = tpu.memref_squeeze %swap3A_120 : memref<1x64x128xf32, #tpu.memory_space<vmem>> -> memref<64x128xf32, #tpu.memory_space<vmem>>
      %swap3A_122 = arith.index_cast %scan3A_64 : i32 to index
      %swap3A_123 = arith.constant 96 : index
      %swap3A_124 = tpu.vector_load %swap3A_121[%swap3A_122, %swap3A_123] {strides = array<i32>} : memref<64x128xf32, #tpu.memory_space<vmem>>, vector<1x16xf32>,
      %swap3A_125 = vector.shape_cast %swap3A_124 : vector<1x16xf32> to vector<16xf32>
      %swap3A_126 = vector.shape_cast %broadcast_in_dim3A_1 : vector<16xf32> to vector<1x16xf32>
      tpu.vector_store %swap3A_121[%swap3A_122, %swap3A_123], %swap3A_126 {strides = array<i32>} : memref<64x128xf32, #tpu.memory_space<vmem>>, vector<1x16xf32>,
      %swap3A_127 = arith.constant 0 : i32
      %swap3A_128 = arith.constant 0 : i32
      %swap3A_129 = tpu.memref_slice %arg8[%scan3A_2, %swap3A_127, %swap3A_128] : memref<5x64x128xf32, #tpu.memory_space<vmem>> -> memref<1x64x128xf32, #tpu.memory_space<vmem>>
      %swap3A_130 = tpu.memref_squeeze %swap3A_129 : memref<1x64x128xf32, #tpu.memory_space<vmem>> -> memref<64x128xf32, #tpu.memory_space<vmem>>
      %swap3A_131 = arith.index_cast %scan3A_64 : i32 to index
      %swap3A_132 = arith.constant 112 : index
      %swap3A_133 = tpu.vector_load %swap3A_130[%swap3A_131, %swap3A_132] {strides = array<i32>} : memref<64x128xf32, #tpu.memory_space<vmem>>, vector<1x16xf32>,
      %swap3A_134 = vector.shape_cast %swap3A_133 : vector<1x16xf32> to vector<16xf32>
      %swap3A_135 = vector.shape_cast %broadcast_in_dim3A_1 : vector<16xf32> to vector<1x16xf32>
      tpu.vector_store %swap3A_130[%swap3A_131, %swap3A_132], %swap3A_135 {strides = array<i32>} : memref<64x128xf32, #tpu.memory_space<vmem>>, vector<1x16xf32>,
    }
    %scan3A_7 = arith.constant 64 : i32
    %mul3A_8 = arith.constant 632 : i32
    %mul3A_9 = arith.muli %arg1, %mul3A_8 : i32
    %add3A_10 = arith.constant 0 : i32
    %add3A_11 = arith.addi %mul3A_9, %add3A_10 : i32
    %multiple_of3A = tpu.assume_multiple %add3A_11, 8 : i32
    %run_scoped3A = arith.constant 0 : i32
    "tpu.region"() ({
      %run_scoped3A_64 = tpu.sem_alloc : memref<!tpu.dma_semaphore, #tpu.memory_space<semaphore_mem>>
      %dma_start3A = arith.constant 0 : i32
      %dma_start3A_65 = arith.constant 0 : i32
      %dma_start3A_66 = tpu.memref_slice %arg8[%run_scoped3A, %dma_start3A, %dma_start3A_65] : memref<5x64x128xf32, #tpu.memory_space<vmem>> -> memref<1x64x128xf32, #tpu.memory_space<vmem>>
      %dma_start3A_67 = tpu.memref_squeeze %dma_start3A_66 : memref<1x64x128xf32, #tpu.memory_space<vmem>> -> memref<64x128xf32, #tpu.memory_space<vmem>>
      %dma_start3A_68 = arith.constant 0 : i32
      %dma_start3A_69 = tpu.memref_slice %arg9[%multiple_of3A, %dma_start3A_68] : memref<10112x128xf32, #tpu.memory_space<vmem_shared>> -> memref<64x128xf32, #tpu.memory_space<vmem_shared>>
      %dma_start3A_70 = arith.constant 0 : i32
      %dma_start3A_71 = tpu.memref_slice %arg9[%multiple_of3A, %dma_start3A_70] : memref<10112x128xf32, #tpu.memory_space<vmem_shared>> -> memref<64x128xf32, #tpu.memory_space<vmem_shared>>
      %dma_start3A_72 = arith.constant 0 : i32
      %dma_start3A_73 = arith.constant 0 : i32
      %dma_start3A_74 = tpu.memref_slice %arg8[%run_scoped3A, %dma_start3A_72, %dma_start3A_73] : memref<5x64x128xf32, #tpu.memory_space<vmem>> -> memref<1x64x128xf32, #tpu.memory_space<vmem>>
      %dma_start3A_75 = tpu.memref_squeeze %dma_start3A_74 : memref<1x64x128xf32, #tpu.memory_space<vmem>> -> memref<64x128xf32, #tpu.memory_space<vmem>>
      tpu.enqueue_dma source(%dma_start3A_75 : memref<64x128xf32, #tpu.memory_space<vmem>>) target(%dma_start3A_71 : memref<64x128xf32, #tpu.memory_space<vmem_shared>>) target_semaphore(%run_scoped3A_64 : memref<!tpu.dma_semaphore, #tpu.memory_space<semaphore_mem>>)
      %dma_wait3A = arith.constant 0 : i32
      %dma_wait3A_76 = arith.constant 0 : i32
      %dma_wait3A_77 = tpu.memref_slice %arg8[%run_scoped3A, %dma_wait3A, %dma_wait3A_76] : memref<5x64x128xf32, #tpu.memory_space<vmem>> -> memref<1x64x128xf32, #tpu.memory_space<vmem>>
      %dma_wait3A_78 = tpu.memref_squeeze %dma_wait3A_77 : memref<1x64x128xf32, #tpu.memory_space<vmem>> -> memref<64x128xf32, #tpu.memory_space<vmem>>
      %dma_wait3A_79 = arith.constant 0 : i32
      %dma_wait3A_80 = tpu.memref_slice %arg9[%multiple_of3A, %dma_wait3A_79] : memref<10112x128xf32, #tpu.memory_space<vmem_shared>> -> memref<64x128xf32, #tpu.memory_space<vmem_shared>>
      %dma_wait3A_81 = arith.constant 0 : i32
      %dma_wait3A_82 = tpu.memref_slice %arg9[%multiple_of3A, %dma_wait3A_81] : memref<10112x128xf32, #tpu.memory_space<vmem_shared>> -> memref<64x128xf32, #tpu.memory_space<vmem_shared>>
      %dma_wait3A_83 = arith.constant 0 : i32
      %dma_wait3A_84 = arith.constant 0 : i32
      %dma_wait3A_85 = tpu.memref_slice %arg8[%run_scoped3A, %dma_wait3A_83, %dma_wait3A_84] : memref<5x64x128xf32, #tpu.memory_space<vmem>> -> memref<1x64x128xf32, #tpu.memory_space<vmem>>
      %dma_wait3A_86 = tpu.memref_squeeze %dma_wait3A_85 : memref<1x64x128xf32, #tpu.memory_space<vmem>> -> memref<64x128xf32, #tpu.memory_space<vmem>>
      tpu.wait_dma2 semaphore(%run_scoped3A_64 : memref<!tpu.dma_semaphore, #tpu.memory_space<semaphore_mem>>) src(%dma_wait3A_86 : memref<64x128xf32, #tpu.memory_space<vmem>>) dst(%dma_wait3A_82 : memref<64x128xf32, #tpu.memory_space<vmem_shared>>)
      tpu.yield
    }) : () -> ()
    %add3A_12 = arith.constant 64 : i32
    %add3A_13 = arith.addi %mul3A_9, %add3A_12 : i32
    %multiple_of3A_14 = tpu.assume_multiple %add3A_13, 8 : i32
    %run_scoped3A_15 = arith.constant 0 : i32
    "tpu.region"() ({
      %run_scoped3A_64 = tpu.sem_alloc : memref<!tpu.dma_semaphore, #tpu.memory_space<semaphore_mem>>
      %dma_start3A = arith.constant 0 : i32
      %dma_start3A_65 = arith.constant 0 : i32
      %dma_start3A_66 = tpu.memref_slice %arg8[%run_scoped3A_15, %dma_start3A, %dma_start3A_65] : memref<5x64x128xf32, #tpu.memory_space<vmem>> -> memref<1x64x128xf32, #tpu.memory_space<vmem>>
      %dma_start3A_67 = tpu.memref_squeeze %dma_start3A_66 : memref<1x64x128xf32, #tpu.memory_space<vmem>> -> memref<64x128xf32, #tpu.memory_space<vmem>>
      %dma_start3A_68 = arith.constant 0 : i32
      %dma_start3A_69 = tpu.memref_slice %arg9[%multiple_of3A_14, %dma_start3A_68] : memref<10112x128xf32, #tpu.memory_space<vmem_shared>> -> memref<64x128xf32, #tpu.memory_space<vmem_shared>>
      %dma_start3A_70 = arith.constant 0 : i32
      %dma_start3A_71 = tpu.memref_slice %arg9[%multiple_of3A_14, %dma_start3A_70] : memref<10112x128xf32, #tpu.memory_space<vmem_shared>> -> memref<64x128xf32, #tpu.memory_space<vmem_shared>>
      %dma_start3A_72 = arith.constant 0 : i32
      %dma_start3A_73 = arith.constant 0 : i32
      %dma_start3A_74 = tpu.memref_slice %arg8[%run_scoped3A_15, %dma_start3A_72, %dma_start3A_73] : memref<5x64x128xf32, #tpu.memory_space<vmem>> -> memref<1x64x128xf32, #tpu.memory_space<vmem>>
      %dma_start3A_75 = tpu.memref_squeeze %dma_start3A_74 : memref<1x64x128xf32, #tpu.memory_space<vmem>> -> memref<64x128xf32, #tpu.memory_space<vmem>>
      tpu.enqueue_dma source(%dma_start3A_75 : memref<64x128xf32, #tpu.memory_space<vmem>>) target(%dma_start3A_71 : memref<64x128xf32, #tpu.memory_space<vmem_shared>>) target_semaphore(%run_scoped3A_64 : memref<!tpu.dma_semaphore, #tpu.memory_space<semaphore_mem>>)
      %dma_wait3A = arith.constant 0 : i32
      %dma_wait3A_76 = arith.constant 0 : i32
      %dma_wait3A_77 = tpu.memref_slice %arg8[%run_scoped3A_15, %dma_wait3A, %dma_wait3A_76] : memref<5x64x128xf32, #tpu.memory_space<vmem>> -> memref<1x64x128xf32, #tpu.memory_space<vmem>>
      %dma_wait3A_78 = tpu.memref_squeeze %dma_wait3A_77 : memref<1x64x128xf32, #tpu.memory_space<vmem>> -> memref<64x128xf32, #tpu.memory_space<vmem>>
      %dma_wait3A_79 = arith.constant 0 : i32
      %dma_wait3A_80 = tpu.memref_slice %arg9[%multiple_of3A_14, %dma_wait3A_79] : memref<10112x128xf32, #tpu.memory_space<vmem_shared>> -> memref<64x128xf32, #tpu.memory_space<vmem_shared>>
      %dma_wait3A_81 = arith.constant 0 : i32
      %dma_wait3A_82 = tpu.memref_slice %arg9[%multiple_of3A_14, %dma_wait3A_81] : memref<10112x128xf32, #tpu.memory_space<vmem_shared>> -> memref<64x128xf32, #tpu.memory_space<vmem_shared>>
      %dma_wait3A_83 = arith.constant 0 : i32
      %dma_wait3A_84 = arith.constant 0 : i32
      %dma_wait3A_85 = tpu.memref_slice %arg8[%run_scoped3A_15, %dma_wait3A_83, %dma_wait3A_84] : memref<5x64x128xf32, #tpu.memory_space<vmem>> -> memref<1x64x128xf32, #tpu.memory_space<vmem>>
      %dma_wait3A_86 = tpu.memref_squeeze %dma_wait3A_85 : memref<1x64x128xf32, #tpu.memory_space<vmem>> -> memref<64x128xf32, #tpu.memory_space<vmem>>
      tpu.wait_dma2 semaphore(%run_scoped3A_64 : memref<!tpu.dma_semaphore, #tpu.memory_space<semaphore_mem>>) src(%dma_wait3A_86 : memref<64x128xf32, #tpu.memory_space<vmem>>) dst(%dma_wait3A_82 : memref<64x128xf32, #tpu.memory_space<vmem_shared>>)
      tpu.yield
    }) : () -> ()
    %add3A_16 = arith.constant 128 : i32
    %add3A_17 = arith.addi %mul3A_9, %add3A_16 : i32
    %multiple_of3A_18 = tpu.assume_multiple %add3A_17, 8 : i32
    %run_scoped3A_19 = arith.constant 0 : i32
    "tpu.region"() ({
      %run_scoped3A_64 = tpu.sem_alloc : memref<!tpu.dma_semaphore, #tpu.memory_space<semaphore_mem>>
      %dma_start3A = arith.constant 0 : i32
      %dma_start3A_65 = arith.constant 0 : i32
      %dma_start3A_66 = tpu.memref_slice %arg8[%run_scoped3A_19, %dma_start3A, %dma_start3A_65] : memref<5x64x128xf32, #tpu.memory_space<vmem>> -> memref<1x64x128xf32, #tpu.memory_space<vmem>>
      %dma_start3A_67 = tpu.memref_squeeze %dma_start3A_66 : memref<1x64x128xf32, #tpu.memory_space<vmem>> -> memref<64x128xf32, #tpu.memory_space<vmem>>
      %dma_start3A_68 = arith.constant 0 : i32
      %dma_start3A_69 = tpu.memref_slice %arg9[%multiple_of3A_18, %dma_start3A_68] : memref<10112x128xf32, #tpu.memory_space<vmem_shared>> -> memref<64x128xf32, #tpu.memory_space<vmem_shared>>
      %dma_start3A_70 = arith.constant 0 : i32
      %dma_start3A_71 = tpu.memref_slice %arg9[%multiple_of3A_18, %dma_start3A_70] : memref<10112x128xf32, #tpu.memory_space<vmem_shared>> -> memref<64x128xf32, #tpu.memory_space<vmem_shared>>
      %dma_start3A_72 = arith.constant 0 : i32
      %dma_start3A_73 = arith.constant 0 : i32
      %dma_start3A_74 = tpu.memref_slice %arg8[%run_scoped3A_19, %dma_start3A_72, %dma_start3A_73] : memref<5x64x128xf32, #tpu.memory_space<vmem>> -> memref<1x64x128xf32, #tpu.memory_space<vmem>>
      %dma_start3A_75 = tpu.memref_squeeze %dma_start3A_74 : memref<1x64x128xf32, #tpu.memory_space<vmem>> -> memref<64x128xf32, #tpu.memory_space<vmem>>
      tpu.enqueue_dma source(%dma_start3A_75 : memref<64x128xf32, #tpu.memory_space<vmem>>) target(%dma_start3A_71 : memref<64x128xf32, #tpu.memory_space<vmem_shared>>) target_semaphore(%run_scoped3A_64 : memref<!tpu.dma_semaphore, #tpu.memory_space<semaphore_mem>>)
      %dma_wait3A = arith.constant 0 : i32
      %dma_wait3A_76 = arith.constant 0 : i32
      %dma_wait3A_77 = tpu.memref_slice %arg8[%run_scoped3A_19, %dma_wait3A, %dma_wait3A_76] : memref<5x64x128xf32, #tpu.memory_space<vmem>> -> memref<1x64x128xf32, #tpu.memory_space<vmem>>
      %dma_wait3A_78 = tpu.memref_squeeze %dma_wait3A_77 : memref<1x64x128xf32, #tpu.memory_space<vmem>> -> memref<64x128xf32, #tpu.memory_space<vmem>>
      %dma_wait3A_79 = arith.constant 0 : i32
      %dma_wait3A_80 = tpu.memref_slice %arg9[%multiple_of3A_18, %dma_wait3A_79] : memref<10112x128xf32, #tpu.memory_space<vmem_shared>> -> memref<64x128xf32, #tpu.memory_space<vmem_shared>>
      %dma_wait3A_81 = arith.constant 0 : i32
      %dma_wait3A_82 = tpu.memref_slice %arg9[%multiple_of3A_18, %dma_wait3A_81] : memref<10112x128xf32, #tpu.memory_space<vmem_shared>> -> memref<64x128xf32, #tpu.memory_space<vmem_shared>>
      %dma_wait3A_83 = arith.constant 0 : i32
      %dma_wait3A_84 = arith.constant 0 : i32
      %dma_wait3A_85 = tpu.memref_slice %arg8[%run_scoped3A_19, %dma_wait3A_83, %dma_wait3A_84] : memref<5x64x128xf32, #tpu.memory_space<vmem>> -> memref<1x64x128xf32, #tpu.memory_space<vmem>>
      %dma_wait3A_86 = tpu.memref_squeeze %dma_wait3A_85 : memref<1x64x128xf32, #tpu.memory_space<vmem>> -> memref<64x128xf32, #tpu.memory_space<vmem>>
      tpu.wait_dma2 semaphore(%run_scoped3A_64 : memref<!tpu.dma_semaphore, #tpu.memory_space<semaphore_mem>>) src(%dma_wait3A_86 : memref<64x128xf32, #tpu.memory_space<vmem>>) dst(%dma_wait3A_82 : memref<64x128xf32, #tpu.memory_space<vmem_shared>>)
      tpu.yield
    }) : () -> ()
    %add3A_20 = arith.constant 192 : i32
    %add3A_21 = arith.addi %mul3A_9, %add3A_20 : i32
    %multiple_of3A_22 = tpu.assume_multiple %add3A_21, 8 : i32
    %run_scoped3A_23 = arith.constant 0 : i32
    "tpu.region"() ({
      %run_scoped3A_64 = tpu.sem_alloc : memref<!tpu.dma_semaphore, #tpu.memory_space<semaphore_mem>>
      %dma_start3A = arith.constant 0 : i32
      %dma_start3A_65 = arith.constant 0 : i32
      %dma_start3A_66 = tpu.memref_slice %arg8[%run_scoped3A_23, %dma_start3A, %dma_start3A_65] : memref<5x64x128xf32, #tpu.memory_space<vmem>> -> memref<1x64x128xf32, #tpu.memory_space<vmem>>
      %dma_start3A_67 = tpu.memref_squeeze %dma_start3A_66 : memref<1x64x128xf32, #tpu.memory_space<vmem>> -> memref<64x128xf32, #tpu.memory_space<vmem>>
      %dma_start3A_68 = arith.constant 0 : i32
      %dma_start3A_69 = tpu.memref_slice %arg9[%multiple_of3A_22, %dma_start3A_68] : memref<10112x128xf32, #tpu.memory_space<vmem_shared>> -> memref<64x128xf32, #tpu.memory_space<vmem_shared>>
      %dma_start3A_70 = arith.constant 0 : i32
      %dma_start3A_71 = tpu.memref_slice %arg9[%multiple_of3A_22, %dma_start3A_70] : memref<10112x128xf32, #tpu.memory_space<vmem_shared>> -> memref<64x128xf32, #tpu.memory_space<vmem_shared>>
      %dma_start3A_72 = arith.constant 0 : i32
      %dma_start3A_73 = arith.constant 0 : i32
      %dma_start3A_74 = tpu.memref_slice %arg8[%run_scoped3A_23, %dma_start3A_72, %dma_start3A_73] : memref<5x64x128xf32, #tpu.memory_space<vmem>> -> memref<1x64x128xf32, #tpu.memory_space<vmem>>
      %dma_start3A_75 = tpu.memref_squeeze %dma_start3A_74 : memref<1x64x128xf32, #tpu.memory_space<vmem>> -> memref<64x128xf32, #tpu.memory_space<vmem>>
      tpu.enqueue_dma source(%dma_start3A_75 : memref<64x128xf32, #tpu.memory_space<vmem>>) target(%dma_start3A_71 : memref<64x128xf32, #tpu.memory_space<vmem_shared>>) target_semaphore(%run_scoped3A_64 : memref<!tpu.dma_semaphore, #tpu.memory_space<semaphore_mem>>)
      %dma_wait3A = arith.constant 0 : i32
      %dma_wait3A_76 = arith.constant 0 : i32
      %dma_wait3A_77 = tpu.memref_slice %arg8[%run_scoped3A_23, %dma_wait3A, %dma_wait3A_76] : memref<5x64x128xf32, #tpu.memory_space<vmem>> -> memref<1x64x128xf32, #tpu.memory_space<vmem>>
      %dma_wait3A_78 = tpu.memref_squeeze %dma_wait3A_77 : memref<1x64x128xf32, #tpu.memory_space<vmem>> -> memref<64x128xf32, #tpu.memory_space<vmem>>
      %dma_wait3A_79 = arith.constant 0 : i32
      %dma_wait3A_80 = tpu.memref_slice %arg9[%multiple_of3A_22, %dma_wait3A_79] : memref<10112x128xf32, #tpu.memory_space<vmem_shared>> -> memref<64x128xf32, #tpu.memory_space<vmem_shared>>
      %dma_wait3A_81 = arith.constant 0 : i32
      %dma_wait3A_82 = tpu.memref_slice %arg9[%multiple_of3A_22, %dma_wait3A_81] : memref<10112x128xf32, #tpu.memory_space<vmem_shared>> -> memref<64x128xf32, #tpu.memory_space<vmem_shared>>
      %dma_wait3A_83 = arith.constant 0 : i32
      %dma_wait3A_84 = arith.constant 0 : i32
      %dma_wait3A_85 = tpu.memref_slice %arg8[%run_scoped3A_23, %dma_wait3A_83, %dma_wait3A_84] : memref<5x64x128xf32, #tpu.memory_space<vmem>> -> memref<1x64x128xf32, #tpu.memory_space<vmem>>
      %dma_wait3A_86 = tpu.memref_squeeze %dma_wait3A_85 : memref<1x64x128xf32, #tpu.memory_space<vmem>> -> memref<64x128xf32, #tpu.memory_space<vmem>>
      tpu.wait_dma2 semaphore(%run_scoped3A_64 : memref<!tpu.dma_semaphore, #tpu.memory_space<semaphore_mem>>) src(%dma_wait3A_86 : memref<64x128xf32, #tpu.memory_space<vmem>>) dst(%dma_wait3A_82 : memref<64x128xf32, #tpu.memory_space<vmem_shared>>)
      tpu.yield
    }) : () -> ()
    %add3A_24 = arith.constant 256 : i32
    %add3A_25 = arith.addi %mul3A_9, %add3A_24 : i32
    %multiple_of3A_26 = tpu.assume_multiple %add3A_25, 8 : i32
    %run_scoped3A_27 = arith.constant 0 : i32
    "tpu.region"() ({
      %run_scoped3A_64 = tpu.sem_alloc : memref<!tpu.dma_semaphore, #tpu.memory_space<semaphore_mem>>
      %dma_start3A = arith.constant 0 : i32
      %dma_start3A_65 = arith.constant 0 : i32
      %dma_start3A_66 = tpu.memref_slice %arg8[%run_scoped3A_27, %dma_start3A, %dma_start3A_65] : memref<5x64x128xf32, #tpu.memory_space<vmem>> -> memref<1x64x128xf32, #tpu.memory_space<vmem>>
      %dma_start3A_67 = tpu.memref_squeeze %dma_start3A_66 : memref<1x64x128xf32, #tpu.memory_space<vmem>> -> memref<64x128xf32, #tpu.memory_space<vmem>>
      %dma_start3A_68 = arith.constant 0 : i32
      %dma_start3A_69 = tpu.memref_slice %arg9[%multiple_of3A_26, %dma_start3A_68] : memref<10112x128xf32, #tpu.memory_space<vmem_shared>> -> memref<64x128xf32, #tpu.memory_space<vmem_shared>>
      %dma_start3A_70 = arith.constant 0 : i32
      %dma_start3A_71 = tpu.memref_slice %arg9[%multiple_of3A_26, %dma_start3A_70] : memref<10112x128xf32, #tpu.memory_space<vmem_shared>> -> memref<64x128xf32, #tpu.memory_space<vmem_shared>>
      %dma_start3A_72 = arith.constant 0 : i32
      %dma_start3A_73 = arith.constant 0 : i32
      %dma_start3A_74 = tpu.memref_slice %arg8[%run_scoped3A_27, %dma_start3A_72, %dma_start3A_73] : memref<5x64x128xf32, #tpu.memory_space<vmem>> -> memref<1x64x128xf32, #tpu.memory_space<vmem>>
      %dma_start3A_75 = tpu.memref_squeeze %dma_start3A_74 : memref<1x64x128xf32, #tpu.memory_space<vmem>> -> memref<64x128xf32, #tpu.memory_space<vmem>>
      tpu.enqueue_dma source(%dma_start3A_75 : memref<64x128xf32, #tpu.memory_space<vmem>>) target(%dma_start3A_71 : memref<64x128xf32, #tpu.memory_space<vmem_shared>>) target_semaphore(%run_scoped3A_64 : memref<!tpu.dma_semaphore, #tpu.memory_space<semaphore_mem>>)
      %dma_wait3A = arith.constant 0 : i32
      %dma_wait3A_76 = arith.constant 0 : i32
      %dma_wait3A_77 = tpu.memref_slice %arg8[%run_scoped3A_27, %dma_wait3A, %dma_wait3A_76] : memref<5x64x128xf32, #tpu.memory_space<vmem>> -> memref<1x64x128xf32, #tpu.memory_space<vmem>>
      %dma_wait3A_78 = tpu.memref_squeeze %dma_wait3A_77 : memref<1x64x128xf32, #tpu.memory_space<vmem>> -> memref<64x128xf32, #tpu.memory_space<vmem>>
      %dma_wait3A_79 = arith.constant 0 : i32
      %dma_wait3A_80 = tpu.memref_slice %arg9[%multiple_of3A_26, %dma_wait3A_79] : memref<10112x128xf32, #tpu.memory_space<vmem_shared>> -> memref<64x128xf32, #tpu.memory_space<vmem_shared>>
      %dma_wait3A_81 = arith.constant 0 : i32
      %dma_wait3A_82 = tpu.memref_slice %arg9[%multiple_of3A_26, %dma_wait3A_81] : memref<10112x128xf32, #tpu.memory_space<vmem_shared>> -> memref<64x128xf32, #tpu.memory_space<vmem_shared>>
      %dma_wait3A_83 = arith.constant 0 : i32
      %dma_wait3A_84 = arith.constant 0 : i32
      %dma_wait3A_85 = tpu.memref_slice %arg8[%run_scoped3A_27, %dma_wait3A_83, %dma_wait3A_84] : memref<5x64x128xf32, #tpu.memory_space<vmem>> -> memref<1x64x128xf32, #tpu.memory_space<vmem>>
      %dma_wait3A_86 = tpu.memref_squeeze %dma_wait3A_85 : memref<1x64x128xf32, #tpu.memory_space<vmem>> -> memref<64x128xf32, #tpu.memory_space<vmem>>
      tpu.wait_dma2 semaphore(%run_scoped3A_64 : memref<!tpu.dma_semaphore, #tpu.memory_space<semaphore_mem>>) src(%dma_wait3A_86 : memref<64x128xf32, #tpu.memory_space<vmem>>) dst(%dma_wait3A_82 : memref<64x128xf32, #tpu.memory_space<vmem_shared>>)
      tpu.yield
    }) : () -> ()
    %add3A_28 = arith.constant 320 : i32
    %add3A_29 = arith.addi %mul3A_9, %add3A_28 : i32
    %multiple_of3A_30 = tpu.assume_multiple %add3A_29, 8 : i32
    %run_scoped3A_31 = arith.constant 0 : i32
    "tpu.region"() ({
      %run_scoped3A_64 = tpu.sem_alloc : memref<!tpu.dma_semaphore, #tpu.memory_space<semaphore_mem>>
      %dma_start3A = arith.constant 0 : i32
      %dma_start3A_65 = arith.constant 0 : i32
      %dma_start3A_66 = tpu.memref_slice %arg8[%run_scoped3A_31, %dma_start3A, %dma_start3A_65] : memref<5x64x128xf32, #tpu.memory_space<vmem>> -> memref<1x64x128xf32, #tpu.memory_space<vmem>>
      %dma_start3A_67 = tpu.memref_squeeze %dma_start3A_66 : memref<1x64x128xf32, #tpu.memory_space<vmem>> -> memref<64x128xf32, #tpu.memory_space<vmem>>
      %dma_start3A_68 = arith.constant 0 : i32
      %dma_start3A_69 = tpu.memref_slice %arg9[%multiple_of3A_30, %dma_start3A_68] : memref<10112x128xf32, #tpu.memory_space<vmem_shared>> -> memref<64x128xf32, #tpu.memory_space<vmem_shared>>
      %dma_start3A_70 = arith.constant 0 : i32
      %dma_start3A_71 = tpu.memref_slice %arg9[%multiple_of3A_30, %dma_start3A_70] : memref<10112x128xf32, #tpu.memory_space<vmem_shared>> -> memref<64x128xf32, #tpu.memory_space<vmem_shared>>
      %dma_start3A_72 = arith.constant 0 : i32
      %dma_start3A_73 = arith.constant 0 : i32
      %dma_start3A_74 = tpu.memref_slice %arg8[%run_scoped3A_31, %dma_start3A_72, %dma_start3A_73] : memref<5x64x128xf32, #tpu.memory_space<vmem>> -> memref<1x64x128xf32, #tpu.memory_space<vmem>>
      %dma_start3A_75 = tpu.memref_squeeze %dma_start3A_74 : memref<1x64x128xf32, #tpu.memory_space<vmem>> -> memref<64x128xf32, #tpu.memory_space<vmem>>
      tpu.enqueue_dma source(%dma_start3A_75 : memref<64x128xf32, #tpu.memory_space<vmem>>) target(%dma_start3A_71 : memref<64x128xf32, #tpu.memory_space<vmem_shared>>) target_semaphore(%run_scoped3A_64 : memref<!tpu.dma_semaphore, #tpu.memory_space<semaphore_mem>>)
      %dma_wait3A = arith.constant 0 : i32
      %dma_wait3A_76 = arith.constant 0 : i32
      %dma_wait3A_77 = tpu.memref_slice %arg8[%run_scoped3A_31, %dma_wait3A, %dma_wait3A_76] : memref<5x64x128xf32, #tpu.memory_space<vmem>> -> memref<1x64x128xf32, #tpu.memory_space<vmem>>
      %dma_wait3A_78 = tpu.memref_squeeze %dma_wait3A_77 : memref<1x64x128xf32, #tpu.memory_space<vmem>> -> memref<64x128xf32, #tpu.memory_space<vmem>>
      %dma_wait3A_79 = arith.constant 0 : i32
      %dma_wait3A_80 = tpu.memref_slice %arg9[%multiple_of3A_30, %dma_wait3A_79] : memref<10112x128xf32, #tpu.memory_space<vmem_shared>> -> memref<64x128xf32, #tpu.memory_space<vmem_shared>>
      %dma_wait3A_81 = arith.constant 0 : i32
      %dma_wait3A_82 = tpu.memref_slice %arg9[%multiple_of3A_30, %dma_wait3A_81] : memref<10112x128xf32, #tpu.memory_space<vmem_shared>> -> memref<64x128xf32, #tpu.memory_space<vmem_shared>>
      %dma_wait3A_83 = arith.constant 0 : i32
      %dma_wait3A_84 = arith.constant 0 : i32
      %dma_wait3A_85 = tpu.memref_slice %arg8[%run_scoped3A_31, %dma_wait3A_83, %dma_wait3A_84] : memref<5x64x128xf32, #tpu.memory_space<vmem>> -> memref<1x64x128xf32, #tpu.memory_space<vmem>>
      %dma_wait3A_86 = tpu.memref_squeeze %dma_wait3A_85 : memref<1x64x128xf32, #tpu.memory_space<vmem>> -> memref<64x128xf32, #tpu.memory_space<vmem>>
      tpu.wait_dma2 semaphore(%run_scoped3A_64 : memref<!tpu.dma_semaphore, #tpu.memory_space<semaphore_mem>>) src(%dma_wait3A_86 : memref<64x128xf32, #tpu.memory_space<vmem>>) dst(%dma_wait3A_82 : memref<64x128xf32, #tpu.memory_space<vmem_shared>>)
      tpu.yield
    }) : () -> ()
    %add3A_32 = arith.constant 384 : i32
    %add3A_33 = arith.addi %mul3A_9, %add3A_32 : i32
    %multiple_of3A_34 = tpu.assume_multiple %add3A_33, 8 : i32
    %run_scoped3A_35 = arith.constant 0 : i32
    "tpu.region"() ({
      %run_scoped3A_64 = tpu.sem_alloc : memref<!tpu.dma_semaphore, #tpu.memory_space<semaphore_mem>>
      %dma_start3A = arith.constant 0 : i32
      %dma_start3A_65 = arith.constant 0 : i32
      %dma_start3A_66 = tpu.memref_slice %arg8[%run_scoped3A_35, %dma_start3A, %dma_start3A_65] : memref<5x64x128xf32, #tpu.memory_space<vmem>> -> memref<1x64x128xf32, #tpu.memory_space<vmem>>
      %dma_start3A_67 = tpu.memref_squeeze %dma_start3A_66 : memref<1x64x128xf32, #tpu.memory_space<vmem>> -> memref<64x128xf32, #tpu.memory_space<vmem>>
      %dma_start3A_68 = arith.constant 0 : i32
      %dma_start3A_69 = tpu.memref_slice %arg9[%multiple_of3A_34, %dma_start3A_68] : memref<10112x128xf32, #tpu.memory_space<vmem_shared>> -> memref<64x128xf32, #tpu.memory_space<vmem_shared>>
      %dma_start3A_70 = arith.constant 0 : i32
      %dma_start3A_71 = tpu.memref_slice %arg9[%multiple_of3A_34, %dma_start3A_70] : memref<10112x128xf32, #tpu.memory_space<vmem_shared>> -> memref<64x128xf32, #tpu.memory_space<vmem_shared>>
      %dma_start3A_72 = arith.constant 0 : i32
      %dma_start3A_73 = arith.constant 0 : i32
      %dma_start3A_74 = tpu.memref_slice %arg8[%run_scoped3A_35, %dma_start3A_72, %dma_start3A_73] : memref<5x64x128xf32, #tpu.memory_space<vmem>> -> memref<1x64x128xf32, #tpu.memory_space<vmem>>
      %dma_start3A_75 = tpu.memref_squeeze %dma_start3A_74 : memref<1x64x128xf32, #tpu.memory_space<vmem>> -> memref<64x128xf32, #tpu.memory_space<vmem>>
      tpu.enqueue_dma source(%dma_start3A_75 : memref<64x128xf32, #tpu.memory_space<vmem>>) target(%dma_start3A_71 : memref<64x128xf32, #tpu.memory_space<vmem_shared>>) target_semaphore(%run_scoped3A_64 : memref<!tpu.dma_semaphore, #tpu.memory_space<semaphore_mem>>)
      %dma_wait3A = arith.constant 0 : i32
      %dma_wait3A_76 = arith.constant 0 : i32
      %dma_wait3A_77 = tpu.memref_slice %arg8[%run_scoped3A_35, %dma_wait3A, %dma_wait3A_76] : memref<5x64x128xf32, #tpu.memory_space<vmem>> -> memref<1x64x128xf32, #tpu.memory_space<vmem>>
      %dma_wait3A_78 = tpu.memref_squeeze %dma_wait3A_77 : memref<1x64x128xf32, #tpu.memory_space<vmem>> -> memref<64x128xf32, #tpu.memory_space<vmem>>
      %dma_wait3A_79 = arith.constant 0 : i32
      %dma_wait3A_80 = tpu.memref_slice %arg9[%multiple_of3A_34, %dma_wait3A_79] : memref<10112x128xf32, #tpu.memory_space<vmem_shared>> -> memref<64x128xf32, #tpu.memory_space<vmem_shared>>
      %dma_wait3A_81 = arith.constant 0 : i32
      %dma_wait3A_82 = tpu.memref_slice %arg9[%multiple_of3A_34, %dma_wait3A_81] : memref<10112x128xf32, #tpu.memory_space<vmem_shared>> -> memref<64x128xf32, #tpu.memory_space<vmem_shared>>
      %dma_wait3A_83 = arith.constant 0 : i32
      %dma_wait3A_84 = arith.constant 0 : i32
      %dma_wait3A_85 = tpu.memref_slice %arg8[%run_scoped3A_35, %dma_wait3A_83, %dma_wait3A_84] : memref<5x64x128xf32, #tpu.memory_space<vmem>> -> memref<1x64x128xf32, #tpu.memory_space<vmem>>
      %dma_wait3A_86 = tpu.memref_squeeze %dma_wait3A_85 : memref<1x64x128xf32, #tpu.memory_space<vmem>> -> memref<64x128xf32, #tpu.memory_space<vmem>>
      tpu.wait_dma2 semaphore(%run_scoped3A_64 : memref<!tpu.dma_semaphore, #tpu.memory_space<semaphore_mem>>) src(%dma_wait3A_86 : memref<64x128xf32, #tpu.memory_space<vmem>>) dst(%dma_wait3A_82 : memref<64x128xf32, #tpu.memory_space<vmem_shared>>)
      tpu.yield
    }) : () -> ()
    %add3A_36 = arith.constant 448 : i32
    %add3A_37 = arith.addi %mul3A_9, %add3A_36 : i32
    %multiple_of3A_38 = tpu.assume_multiple %add3A_37, 8 : i32
    %run_scoped3A_39 = arith.constant 0 : i32
    "tpu.region"() ({
      %run_scoped3A_64 = tpu.sem_alloc : memref<!tpu.dma_semaphore, #tpu.memory_space<semaphore_mem>>
      %dma_start3A = arith.constant 0 : i32
      %dma_start3A_65 = arith.constant 0 : i32
      %dma_start3A_66 = tpu.memref_slice %arg8[%run_scoped3A_39, %dma_start3A, %dma_start3A_65] : memref<5x64x128xf32, #tpu.memory_space<vmem>> -> memref<1x64x128xf32, #tpu.memory_space<vmem>>
      %dma_start3A_67 = tpu.memref_squeeze %dma_start3A_66 : memref<1x64x128xf32, #tpu.memory_space<vmem>> -> memref<64x128xf32, #tpu.memory_space<vmem>>
      %dma_start3A_68 = arith.constant 0 : i32
      %dma_start3A_69 = tpu.memref_slice %arg9[%multiple_of3A_38, %dma_start3A_68] : memref<10112x128xf32, #tpu.memory_space<vmem_shared>> -> memref<64x128xf32, #tpu.memory_space<vmem_shared>>
      %dma_start3A_70 = arith.constant 0 : i32
      %dma_start3A_71 = tpu.memref_slice %arg9[%multiple_of3A_38, %dma_start3A_70] : memref<10112x128xf32, #tpu.memory_space<vmem_shared>> -> memref<64x128xf32, #tpu.memory_space<vmem_shared>>
      %dma_start3A_72 = arith.constant 0 : i32
      %dma_start3A_73 = arith.constant 0 : i32
      %dma_start3A_74 = tpu.memref_slice %arg8[%run_scoped3A_39, %dma_start3A_72, %dma_start3A_73] : memref<5x64x128xf32, #tpu.memory_space<vmem>> -> memref<1x64x128xf32, #tpu.memory_space<vmem>>
      %dma_start3A_75 = tpu.memref_squeeze %dma_start3A_74 : memref<1x64x128xf32, #tpu.memory_space<vmem>> -> memref<64x128xf32, #tpu.memory_space<vmem>>
      tpu.enqueue_dma source(%dma_start3A_75 : memref<64x128xf32, #tpu.memory_space<vmem>>) target(%dma_start3A_71 : memref<64x128xf32, #tpu.memory_space<vmem_shared>>) target_semaphore(%run_scoped3A_64 : memref<!tpu.dma_semaphore, #tpu.memory_space<semaphore_mem>>)
      %dma_wait3A = arith.constant 0 : i32
      %dma_wait3A_76 = arith.constant 0 : i32
      %dma_wait3A_77 = tpu.memref_slice %arg8[%run_scoped3A_39, %dma_wait3A, %dma_wait3A_76] : memref<5x64x128xf32, #tpu.memory_space<vmem>> -> memref<1x64x128xf32, #tpu.memory_space<vmem>>
      %dma_wait3A_78 = tpu.memref_squeeze %dma_wait3A_77 : memref<1x64x128xf32, #tpu.memory_space<vmem>> -> memref<64x128xf32, #tpu.memory_space<vmem>>
      %dma_wait3A_79 = arith.constant 0 : i32
      %dma_wait3A_80 = tpu.memref_slice %arg9[%multiple_of3A_38, %dma_wait3A_79] : memref<10112x128xf32, #tpu.memory_space<vmem_shared>> -> memref<64x128xf32, #tpu.memory_space<vmem_shared>>
      %dma_wait3A_81 = arith.constant 0 : i32
      %dma_wait3A_82 = tpu.memref_slice %arg9[%multiple_of3A_38, %dma_wait3A_81] : memref<10112x128xf32, #tpu.memory_space<vmem_shared>> -> memref<64x128xf32, #tpu.memory_space<vmem_shared>>
      %dma_wait3A_83 = arith.constant 0 : i32
      %dma_wait3A_84 = arith.constant 0 : i32
      %dma_wait3A_85 = tpu.memref_slice %arg8[%run_scoped3A_39, %dma_wait3A_83, %dma_wait3A_84] : memref<5x64x128xf32, #tpu.memory_space<vmem>> -> memref<1x64x128xf32, #tpu.memory_space<vmem>>
      %dma_wait3A_86 = tpu.memref_squeeze %dma_wait3A_85 : memref<1x64x128xf32, #tpu.memory_space<vmem>> -> memref<64x128xf32, #tpu.memory_space<vmem>>
      tpu.wait_dma2 semaphore(%run_scoped3A_64 : memref<!tpu.dma_semaphore, #tpu.memory_space<semaphore_mem>>) src(%dma_wait3A_86 : memref<64x128xf32, #tpu.memory_space<vmem>>) dst(%dma_wait3A_82 : memref<64x128xf32, #tpu.memory_space<vmem_shared>>)
      tpu.yield
    }) : () -> ()
    %add3A_40 = arith.constant 512 : i32
    %add3A_41 = arith.addi %mul3A_9, %add3A_40 : i32
    %multiple_of3A_42 = tpu.assume_multiple %add3A_41, 8 : i32
    %run_scoped3A_43 = arith.constant 0 : i32
    "tpu.region"() ({
      %run_scoped3A_64 = tpu.sem_alloc : memref<!tpu.dma_semaphore, #tpu.memory_space<semaphore_mem>>
      %dma_start3A = arith.constant 0 : i32
      %dma_start3A_65 = arith.constant 0 : i32
      %dma_start3A_66 = tpu.memref_slice %arg8[%run_scoped3A_43, %dma_start3A, %dma_start3A_65] : memref<5x64x128xf32, #tpu.memory_space<vmem>> -> memref<1x64x128xf32, #tpu.memory_space<vmem>>
      %dma_start3A_67 = tpu.memref_squeeze %dma_start3A_66 : memref<1x64x128xf32, #tpu.memory_space<vmem>> -> memref<64x128xf32, #tpu.memory_space<vmem>>
      %dma_start3A_68 = arith.constant 0 : i32
      %dma_start3A_69 = tpu.memref_slice %arg9[%multiple_of3A_42, %dma_start3A_68] : memref<10112x128xf32, #tpu.memory_space<vmem_shared>> -> memref<64x128xf32, #tpu.memory_space<vmem_shared>>
      %dma_start3A_70 = arith.constant 0 : i32
      %dma_start3A_71 = tpu.memref_slice %arg9[%multiple_of3A_42, %dma_start3A_70] : memref<10112x128xf32, #tpu.memory_space<vmem_shared>> -> memref<64x128xf32, #tpu.memory_space<vmem_shared>>
      %dma_start3A_72 = arith.constant 0 : i32
      %dma_start3A_73 = arith.constant 0 : i32
      %dma_start3A_74 = tpu.memref_slice %arg8[%run_scoped3A_43, %dma_start3A_72, %dma_start3A_73] : memref<5x64x128xf32, #tpu.memory_space<vmem>> -> memref<1x64x128xf32, #tpu.memory_space<vmem>>
      %dma_start3A_75 = tpu.memref_squeeze %dma_start3A_74 : memref<1x64x128xf32, #tpu.memory_space<vmem>> -> memref<64x128xf32, #tpu.memory_space<vmem>>
      tpu.enqueue_dma source(%dma_start3A_75 : memref<64x128xf32, #tpu.memory_space<vmem>>) target(%dma_start3A_71 : memref<64x128xf32, #tpu.memory_space<vmem_shared>>) target_semaphore(%run_scoped3A_64 : memref<!tpu.dma_semaphore, #tpu.memory_space<semaphore_mem>>)
      %dma_wait3A = arith.constant 0 : i32
      %dma_wait3A_76 = arith.constant 0 : i32
      %dma_wait3A_77 = tpu.memref_slice %arg8[%run_scoped3A_43, %dma_wait3A, %dma_wait3A_76] : memref<5x64x128xf32, #tpu.memory_space<vmem>> -> memref<1x64x128xf32, #tpu.memory_space<vmem>>
      %dma_wait3A_78 = tpu.memref_squeeze %dma_wait3A_77 : memref<1x64x128xf32, #tpu.memory_space<vmem>> -> memref<64x128xf32, #tpu.memory_space<vmem>>
      %dma_wait3A_79 = arith.constant 0 : i32
      %dma_wait3A_80 = tpu.memref_slice %arg9[%multiple_of3A_42, %dma_wait3A_79] : memref<10112x128xf32, #tpu.memory_space<vmem_shared>> -> memref<64x128xf32, #tpu.memory_space<vmem_shared>>
      %dma_wait3A_81 = arith.constant 0 : i32
      %dma_wait3A_82 = tpu.memref_slice %arg9[%multiple_of3A_42, %dma_wait3A_81] : memref<10112x128xf32, #tpu.memory_space<vmem_shared>> -> memref<64x128xf32, #tpu.memory_space<vmem_shared>>
      %dma_wait3A_83 = arith.constant 0 : i32
      %dma_wait3A_84 = arith.constant 0 : i32
      %dma_wait3A_85 = tpu.memref_slice %arg8[%run_scoped3A_43, %dma_wait3A_83, %dma_wait3A_84] : memref<5x64x128xf32, #tpu.memory_space<vmem>> -> memref<1x64x128xf32, #tpu.memory_space<vmem>>
      %dma_wait3A_86 = tpu.memref_squeeze %dma_wait3A_85 : memref<1x64x128xf32, #tpu.memory_space<vmem>> -> memref<64x128xf32, #tpu.memory_space<vmem>>
      tpu.wait_dma2 semaphore(%run_scoped3A_64 : memref<!tpu.dma_semaphore, #tpu.memory_space<semaphore_mem>>) src(%dma_wait3A_86 : memref<64x128xf32, #tpu.memory_space<vmem>>) dst(%dma_wait3A_82 : memref<64x128xf32, #tpu.memory_space<vmem_shared>>)
      tpu.yield
    }) : () -> ()
    %add3A_44 = arith.constant 576 : i32
    %add3A_45 = arith.addi %mul3A_9, %add3A_44 : i32
    %multiple_of3A_46 = tpu.assume_multiple %add3A_45, 8 : i32
    %run_scoped3A_47 = arith.constant 0 : i32
    "tpu.region"() ({
      %run_scoped3A_64 = tpu.sem_alloc : memref<!tpu.dma_semaphore, #tpu.memory_space<semaphore_mem>>
      %dma_start3A = arith.constant 0 : i32
      %dma_start3A_65 = arith.constant 0 : i32
      %dma_start3A_66 = tpu.memref_slice %arg8[%run_scoped3A_47, %dma_start3A, %dma_start3A_65] : memref<5x64x128xf32, #tpu.memory_space<vmem>> -> memref<1x64x128xf32, #tpu.memory_space<vmem>>
      %dma_start3A_67 = tpu.memref_squeeze %dma_start3A_66 : memref<1x64x128xf32, #tpu.memory_space<vmem>> -> memref<64x128xf32, #tpu.memory_space<vmem>>
      %dma_start3A_68 = arith.constant 0 : i32
      %dma_start3A_69 = arith.constant 0 : i32
      %dma_start3A_70 = tpu.memref_slice %dma_start3A_67[%dma_start3A_68, %dma_start3A_69] : memref<64x128xf32, #tpu.memory_space<vmem>> -> memref<56x128xf32, #tpu.memory_space<vmem>>
      %dma_start3A_71 = arith.constant 0 : i32
      %dma_start3A_72 = tpu.memref_slice %arg9[%multiple_of3A_46, %dma_start3A_71] : memref<10112x128xf32, #tpu.memory_space<vmem_shared>> -> memref<56x128xf32, #tpu.memory_space<vmem_shared>>
      %dma_start3A_73 = arith.constant 0 : i32
      %dma_start3A_74 = tpu.memref_slice %arg9[%multiple_of3A_46, %dma_start3A_73] : memref<10112x128xf32, #tpu.memory_space<vmem_shared>> -> memref<56x128xf32, #tpu.memory_space<vmem_shared>>
      %dma_start3A_75 = arith.constant 0 : i32
      %dma_start3A_76 = arith.constant 0 : i32
      %dma_start3A_77 = tpu.memref_slice %arg8[%run_scoped3A_47, %dma_start3A_75, %dma_start3A_76] : memref<5x64x128xf32, #tpu.memory_space<vmem>> -> memref<1x64x128xf32, #tpu.memory_space<vmem>>
      %dma_start3A_78 = tpu.memref_squeeze %dma_start3A_77 : memref<1x64x128xf32, #tpu.memory_space<vmem>> -> memref<64x128xf32, #tpu.memory_space<vmem>>
      %dma_start3A_79 = arith.constant 0 : i32
      %dma_start3A_80 = arith.constant 0 : i32
      %dma_start3A_81 = tpu.memref_slice %dma_start3A_78[%dma_start3A_79, %dma_start3A_80] : memref<64x128xf32, #tpu.memory_space<vmem>> -> memref<56x128xf32, #tpu.memory_space<vmem>>
      tpu.enqueue_dma source(%dma_start3A_81 : memref<56x128xf32, #tpu.memory_space<vmem>>) target(%dma_start3A_74 : memref<56x128xf32, #tpu.memory_space<vmem_shared>>) target_semaphore(%run_scoped3A_64 : memref<!tpu.dma_semaphore, #tpu.memory_space<semaphore_mem>>)
      %dma_wait3A = arith.constant 0 : i32
      %dma_wait3A_82 = arith.constant 0 : i32
      %dma_wait3A_83 = tpu.memref_slice %arg8[%run_scoped3A_47, %dma_wait3A, %dma_wait3A_82] : memref<5x64x128xf32, #tpu.memory_space<vmem>> -> memref<1x64x128xf32, #tpu.memory_space<vmem>>
      %dma_wait3A_84 = tpu.memref_squeeze %dma_wait3A_83 : memref<1x64x128xf32, #tpu.memory_space<vmem>> -> memref<64x128xf32, #tpu.memory_space<vmem>>
      %dma_wait3A_85 = arith.constant 0 : i32
      %dma_wait3A_86 = arith.constant 0 : i32
      %dma_wait3A_87 = tpu.memref_slice %dma_wait3A_84[%dma_wait3A_85, %dma_wait3A_86] : memref<64x128xf32, #tpu.memory_space<vmem>> -> memref<56x128xf32, #tpu.memory_space<vmem>>
      %dma_wait3A_88 = arith.constant 0 : i32
      %dma_wait3A_89 = tpu.memref_slice %arg9[%multiple_of3A_46, %dma_wait3A_88] : memref<10112x128xf32, #tpu.memory_space<vmem_shared>> -> memref<56x128xf32, #tpu.memory_space<vmem_shared>>
      %dma_wait3A_90 = arith.constant 0 : i32
      %dma_wait3A_91 = tpu.memref_slice %arg9[%multiple_of3A_46, %dma_wait3A_90] : memref<10112x128xf32, #tpu.memory_space<vmem_shared>> -> memref<56x128xf32, #tpu.memory_space<vmem_shared>>
      %dma_wait3A_92 = arith.constant 0 : i32
      %dma_wait3A_93 = arith.constant 0 : i32
      %dma_wait3A_94 = tpu.memref_slice %arg8[%run_scoped3A_47, %dma_wait3A_92, %dma_wait3A_93] : memref<5x64x128xf32, #tpu.memory_space<vmem>> -> memref<1x64x128xf32, #tpu.memory_space<vmem>>
      %dma_wait3A_95 = tpu.memref_squeeze %dma_wait3A_94 : memref<1x64x128xf32, #tpu.memory_space<vmem>> -> memref<64x128xf32, #tpu.memory_space<vmem>>
      %dma_wait3A_96 = arith.constant 0 : i32
      %dma_wait3A_97 = arith.constant 0 : i32
      %dma_wait3A_98 = tpu.memref_slice %dma_wait3A_95[%dma_wait3A_96, %dma_wait3A_97] : memref<64x128xf32, #tpu.memory_space<vmem>> -> memref<56x128xf32, #tpu.memory_space<vmem>>
      tpu.wait_dma2 semaphore(%run_scoped3A_64 : memref<!tpu.dma_semaphore, #tpu.memory_space<semaphore_mem>>) src(%dma_wait3A_98 : memref<56x128xf32, #tpu.memory_space<vmem>>) dst(%dma_wait3A_91 : memref<56x128xf32, #tpu.memory_space<vmem_shared>>)
      tpu.yield
    }) : () -> ()
    %barrier3A = arith.constant 0 : index
    tpu.barrier barrier_id(%barrier3A)
    %scan3A_48 = arith.constant 0 : i32
    %scan3A_49 = arith.constant 0 : i32
    %scan3A_50 = arith.constant 10 : i32
    %scan3A_51 = arith.addi %scan3A_49, %scan3A_50 : i32
    %scan3A_52 = arith.constant 1 : i32
    scf.for %scan3A_64 = %scan3A_49 to %scan3A_51 step %scan3A_52  : i32 {
      %mul3A_65 = arith.constant 160 : i32
      %mul3A_66 = arith.muli %add3A, %mul3A_65 : i32
      %mul3A_67 = arith.constant 16 : i32
      %mul3A_68 = arith.muli %scan3A_64, %mul3A_67 : i32
      %add3A_69 = arith.addi %mul3A_66, %mul3A_68 : i32
      %multiple_of3A_70 = tpu.assume_multiple %add3A_69, 8 : i32
      "tpu.region"() ({
        %run_scoped3A_485 = tpu.sem_alloc : memref<!tpu.dma_semaphore, #tpu.memory_space<semaphore_mem>>
        %dma_start3A_486 = arith.constant 0 : i32
        %dma_start3A_487 = tpu.memref_slice %arg3[%multiple_of3A_70, %dma_start3A_486] : memref<5120x64xi32, #tpu.memory_space<hbm>> -> memref<16x64xi32, #tpu.memory_space<hbm>>
        %dma_start3A_488 = arith.constant 0 : i32
        %dma_start3A_489 = tpu.memref_slice %arg3[%multiple_of3A_70, %dma_start3A_488] : memref<5120x64xi32, #tpu.memory_space<hbm>> -> memref<16x64xi32, #tpu.memory_space<hbm>>
        tpu.enqueue_dma source(%dma_start3A_489 : memref<16x64xi32, #tpu.memory_space<hbm>>) target(%arg6 : memref<16x64xi32, #tpu.memory_space<vmem>>) target_semaphore(%run_scoped3A_485 : memref<!tpu.dma_semaphore, #tpu.memory_space<semaphore_mem>>)
        %dma_wait3A_490 = arith.constant 0 : i32
        %dma_wait3A_491 = tpu.memref_slice %arg3[%multiple_of3A_70, %dma_wait3A_490] : memref<5120x64xi32, #tpu.memory_space<hbm>> -> memref<16x64xi32, #tpu.memory_space<hbm>>
        %dma_wait3A_492 = arith.constant 0 : i32
        %dma_wait3A_493 = tpu.memref_slice %arg3[%multiple_of3A_70, %dma_wait3A_492] : memref<5120x64xi32, #tpu.memory_space<hbm>> -> memref<16x64xi32, #tpu.memory_space<hbm>>
        tpu.wait_dma2 semaphore(%run_scoped3A_485 : memref<!tpu.dma_semaphore, #tpu.memory_space<semaphore_mem>>) src(%dma_wait3A_493 : memref<16x64xi32, #tpu.memory_space<hbm>>) dst(%arg6 : memref<16x64xi32, #tpu.memory_space<vmem>>)
        tpu.yield
      }) : () -> ()
      "tpu.region"() ({
        %run_scoped3A_485 = tpu.sem_alloc : memref<!tpu.dma_semaphore, #tpu.memory_space<semaphore_mem>>
        %dma_start3A_486 = arith.constant 0 : i32
        %dma_start3A_487 = tpu.memref_slice %arg4[%multiple_of3A_70, %dma_start3A_486] : memref<5120x64xi32, #tpu.memory_space<hbm>> -> memref<16x64xi32, #tpu.memory_space<hbm>>
        %dma_start3A_488 = arith.constant 0 : i32
        %dma_start3A_489 = tpu.memref_slice %arg4[%multiple_of3A_70, %dma_start3A_488] : memref<5120x64xi32, #tpu.memory_space<hbm>> -> memref<16x64xi32, #tpu.memory_space<hbm>>
        tpu.enqueue_dma source(%dma_start3A_489 : memref<16x64xi32, #tpu.memory_space<hbm>>) target(%arg7 : memref<16x64xi32, #tpu.memory_space<vmem>>) target_semaphore(%run_scoped3A_485 : memref<!tpu.dma_semaphore, #tpu.memory_space<semaphore_mem>>)
        %dma_wait3A_490 = arith.constant 0 : i32
        %dma_wait3A_491 = tpu.memref_slice %arg4[%multiple_of3A_70, %dma_wait3A_490] : memref<5120x64xi32, #tpu.memory_space<hbm>> -> memref<16x64xi32, #tpu.memory_space<hbm>>
        %dma_wait3A_492 = arith.constant 0 : i32
        %dma_wait3A_493 = tpu.memref_slice %arg4[%multiple_of3A_70, %dma_wait3A_492] : memref<5120x64xi32, #tpu.memory_space<hbm>> -> memref<16x64xi32, #tpu.memory_space<hbm>>
        tpu.wait_dma2 semaphore(%run_scoped3A_485 : memref<!tpu.dma_semaphore, #tpu.memory_space<semaphore_mem>>) src(%dma_wait3A_493 : memref<16x64xi32, #tpu.memory_space<hbm>>) dst(%arg7 : memref<16x64xi32, #tpu.memory_space<vmem>>)
        tpu.yield
      }) : () -> ()
      %dma_start3A = arith.constant 0 : i32
      %dma_start3A_71 = arith.constant 0 : i32
      %dma_start3A_72 = arith.constant 0 : i32
      %dma_start3A_73 = arith.constant 0 : i32
      %dma_start3A_74 = tpu.memref_slice %arg8[%dma_start3A_71, %dma_start3A_72, %dma_start3A_73] : memref<5x64x128xf32, #tpu.memory_space<vmem>> -> memref<1x64x128xf32, #tpu.memory_space<vmem>>
      %dma_start3A_75 = tpu.memref_squeeze %dma_start3A_74 : memref<1x64x128xf32, #tpu.memory_space<vmem>> -> memref<64x128xf32, #tpu.memory_space<vmem>>
      %dma_start3A_76 = arith.constant 0 : i32
      %dma_start3A_77 = tpu.memref_slice %arg6[%dma_start3A, %dma_start3A_76] : memref<16x64xi32, #tpu.memory_space<vmem>> -> memref<1x64xi32, #tpu.memory_space<vmem>>
      %dma_start3A_78 = tpu.memref_squeeze %dma_start3A_77 : memref<1x64xi32, #tpu.memory_space<vmem>> -> memref<64xi32, #tpu.memory_space<vmem>>
      %dma_start3A_79 = arith.constant 0 : i32
      %dma_start3A_80 = arith.constant 0 : i32
      %dma_start3A_81 = tpu.memref_slice %arg2[%dma_start3A_79, %dma_start3A_80] : memref<10112x128xf32, #tpu.memory_space<hbm>> -> memref<10112x128xf32, #tpu.memory_space<hbm>>
      tpu.enqueue_indirect_dma source(%dma_start3A_81 : memref<10112x128xf32, #tpu.memory_space<hbm>>) target(%dma_start3A_75 : memref<64x128xf32, #tpu.memory_space<vmem>>) offsets(%dma_start3A_78 : memref<64xi32, #tpu.memory_space<vmem>>) semaphore(%arg10 : memref<!tpu.dma_semaphore, #tpu.memory_space<semaphore_mem>>)
      %dma_start3A_82 = arith.constant 1 : i32
      %dma_start3A_83 = arith.constant 1 : i32
      %dma_start3A_84 = arith.constant 0 : i32
      %dma_start3A_85 = arith.constant 0 : i32
      %dma_start3A_86 = tpu.memref_slice %arg8[%dma_start3A_83, %dma_start3A_84, %dma_start3A_85] : memref<5x64x128xf32, #tpu.memory_space<vmem>> -> memref<1x64x128xf32, #tpu.memory_space<vmem>>
      %dma_start3A_87 = tpu.memref_squeeze %dma_start3A_86 : memref<1x64x128xf32, #tpu.memory_space<vmem>> -> memref<64x128xf32, #tpu.memory_space<vmem>>
      %dma_start3A_88 = arith.constant 0 : i32
      %dma_start3A_89 = tpu.memref_slice %arg6[%dma_start3A_82, %dma_start3A_88] : memref<16x64xi32, #tpu.memory_space<vmem>> -> memref<1x64xi32, #tpu.memory_space<vmem>>
      %dma_start3A_90 = tpu.memref_squeeze %dma_start3A_89 : memref<1x64xi32, #tpu.memory_space<vmem>> -> memref<64xi32, #tpu.memory_space<vmem>>
      %dma_start3A_91 = arith.constant 0 : i32
      %dma_start3A_92 = arith.constant 0 : i32
      %dma_start3A_93 = tpu.memref_slice %arg2[%dma_start3A_91, %dma_start3A_92] : memref<10112x128xf32, #tpu.memory_space<hbm>> -> memref<10112x128xf32, #tpu.memory_space<hbm>>
      tpu.enqueue_indirect_dma source(%dma_start3A_93 : memref<10112x128xf32, #tpu.memory_space<hbm>>) target(%dma_start3A_87 : memref<64x128xf32, #tpu.memory_space<vmem>>) offsets(%dma_start3A_90 : memref<64xi32, #tpu.memory_space<vmem>>) semaphore(%arg10 : memref<!tpu.dma_semaphore, #tpu.memory_space<semaphore_mem>>)
      %dma_start3A_94 = arith.constant 2 : i32
      %dma_start3A_95 = arith.constant 2 : i32
      %dma_start3A_96 = arith.constant 0 : i32
      %dma_start3A_97 = arith.constant 0 : i32
      %dma_start3A_98 = tpu.memref_slice %arg8[%dma_start3A_95, %dma_start3A_96, %dma_start3A_97] : memref<5x64x128xf32, #tpu.memory_space<vmem>> -> memref<1x64x128xf32, #tpu.memory_space<vmem>>
      %dma_start3A_99 = tpu.memref_squeeze %dma_start3A_98 : memref<1x64x128xf32, #tpu.memory_space<vmem>> -> memref<64x128xf32, #tpu.memory_space<vmem>>
      %dma_start3A_100 = arith.constant 0 : i32
      %dma_start3A_101 = tpu.memref_slice %arg6[%dma_start3A_94, %dma_start3A_100] : memref<16x64xi32, #tpu.memory_space<vmem>> -> memref<1x64xi32, #tpu.memory_space<vmem>>
      %dma_start3A_102 = tpu.memref_squeeze %dma_start3A_101 : memref<1x64xi32, #tpu.memory_space<vmem>> -> memref<64xi32, #tpu.memory_space<vmem>>
      %dma_start3A_103 = arith.constant 0 : i32
      %dma_start3A_104 = arith.constant 0 : i32
      %dma_start3A_105 = tpu.memref_slice %arg2[%dma_start3A_103, %dma_start3A_104] : memref<10112x128xf32, #tpu.memory_space<hbm>> -> memref<10112x128xf32, #tpu.memory_space<hbm>>
      tpu.enqueue_indirect_dma source(%dma_start3A_105 : memref<10112x128xf32, #tpu.memory_space<hbm>>) target(%dma_start3A_99 : memref<64x128xf32, #tpu.memory_space<vmem>>) offsets(%dma_start3A_102 : memref<64xi32, #tpu.memory_space<vmem>>) semaphore(%arg10 : memref<!tpu.dma_semaphore, #tpu.memory_space<semaphore_mem>>)
      %dma_start3A_106 = arith.constant 3 : i32
      %dma_start3A_107 = arith.constant 3 : i32
      %dma_start3A_108 = arith.constant 0 : i32
      %dma_start3A_109 = arith.constant 0 : i32
      %dma_start3A_110 = tpu.memref_slice %arg8[%dma_start3A_107, %dma_start3A_108, %dma_start3A_109] : memref<5x64x128xf32, #tpu.memory_space<vmem>> -> memref<1x64x128xf32, #tpu.memory_space<vmem>>
      %dma_start3A_111 = tpu.memref_squeeze %dma_start3A_110 : memref<1x64x128xf32, #tpu.memory_space<vmem>> -> memref<64x128xf32, #tpu.memory_space<vmem>>
      %dma_start3A_112 = arith.constant 0 : i32
      %dma_start3A_113 = tpu.memref_slice %arg6[%dma_start3A_106, %dma_start3A_112] : memref<16x64xi32, #tpu.memory_space<vmem>> -> memref<1x64xi32, #tpu.memory_space<vmem>>
      %dma_start3A_114 = tpu.memref_squeeze %dma_start3A_113 : memref<1x64xi32, #tpu.memory_space<vmem>> -> memref<64xi32, #tpu.memory_space<vmem>>
      %dma_start3A_115 = arith.constant 0 : i32
      %dma_start3A_116 = arith.constant 0 : i32
      %dma_start3A_117 = tpu.memref_slice %arg2[%dma_start3A_115, %dma_start3A_116] : memref<10112x128xf32, #tpu.memory_space<hbm>> -> memref<10112x128xf32, #tpu.memory_space<hbm>>
      tpu.enqueue_indirect_dma source(%dma_start3A_117 : memref<10112x128xf32, #tpu.memory_space<hbm>>) target(%dma_start3A_111 : memref<64x128xf32, #tpu.memory_space<vmem>>) offsets(%dma_start3A_114 : memref<64xi32, #tpu.memory_space<vmem>>) semaphore(%arg10 : memref<!tpu.dma_semaphore, #tpu.memory_space<semaphore_mem>>)
      %dma_start3A_118 = arith.constant 4 : i32
      %dma_start3A_119 = arith.constant 4 : i32
      %dma_start3A_120 = arith.constant 0 : i32
      %dma_start3A_121 = arith.constant 0 : i32
      %dma_start3A_122 = tpu.memref_slice %arg8[%dma_start3A_119, %dma_start3A_120, %dma_start3A_121] : memref<5x64x128xf32, #tpu.memory_space<vmem>> -> memref<1x64x128xf32, #tpu.memory_space<vmem>>
      %dma_start3A_123 = tpu.memref_squeeze %dma_start3A_122 : memref<1x64x128xf32, #tpu.memory_space<vmem>> -> memref<64x128xf32, #tpu.memory_space<vmem>>
      %dma_start3A_124 = arith.constant 0 : i32
      %dma_start3A_125 = tpu.memref_slice %arg6[%dma_start3A_118, %dma_start3A_124] : memref<16x64xi32, #tpu.memory_space<vmem>> -> memref<1x64xi32, #tpu.memory_space<vmem>>
      %dma_start3A_126 = tpu.memref_squeeze %dma_start3A_125 : memref<1x64xi32, #tpu.memory_space<vmem>> -> memref<64xi32, #tpu.memory_space<vmem>>
      %dma_start3A_127 = arith.constant 0 : i32
      %dma_start3A_128 = arith.constant 0 : i32
      %dma_start3A_129 = tpu.memref_slice %arg2[%dma_start3A_127, %dma_start3A_128] : memref<10112x128xf32, #tpu.memory_space<hbm>> -> memref<10112x128xf32, #tpu.memory_space<hbm>>
      tpu.enqueue_indirect_dma source(%dma_start3A_129 : memref<10112x128xf32, #tpu.memory_space<hbm>>) target(%dma_start3A_123 : memref<64x128xf32, #tpu.memory_space<vmem>>) offsets(%dma_start3A_126 : memref<64xi32, #tpu.memory_space<vmem>>) semaphore(%arg10 : memref<!tpu.dma_semaphore, #tpu.memory_space<semaphore_mem>>)
      %dma_wait3A = arith.constant 0 : i32
      %dma_wait3A_130 = arith.constant 0 : i32
      %dma_wait3A_131 = arith.constant 0 : i32
      %dma_wait3A_132 = arith.constant 0 : i32
      %dma_wait3A_133 = tpu.memref_slice %arg8[%dma_wait3A_130, %dma_wait3A_131, %dma_wait3A_132] : memref<5x64x128xf32, #tpu.memory_space<vmem>> -> memref<1x64x128xf32, #tpu.memory_space<vmem>>
      %dma_wait3A_134 = tpu.memref_squeeze %dma_wait3A_133 : memref<1x64x128xf32, #tpu.memory_space<vmem>> -> memref<64x128xf32, #tpu.memory_space<vmem>>
      %dma_wait3A_135 = arith.constant 0 : i32
      %dma_wait3A_136 = tpu.memref_slice %arg6[%dma_wait3A, %dma_wait3A_135] : memref<16x64xi32, #tpu.memory_space<vmem>> -> memref<1x64xi32, #tpu.memory_space<vmem>>
      %dma_wait3A_137 = tpu.memref_squeeze %dma_wait3A_136 : memref<1x64xi32, #tpu.memory_space<vmem>> -> memref<64xi32, #tpu.memory_space<vmem>>
      %dma_wait3A_138 = arith.constant 0 : i32
      %dma_wait3A_139 = arith.constant 0 : i32
      %dma_wait3A_140 = tpu.memref_slice %arg2[%dma_wait3A_138, %dma_wait3A_139] : memref<10112x128xf32, #tpu.memory_space<hbm>> -> memref<10112x128xf32, #tpu.memory_space<hbm>>
      tpu.wait_indirect_dma semaphore(%arg10 : memref<!tpu.dma_semaphore, #tpu.memory_space<semaphore_mem>>) src(%dma_wait3A_140 : memref<10112x128xf32, #tpu.memory_space<hbm>>) dst(%dma_wait3A_134 : memref<64x128xf32, #tpu.memory_space<vmem>>)
      %dma_start3A_141 = arith.constant 5 : i32
      %dma_start3A_142 = arith.constant 0 : i32
      %dma_start3A_143 = arith.constant 0 : i32
      %dma_start3A_144 = arith.constant 0 : i32
      %dma_start3A_145 = tpu.memref_slice %arg8[%dma_start3A_142, %dma_start3A_143, %dma_start3A_144] : memref<5x64x128xf32, #tpu.memory_space<vmem>> -> memref<1x64x128xf32, #tpu.memory_space<vmem>>
      %dma_start3A_146 = tpu.memref_squeeze %dma_start3A_145 : memref<1x64x128xf32, #tpu.memory_space<vmem>> -> memref<64x128xf32, #tpu.memory_space<vmem>>
      %dma_start3A_147 = arith.constant 0 : i32
      %dma_start3A_148 = tpu.memref_slice %arg6[%dma_start3A_141, %dma_start3A_147] : memref<16x64xi32, #tpu.memory_space<vmem>> -> memref<1x64xi32, #tpu.memory_space<vmem>>
      %dma_start3A_149 = tpu.memref_squeeze %dma_start3A_148 : memref<1x64xi32, #tpu.memory_space<vmem>> -> memref<64xi32, #tpu.memory_space<vmem>>
      %dma_start3A_150 = arith.constant 0 : i32
      %dma_start3A_151 = arith.constant 0 : i32
      %dma_start3A_152 = tpu.memref_slice %arg2[%dma_start3A_150, %dma_start3A_151] : memref<10112x128xf32, #tpu.memory_space<hbm>> -> memref<10112x128xf32, #tpu.memory_space<hbm>>
      tpu.enqueue_indirect_dma source(%dma_start3A_152 : memref<10112x128xf32, #tpu.memory_space<hbm>>) target(%dma_start3A_146 : memref<64x128xf32, #tpu.memory_space<vmem>>) offsets(%dma_start3A_149 : memref<64xi32, #tpu.memory_space<vmem>>) semaphore(%arg10 : memref<!tpu.dma_semaphore, #tpu.memory_space<semaphore_mem>>)
      %run_scoped3A_153 = arith.constant 0 : i32
      %run_scoped3A_154 = arith.constant 0 : i32
      "tpu.region"() ({
        %run_scoped3A_485 = tpu.sem_alloc : memref<!tpu.dma_semaphore, #tpu.memory_space<semaphore_mem>>
        %dma_start3A_486 = arith.constant 0 : i32
        %dma_start3A_487 = arith.constant 0 : i32
        %dma_start3A_488 = tpu.memref_slice %arg8[%run_scoped3A_153, %dma_start3A_486, %dma_start3A_487] : memref<5x64x128xf32, #tpu.memory_space<vmem>> -> memref<1x64x128xf32, #tpu.memory_space<vmem>>
        %dma_start3A_489 = tpu.memref_squeeze %dma_start3A_488 : memref<1x64x128xf32, #tpu.memory_space<vmem>> -> memref<64x128xf32, #tpu.memory_space<vmem>>
        %dma_start3A_490 = arith.constant 0 : i32
        %dma_start3A_491 = tpu.memref_slice %arg7[%run_scoped3A_154, %dma_start3A_490] : memref<16x64xi32, #tpu.memory_space<vmem>> -> memref<1x64xi32, #tpu.memory_space<vmem>>
        %dma_start3A_492 = tpu.memref_squeeze %dma_start3A_491 : memref<1x64xi32, #tpu.memory_space<vmem>> -> memref<64xi32, #tpu.memory_space<vmem>>
        %dma_start3A_493 = arith.constant 0 : i32
        %dma_start3A_494 = arith.constant 0 : i32
        %dma_start3A_495 = tpu.memref_slice %arg9[%dma_start3A_493, %dma_start3A_494] : memref<10112x128xf32, #tpu.memory_space<vmem_shared>> -> memref<10112x128xf32, #tpu.memory_space<vmem_shared>>
        tpu.enqueue_indirect_dma source(%dma_start3A_489 : memref<64x128xf32, #tpu.memory_space<vmem>>) target(%dma_start3A_495 : memref<10112x128xf32, #tpu.memory_space<vmem_shared>>) offsets(%dma_start3A_492 : memref<64xi32, #tpu.memory_space<vmem>>) semaphore(%run_scoped3A_485 : memref<!tpu.dma_semaphore, #tpu.memory_space<semaphore_mem>>) {add = true}
        %dma_wait3A_496 = arith.constant 0 : i32
        %dma_wait3A_497 = arith.constant 0 : i32
        %dma_wait3A_498 = tpu.memref_slice %arg8[%run_scoped3A_153, %dma_wait3A_496, %dma_wait3A_497] : memref<5x64x128xf32, #tpu.memory_space<vmem>> -> memref<1x64x128xf32, #tpu.memory_space<vmem>>
        %dma_wait3A_499 = tpu.memref_squeeze %dma_wait3A_498 : memref<1x64x128xf32, #tpu.memory_space<vmem>> -> memref<64x128xf32, #tpu.memory_space<vmem>>
        %dma_wait3A_500 = arith.constant 0 : i32
        %dma_wait3A_501 = tpu.memref_slice %arg7[%run_scoped3A_154, %dma_wait3A_500] : memref<16x64xi32, #tpu.memory_space<vmem>> -> memref<1x64xi32, #tpu.memory_space<vmem>>
        %dma_wait3A_502 = tpu.memref_squeeze %dma_wait3A_501 : memref<1x64xi32, #tpu.memory_space<vmem>> -> memref<64xi32, #tpu.memory_space<vmem>>
        %dma_wait3A_503 = arith.constant 0 : i32
        %dma_wait3A_504 = arith.constant 0 : i32
        %dma_wait3A_505 = tpu.memref_slice %arg9[%dma_wait3A_503, %dma_wait3A_504] : memref<10112x128xf32, #tpu.memory_space<vmem_shared>> -> memref<10112x128xf32, #tpu.memory_space<vmem_shared>>
        tpu.wait_indirect_dma semaphore(%run_scoped3A_485 : memref<!tpu.dma_semaphore, #tpu.memory_space<semaphore_mem>>) src(%dma_wait3A_499 : memref<64x128xf32, #tpu.memory_space<vmem>>) dst(%dma_wait3A_505 : memref<10112x128xf32, #tpu.memory_space<vmem_shared>>)
        tpu.yield
      }) : () -> ()
      %dma_wait3A_155 = arith.constant 1 : i32
      %dma_wait3A_156 = arith.constant 1 : i32
      %dma_wait3A_157 = arith.constant 0 : i32
      %dma_wait3A_158 = arith.constant 0 : i32
      %dma_wait3A_159 = tpu.memref_slice %arg8[%dma_wait3A_156, %dma_wait3A_157, %dma_wait3A_158] : memref<5x64x128xf32, #tpu.memory_space<vmem>> -> memref<1x64x128xf32, #tpu.memory_space<vmem>>
      %dma_wait3A_160 = tpu.memref_squeeze %dma_wait3A_159 : memref<1x64x128xf32, #tpu.memory_space<vmem>> -> memref<64x128xf32, #tpu.memory_space<vmem>>
      %dma_wait3A_161 = arith.constant 0 : i32
      %dma_wait3A_162 = tpu.memref_slice %arg6[%dma_wait3A_155, %dma_wait3A_161] : memref<16x64xi32, #tpu.memory_space<vmem>> -> memref<1x64xi32, #tpu.memory_space<vmem>>
      %dma_wait3A_163 = tpu.memref_squeeze %dma_wait3A_162 : memref<1x64xi32, #tpu.memory_space<vmem>> -> memref<64xi32, #tpu.memory_space<vmem>>
      %dma_wait3A_164 = arith.constant 0 : i32
      %dma_wait3A_165 = arith.constant 0 : i32
      %dma_wait3A_166 = tpu.memref_slice %arg2[%dma_wait3A_164, %dma_wait3A_165] : memref<10112x128xf32, #tpu.memory_space<hbm>> -> memref<10112x128xf32, #tpu.memory_space<hbm>>
      tpu.wait_indirect_dma semaphore(%arg10 : memref<!tpu.dma_semaphore, #tpu.memory_space<semaphore_mem>>) src(%dma_wait3A_166 : memref<10112x128xf32, #tpu.memory_space<hbm>>) dst(%dma_wait3A_160 : memref<64x128xf32, #tpu.memory_space<vmem>>)
      %dma_start3A_167 = arith.constant 6 : i32
      %dma_start3A_168 = arith.constant 1 : i32
      %dma_start3A_169 = arith.constant 0 : i32
      %dma_start3A_170 = arith.constant 0 : i32
      %dma_start3A_171 = tpu.memref_slice %arg8[%dma_start3A_168, %dma_start3A_169, %dma_start3A_170] : memref<5x64x128xf32, #tpu.memory_space<vmem>> -> memref<1x64x128xf32, #tpu.memory_space<vmem>>
      %dma_start3A_172 = tpu.memref_squeeze %dma_start3A_171 : memref<1x64x128xf32, #tpu.memory_space<vmem>> -> memref<64x128xf32, #tpu.memory_space<vmem>>
      %dma_start3A_173 = arith.constant 0 : i32
      %dma_start3A_174 = tpu.memref_slice %arg6[%dma_start3A_167, %dma_start3A_173] : memref<16x64xi32, #tpu.memory_space<vmem>> -> memref<1x64xi32, #tpu.memory_space<vmem>>
      %dma_start3A_175 = tpu.memref_squeeze %dma_start3A_174 : memref<1x64xi32, #tpu.memory_space<vmem>> -> memref<64xi32, #tpu.memory_space<vmem>>
      %dma_start3A_176 = arith.constant 0 : i32
      %dma_start3A_177 = arith.constant 0 : i32
      %dma_start3A_178 = tpu.memref_slice %arg2[%dma_start3A_176, %dma_start3A_177] : memref<10112x128xf32, #tpu.memory_space<hbm>> -> memref<10112x128xf32, #tpu.memory_space<hbm>>
      tpu.enqueue_indirect_dma source(%dma_start3A_178 : memref<10112x128xf32, #tpu.memory_space<hbm>>) target(%dma_start3A_172 : memref<64x128xf32, #tpu.memory_space<vmem>>) offsets(%dma_start3A_175 : memref<64xi32, #tpu.memory_space<vmem>>) semaphore(%arg10 : memref<!tpu.dma_semaphore, #tpu.memory_space<semaphore_mem>>)
      %run_scoped3A_179 = arith.constant 1 : i32
      %run_scoped3A_180 = arith.constant 1 : i32
      "tpu.region"() ({
        %run_scoped3A_485 = tpu.sem_alloc : memref<!tpu.dma_semaphore, #tpu.memory_space<semaphore_mem>>
        %dma_start3A_486 = arith.constant 0 : i32
        %dma_start3A_487 = arith.constant 0 : i32
        %dma_start3A_488 = tpu.memref_slice %arg8[%run_scoped3A_179, %dma_start3A_486, %dma_start3A_487] : memref<5x64x128xf32, #tpu.memory_space<vmem>> -> memref<1x64x128xf32, #tpu.memory_space<vmem>>
        %dma_start3A_489 = tpu.memref_squeeze %dma_start3A_488 : memref<1x64x128xf32, #tpu.memory_space<vmem>> -> memref<64x128xf32, #tpu.memory_space<vmem>>
        %dma_start3A_490 = arith.constant 0 : i32
        %dma_start3A_491 = tpu.memref_slice %arg7[%run_scoped3A_180, %dma_start3A_490] : memref<16x64xi32, #tpu.memory_space<vmem>> -> memref<1x64xi32, #tpu.memory_space<vmem>>
        %dma_start3A_492 = tpu.memref_squeeze %dma_start3A_491 : memref<1x64xi32, #tpu.memory_space<vmem>> -> memref<64xi32, #tpu.memory_space<vmem>>
        %dma_start3A_493 = arith.constant 0 : i32
        %dma_start3A_494 = arith.constant 0 : i32
        %dma_start3A_495 = tpu.memref_slice %arg9[%dma_start3A_493, %dma_start3A_494] : memref<10112x128xf32, #tpu.memory_space<vmem_shared>> -> memref<10112x128xf32, #tpu.memory_space<vmem_shared>>
        tpu.enqueue_indirect_dma source(%dma_start3A_489 : memref<64x128xf32, #tpu.memory_space<vmem>>) target(%dma_start3A_495 : memref<10112x128xf32, #tpu.memory_space<vmem_shared>>) offsets(%dma_start3A_492 : memref<64xi32, #tpu.memory_space<vmem>>) semaphore(%run_scoped3A_485 : memref<!tpu.dma_semaphore, #tpu.memory_space<semaphore_mem>>) {add = true}
        %dma_wait3A_496 = arith.constant 0 : i32
        %dma_wait3A_497 = arith.constant 0 : i32
        %dma_wait3A_498 = tpu.memref_slice %arg8[%run_scoped3A_179, %dma_wait3A_496, %dma_wait3A_497] : memref<5x64x128xf32, #tpu.memory_space<vmem>> -> memref<1x64x128xf32, #tpu.memory_space<vmem>>
        %dma_wait3A_499 = tpu.memref_squeeze %dma_wait3A_498 : memref<1x64x128xf32, #tpu.memory_space<vmem>> -> memref<64x128xf32, #tpu.memory_space<vmem>>
        %dma_wait3A_500 = arith.constant 0 : i32
        %dma_wait3A_501 = tpu.memref_slice %arg7[%run_scoped3A_180, %dma_wait3A_500] : memref<16x64xi32, #tpu.memory_space<vmem>> -> memref<1x64xi32, #tpu.memory_space<vmem>>
        %dma_wait3A_502 = tpu.memref_squeeze %dma_wait3A_501 : memref<1x64xi32, #tpu.memory_space<vmem>> -> memref<64xi32, #tpu.memory_space<vmem>>
        %dma_wait3A_503 = arith.constant 0 : i32
        %dma_wait3A_504 = arith.constant 0 : i32
        %dma_wait3A_505 = tpu.memref_slice %arg9[%dma_wait3A_503, %dma_wait3A_504] : memref<10112x128xf32, #tpu.memory_space<vmem_shared>> -> memref<10112x128xf32, #tpu.memory_space<vmem_shared>>
        tpu.wait_indirect_dma semaphore(%run_scoped3A_485 : memref<!tpu.dma_semaphore, #tpu.memory_space<semaphore_mem>>) src(%dma_wait3A_499 : memref<64x128xf32, #tpu.memory_space<vmem>>) dst(%dma_wait3A_505 : memref<10112x128xf32, #tpu.memory_space<vmem_shared>>)
        tpu.yield
      }) : () -> ()
      %dma_wait3A_181 = arith.constant 2 : i32
      %dma_wait3A_182 = arith.constant 2 : i32
      %dma_wait3A_183 = arith.constant 0 : i32
      %dma_wait3A_184 = arith.constant 0 : i32
      %dma_wait3A_185 = tpu.memref_slice %arg8[%dma_wait3A_182, %dma_wait3A_183, %dma_wait3A_184] : memref<5x64x128xf32, #tpu.memory_space<vmem>> -> memref<1x64x128xf32, #tpu.memory_space<vmem>>
      %dma_wait3A_186 = tpu.memref_squeeze %dma_wait3A_185 : memref<1x64x128xf32, #tpu.memory_space<vmem>> -> memref<64x128xf32, #tpu.memory_space<vmem>>
      %dma_wait3A_187 = arith.constant 0 : i32
      %dma_wait3A_188 = tpu.memref_slice %arg6[%dma_wait3A_181, %dma_wait3A_187] : memref<16x64xi32, #tpu.memory_space<vmem>> -> memref<1x64xi32, #tpu.memory_space<vmem>>
      %dma_wait3A_189 = tpu.memref_squeeze %dma_wait3A_188 : memref<1x64xi32, #tpu.memory_space<vmem>> -> memref<64xi32, #tpu.memory_space<vmem>>
      %dma_wait3A_190 = arith.constant 0 : i32
      %dma_wait3A_191 = arith.constant 0 : i32
      %dma_wait3A_192 = tpu.memref_slice %arg2[%dma_wait3A_190, %dma_wait3A_191] : memref<10112x128xf32, #tpu.memory_space<hbm>> -> memref<10112x128xf32, #tpu.memory_space<hbm>>
      tpu.wait_indirect_dma semaphore(%arg10 : memref<!tpu.dma_semaphore, #tpu.memory_space<semaphore_mem>>) src(%dma_wait3A_192 : memref<10112x128xf32, #tpu.memory_space<hbm>>) dst(%dma_wait3A_186 : memref<64x128xf32, #tpu.memory_space<vmem>>)
      %dma_start3A_193 = arith.constant 7 : i32
      %dma_start3A_194 = arith.constant 2 : i32
      %dma_start3A_195 = arith.constant 0 : i32
      %dma_start3A_196 = arith.constant 0 : i32
      %dma_start3A_197 = tpu.memref_slice %arg8[%dma_start3A_194, %dma_start3A_195, %dma_start3A_196] : memref<5x64x128xf32, #tpu.memory_space<vmem>> -> memref<1x64x128xf32, #tpu.memory_space<vmem>>
      %dma_start3A_198 = tpu.memref_squeeze %dma_start3A_197 : memref<1x64x128xf32, #tpu.memory_space<vmem>> -> memref<64x128xf32, #tpu.memory_space<vmem>>
      %dma_start3A_199 = arith.constant 0 : i32
      %dma_start3A_200 = tpu.memref_slice %arg6[%dma_start3A_193, %dma_start3A_199] : memref<16x64xi32, #tpu.memory_space<vmem>> -> memref<1x64xi32, #tpu.memory_space<vmem>>
      %dma_start3A_201 = tpu.memref_squeeze %dma_start3A_200 : memref<1x64xi32, #tpu.memory_space<vmem>> -> memref<64xi32, #tpu.memory_space<vmem>>
      %dma_start3A_202 = arith.constant 0 : i32
      %dma_start3A_203 = arith.constant 0 : i32
      %dma_start3A_204 = tpu.memref_slice %arg2[%dma_start3A_202, %dma_start3A_203] : memref<10112x128xf32, #tpu.memory_space<hbm>> -> memref<10112x128xf32, #tpu.memory_space<hbm>>
      tpu.enqueue_indirect_dma source(%dma_start3A_204 : memref<10112x128xf32, #tpu.memory_space<hbm>>) target(%dma_start3A_198 : memref<64x128xf32, #tpu.memory_space<vmem>>) offsets(%dma_start3A_201 : memref<64xi32, #tpu.memory_space<vmem>>) semaphore(%arg10 : memref<!tpu.dma_semaphore, #tpu.memory_space<semaphore_mem>>)
      %run_scoped3A_205 = arith.constant 2 : i32
      %run_scoped3A_206 = arith.constant 2 : i32
      "tpu.region"() ({
        %run_scoped3A_485 = tpu.sem_alloc : memref<!tpu.dma_semaphore, #tpu.memory_space<semaphore_mem>>
        %dma_start3A_486 = arith.constant 0 : i32
        %dma_start3A_487 = arith.constant 0 : i32
        %dma_start3A_488 = tpu.memref_slice %arg8[%run_scoped3A_205, %dma_start3A_486, %dma_start3A_487] : memref<5x64x128xf32, #tpu.memory_space<vmem>> -> memref<1x64x128xf32, #tpu.memory_space<vmem>>
        %dma_start3A_489 = tpu.memref_squeeze %dma_start3A_488 : memref<1x64x128xf32, #tpu.memory_space<vmem>> -> memref<64x128xf32, #tpu.memory_space<vmem>>
        %dma_start3A_490 = arith.constant 0 : i32
        %dma_start3A_491 = tpu.memref_slice %arg7[%run_scoped3A_206, %dma_start3A_490] : memref<16x64xi32, #tpu.memory_space<vmem>> -> memref<1x64xi32, #tpu.memory_space<vmem>>
        %dma_start3A_492 = tpu.memref_squeeze %dma_start3A_491 : memref<1x64xi32, #tpu.memory_space<vmem>> -> memref<64xi32, #tpu.memory_space<vmem>>
        %dma_start3A_493 = arith.constant 0 : i32
        %dma_start3A_494 = arith.constant 0 : i32
        %dma_start3A_495 = tpu.memref_slice %arg9[%dma_start3A_493, %dma_start3A_494] : memref<10112x128xf32, #tpu.memory_space<vmem_shared>> -> memref<10112x128xf32, #tpu.memory_space<vmem_shared>>
        tpu.enqueue_indirect_dma source(%dma_start3A_489 : memref<64x128xf32, #tpu.memory_space<vmem>>) target(%dma_start3A_495 : memref<10112x128xf32, #tpu.memory_space<vmem_shared>>) offsets(%dma_start3A_492 : memref<64xi32, #tpu.memory_space<vmem>>) semaphore(%run_scoped3A_485 : memref<!tpu.dma_semaphore, #tpu.memory_space<semaphore_mem>>) {add = true}
        %dma_wait3A_496 = arith.constant 0 : i32
        %dma_wait3A_497 = arith.constant 0 : i32
        %dma_wait3A_498 = tpu.memref_slice %arg8[%run_scoped3A_205, %dma_wait3A_496, %dma_wait3A_497] : memref<5x64x128xf32, #tpu.memory_space<vmem>> -> memref<1x64x128xf32, #tpu.memory_space<vmem>>
        %dma_wait3A_499 = tpu.memref_squeeze %dma_wait3A_498 : memref<1x64x128xf32, #tpu.memory_space<vmem>> -> memref<64x128xf32, #tpu.memory_space<vmem>>
        %dma_wait3A_500 = arith.constant 0 : i32
        %dma_wait3A_501 = tpu.memref_slice %arg7[%run_scoped3A_206, %dma_wait3A_500] : memref<16x64xi32, #tpu.memory_space<vmem>> -> memref<1x64xi32, #tpu.memory_space<vmem>>
        %dma_wait3A_502 = tpu.memref_squeeze %dma_wait3A_501 : memref<1x64xi32, #tpu.memory_space<vmem>> -> memref<64xi32, #tpu.memory_space<vmem>>
        %dma_wait3A_503 = arith.constant 0 : i32
        %dma_wait3A_504 = arith.constant 0 : i32
        %dma_wait3A_505 = tpu.memref_slice %arg9[%dma_wait3A_503, %dma_wait3A_504] : memref<10112x128xf32, #tpu.memory_space<vmem_shared>> -> memref<10112x128xf32, #tpu.memory_space<vmem_shared>>
        tpu.wait_indirect_dma semaphore(%run_scoped3A_485 : memref<!tpu.dma_semaphore, #tpu.memory_space<semaphore_mem>>) src(%dma_wait3A_499 : memref<64x128xf32, #tpu.memory_space<vmem>>) dst(%dma_wait3A_505 : memref<10112x128xf32, #tpu.memory_space<vmem_shared>>)
        tpu.yield
      }) : () -> ()
      %dma_wait3A_207 = arith.constant 3 : i32
      %dma_wait3A_208 = arith.constant 3 : i32
      %dma_wait3A_209 = arith.constant 0 : i32
      %dma_wait3A_210 = arith.constant 0 : i32
      %dma_wait3A_211 = tpu.memref_slice %arg8[%dma_wait3A_208, %dma_wait3A_209, %dma_wait3A_210] : memref<5x64x128xf32, #tpu.memory_space<vmem>> -> memref<1x64x128xf32, #tpu.memory_space<vmem>>
      %dma_wait3A_212 = tpu.memref_squeeze %dma_wait3A_211 : memref<1x64x128xf32, #tpu.memory_space<vmem>> -> memref<64x128xf32, #tpu.memory_space<vmem>>
      %dma_wait3A_213 = arith.constant 0 : i32
      %dma_wait3A_214 = tpu.memref_slice %arg6[%dma_wait3A_207, %dma_wait3A_213] : memref<16x64xi32, #tpu.memory_space<vmem>> -> memref<1x64xi32, #tpu.memory_space<vmem>>
      %dma_wait3A_215 = tpu.memref_squeeze %dma_wait3A_214 : memref<1x64xi32, #tpu.memory_space<vmem>> -> memref<64xi32, #tpu.memory_space<vmem>>
      %dma_wait3A_216 = arith.constant 0 : i32
      %dma_wait3A_217 = arith.constant 0 : i32
      %dma_wait3A_218 = tpu.memref_slice %arg2[%dma_wait3A_216, %dma_wait3A_217] : memref<10112x128xf32, #tpu.memory_space<hbm>> -> memref<10112x128xf32, #tpu.memory_space<hbm>>
      tpu.wait_indirect_dma semaphore(%arg10 : memref<!tpu.dma_semaphore, #tpu.memory_space<semaphore_mem>>) src(%dma_wait3A_218 : memref<10112x128xf32, #tpu.memory_space<hbm>>) dst(%dma_wait3A_212 : memref<64x128xf32, #tpu.memory_space<vmem>>)
      %dma_start3A_219 = arith.constant 8 : i32
      %dma_start3A_220 = arith.constant 3 : i32
      %dma_start3A_221 = arith.constant 0 : i32
      %dma_start3A_222 = arith.constant 0 : i32
      %dma_start3A_223 = tpu.memref_slice %arg8[%dma_start3A_220, %dma_start3A_221, %dma_start3A_222] : memref<5x64x128xf32, #tpu.memory_space<vmem>> -> memref<1x64x128xf32, #tpu.memory_space<vmem>>
      %dma_start3A_224 = tpu.memref_squeeze %dma_start3A_223 : memref<1x64x128xf32, #tpu.memory_space<vmem>> -> memref<64x128xf32, #tpu.memory_space<vmem>>
      %dma_start3A_225 = arith.constant 0 : i32
      %dma_start3A_226 = tpu.memref_slice %arg6[%dma_start3A_219, %dma_start3A_225] : memref<16x64xi32, #tpu.memory_space<vmem>> -> memref<1x64xi32, #tpu.memory_space<vmem>>
      %dma_start3A_227 = tpu.memref_squeeze %dma_start3A_226 : memref<1x64xi32, #tpu.memory_space<vmem>> -> memref<64xi32, #tpu.memory_space<vmem>>
      %dma_start3A_228 = arith.constant 0 : i32
      %dma_start3A_229 = arith.constant 0 : i32
      %dma_start3A_230 = tpu.memref_slice %arg2[%dma_start3A_228, %dma_start3A_229] : memref<10112x128xf32, #tpu.memory_space<hbm>> -> memref<10112x128xf32, #tpu.memory_space<hbm>>
      tpu.enqueue_indirect_dma source(%dma_start3A_230 : memref<10112x128xf32, #tpu.memory_space<hbm>>) target(%dma_start3A_224 : memref<64x128xf32, #tpu.memory_space<vmem>>) offsets(%dma_start3A_227 : memref<64xi32, #tpu.memory_space<vmem>>) semaphore(%arg10 : memref<!tpu.dma_semaphore, #tpu.memory_space<semaphore_mem>>)
      %run_scoped3A_231 = arith.constant 3 : i32
      %run_scoped3A_232 = arith.constant 3 : i32
      "tpu.region"() ({
        %run_scoped3A_485 = tpu.sem_alloc : memref<!tpu.dma_semaphore, #tpu.memory_space<semaphore_mem>>
        %dma_start3A_486 = arith.constant 0 : i32
        %dma_start3A_487 = arith.constant 0 : i32
        %dma_start3A_488 = tpu.memref_slice %arg8[%run_scoped3A_231, %dma_start3A_486, %dma_start3A_487] : memref<5x64x128xf32, #tpu.memory_space<vmem>> -> memref<1x64x128xf32, #tpu.memory_space<vmem>>
        %dma_start3A_489 = tpu.memref_squeeze %dma_start3A_488 : memref<1x64x128xf32, #tpu.memory_space<vmem>> -> memref<64x128xf32, #tpu.memory_space<vmem>>
        %dma_start3A_490 = arith.constant 0 : i32
        %dma_start3A_491 = tpu.memref_slice %arg7[%run_scoped3A_232, %dma_start3A_490] : memref<16x64xi32, #tpu.memory_space<vmem>> -> memref<1x64xi32, #tpu.memory_space<vmem>>
        %dma_start3A_492 = tpu.memref_squeeze %dma_start3A_491 : memref<1x64xi32, #tpu.memory_space<vmem>> -> memref<64xi32, #tpu.memory_space<vmem>>
        %dma_start3A_493 = arith.constant 0 : i32
        %dma_start3A_494 = arith.constant 0 : i32
        %dma_start3A_495 = tpu.memref_slice %arg9[%dma_start3A_493, %dma_start3A_494] : memref<10112x128xf32, #tpu.memory_space<vmem_shared>> -> memref<10112x128xf32, #tpu.memory_space<vmem_shared>>
        tpu.enqueue_indirect_dma source(%dma_start3A_489 : memref<64x128xf32, #tpu.memory_space<vmem>>) target(%dma_start3A_495 : memref<10112x128xf32, #tpu.memory_space<vmem_shared>>) offsets(%dma_start3A_492 : memref<64xi32, #tpu.memory_space<vmem>>) semaphore(%run_scoped3A_485 : memref<!tpu.dma_semaphore, #tpu.memory_space<semaphore_mem>>) {add = true}
        %dma_wait3A_496 = arith.constant 0 : i32
        %dma_wait3A_497 = arith.constant 0 : i32
        %dma_wait3A_498 = tpu.memref_slice %arg8[%run_scoped3A_231, %dma_wait3A_496, %dma_wait3A_497] : memref<5x64x128xf32, #tpu.memory_space<vmem>> -> memref<1x64x128xf32, #tpu.memory_space<vmem>>
        %dma_wait3A_499 = tpu.memref_squeeze %dma_wait3A_498 : memref<1x64x128xf32, #tpu.memory_space<vmem>> -> memref<64x128xf32, #tpu.memory_space<vmem>>
        %dma_wait3A_500 = arith.constant 0 : i32
        %dma_wait3A_501 = tpu.memref_slice %arg7[%run_scoped3A_232, %dma_wait3A_500] : memref<16x64xi32, #tpu.memory_space<vmem>> -> memref<1x64xi32, #tpu.memory_space<vmem>>
        %dma_wait3A_502 = tpu.memref_squeeze %dma_wait3A_501 : memref<1x64xi32, #tpu.memory_space<vmem>> -> memref<64xi32, #tpu.memory_space<vmem>>
        %dma_wait3A_503 = arith.constant 0 : i32
        %dma_wait3A_504 = arith.constant 0 : i32
        %dma_wait3A_505 = tpu.memref_slice %arg9[%dma_wait3A_503, %dma_wait3A_504] : memref<10112x128xf32, #tpu.memory_space<vmem_shared>> -> memref<10112x128xf32, #tpu.memory_space<vmem_shared>>
        tpu.wait_indirect_dma semaphore(%run_scoped3A_485 : memref<!tpu.dma_semaphore, #tpu.memory_space<semaphore_mem>>) src(%dma_wait3A_499 : memref<64x128xf32, #tpu.memory_space<vmem>>) dst(%dma_wait3A_505 : memref<10112x128xf32, #tpu.memory_space<vmem_shared>>)
        tpu.yield
      }) : () -> ()
      %dma_wait3A_233 = arith.constant 4 : i32
      %dma_wait3A_234 = arith.constant 4 : i32
      %dma_wait3A_235 = arith.constant 0 : i32
      %dma_wait3A_236 = arith.constant 0 : i32
      %dma_wait3A_237 = tpu.memref_slice %arg8[%dma_wait3A_234, %dma_wait3A_235, %dma_wait3A_236] : memref<5x64x128xf32, #tpu.memory_space<vmem>> -> memref<1x64x128xf32, #tpu.memory_space<vmem>>
      %dma_wait3A_238 = tpu.memref_squeeze %dma_wait3A_237 : memref<1x64x128xf32, #tpu.memory_space<vmem>> -> memref<64x128xf32, #tpu.memory_space<vmem>>
      %dma_wait3A_239 = arith.constant 0 : i32
      %dma_wait3A_240 = tpu.memref_slice %arg6[%dma_wait3A_233, %dma_wait3A_239] : memref<16x64xi32, #tpu.memory_space<vmem>> -> memref<1x64xi32, #tpu.memory_space<vmem>>
      %dma_wait3A_241 = tpu.memref_squeeze %dma_wait3A_240 : memref<1x64xi32, #tpu.memory_space<vmem>> -> memref<64xi32, #tpu.memory_space<vmem>>
      %dma_wait3A_242 = arith.constant 0 : i32
      %dma_wait3A_243 = arith.constant 0 : i32
      %dma_wait3A_244 = tpu.memref_slice %arg2[%dma_wait3A_242, %dma_wait3A_243] : memref<10112x128xf32, #tpu.memory_space<hbm>> -> memref<10112x128xf32, #tpu.memory_space<hbm>>
      tpu.wait_indirect_dma semaphore(%arg10 : memref<!tpu.dma_semaphore, #tpu.memory_space<semaphore_mem>>) src(%dma_wait3A_244 : memref<10112x128xf32, #tpu.memory_space<hbm>>) dst(%dma_wait3A_238 : memref<64x128xf32, #tpu.memory_space<vmem>>)
      %dma_start3A_245 = arith.constant 9 : i32
      %dma_start3A_246 = arith.constant 4 : i32
      %dma_start3A_247 = arith.constant 0 : i32
      %dma_start3A_248 = arith.constant 0 : i32
      %dma_start3A_249 = tpu.memref_slice %arg8[%dma_start3A_246, %dma_start3A_247, %dma_start3A_248] : memref<5x64x128xf32, #tpu.memory_space<vmem>> -> memref<1x64x128xf32, #tpu.memory_space<vmem>>
      %dma_start3A_250 = tpu.memref_squeeze %dma_start3A_249 : memref<1x64x128xf32, #tpu.memory_space<vmem>> -> memref<64x128xf32, #tpu.memory_space<vmem>>
      %dma_start3A_251 = arith.constant 0 : i32
      %dma_start3A_252 = tpu.memref_slice %arg6[%dma_start3A_245, %dma_start3A_251] : memref<16x64xi32, #tpu.memory_space<vmem>> -> memref<1x64xi32, #tpu.memory_space<vmem>>
      %dma_start3A_253 = tpu.memref_squeeze %dma_start3A_252 : memref<1x64xi32, #tpu.memory_space<vmem>> -> memref<64xi32, #tpu.memory_space<vmem>>
      %dma_start3A_254 = arith.constant 0 : i32
      %dma_start3A_255 = arith.constant 0 : i32
      %dma_start3A_256 = tpu.memref_slice %arg2[%dma_start3A_254, %dma_start3A_255] : memref<10112x128xf32, #tpu.memory_space<hbm>> -> memref<10112x128xf32, #tpu.memory_space<hbm>>
      tpu.enqueue_indirect_dma source(%dma_start3A_256 : memref<10112x128xf32, #tpu.memory_space<hbm>>) target(%dma_start3A_250 : memref<64x128xf32, #tpu.memory_space<vmem>>) offsets(%dma_start3A_253 : memref<64xi32, #tpu.memory_space<vmem>>) semaphore(%arg10 : memref<!tpu.dma_semaphore, #tpu.memory_space<semaphore_mem>>)
      %run_scoped3A_257 = arith.constant 4 : i32
      %run_scoped3A_258 = arith.constant 4 : i32
      "tpu.region"() ({
        %run_scoped3A_485 = tpu.sem_alloc : memref<!tpu.dma_semaphore, #tpu.memory_space<semaphore_mem>>
        %dma_start3A_486 = arith.constant 0 : i32
        %dma_start3A_487 = arith.constant 0 : i32
        %dma_start3A_488 = tpu.memref_slice %arg8[%run_scoped3A_257, %dma_start3A_486, %dma_start3A_487] : memref<5x64x128xf32, #tpu.memory_space<vmem>> -> memref<1x64x128xf32, #tpu.memory_space<vmem>>
        %dma_start3A_489 = tpu.memref_squeeze %dma_start3A_488 : memref<1x64x128xf32, #tpu.memory_space<vmem>> -> memref<64x128xf32, #tpu.memory_space<vmem>>
        %dma_start3A_490 = arith.constant 0 : i32
        %dma_start3A_491 = tpu.memref_slice %arg7[%run_scoped3A_258, %dma_start3A_490] : memref<16x64xi32, #tpu.memory_space<vmem>> -> memref<1x64xi32, #tpu.memory_space<vmem>>
        %dma_start3A_492 = tpu.memref_squeeze %dma_start3A_491 : memref<1x64xi32, #tpu.memory_space<vmem>> -> memref<64xi32, #tpu.memory_space<vmem>>
        %dma_start3A_493 = arith.constant 0 : i32
        %dma_start3A_494 = arith.constant 0 : i32
        %dma_start3A_495 = tpu.memref_slice %arg9[%dma_start3A_493, %dma_start3A_494] : memref<10112x128xf32, #tpu.memory_space<vmem_shared>> -> memref<10112x128xf32, #tpu.memory_space<vmem_shared>>
        tpu.enqueue_indirect_dma source(%dma_start3A_489 : memref<64x128xf32, #tpu.memory_space<vmem>>) target(%dma_start3A_495 : memref<10112x128xf32, #tpu.memory_space<vmem_shared>>) offsets(%dma_start3A_492 : memref<64xi32, #tpu.memory_space<vmem>>) semaphore(%run_scoped3A_485 : memref<!tpu.dma_semaphore, #tpu.memory_space<semaphore_mem>>) {add = true}
        %dma_wait3A_496 = arith.constant 0 : i32
        %dma_wait3A_497 = arith.constant 0 : i32
        %dma_wait3A_498 = tpu.memref_slice %arg8[%run_scoped3A_257, %dma_wait3A_496, %dma_wait3A_497] : memref<5x64x128xf32, #tpu.memory_space<vmem>> -> memref<1x64x128xf32, #tpu.memory_space<vmem>>
        %dma_wait3A_499 = tpu.memref_squeeze %dma_wait3A_498 : memref<1x64x128xf32, #tpu.memory_space<vmem>> -> memref<64x128xf32, #tpu.memory_space<vmem>>
        %dma_wait3A_500 = arith.constant 0 : i32
        %dma_wait3A_501 = tpu.memref_slice %arg7[%run_scoped3A_258, %dma_wait3A_500] : memref<16x64xi32, #tpu.memory_space<vmem>> -> memref<1x64xi32, #tpu.memory_space<vmem>>
        %dma_wait3A_502 = tpu.memref_squeeze %dma_wait3A_501 : memref<1x64xi32, #tpu.memory_space<vmem>> -> memref<64xi32, #tpu.memory_space<vmem>>
        %dma_wait3A_503 = arith.constant 0 : i32
        %dma_wait3A_504 = arith.constant 0 : i32
        %dma_wait3A_505 = tpu.memref_slice %arg9[%dma_wait3A_503, %dma_wait3A_504] : memref<10112x128xf32, #tpu.memory_space<vmem_shared>> -> memref<10112x128xf32, #tpu.memory_space<vmem_shared>>
        tpu.wait_indirect_dma semaphore(%run_scoped3A_485 : memref<!tpu.dma_semaphore, #tpu.memory_space<semaphore_mem>>) src(%dma_wait3A_499 : memref<64x128xf32, #tpu.memory_space<vmem>>) dst(%dma_wait3A_505 : memref<10112x128xf32, #tpu.memory_space<vmem_shared>>)
        tpu.yield
      }) : () -> ()
      %dma_wait3A_259 = arith.constant 5 : i32
      %dma_wait3A_260 = arith.constant 0 : i32
      %dma_wait3A_261 = arith.constant 0 : i32
      %dma_wait3A_262 = arith.constant 0 : i32
      %dma_wait3A_263 = tpu.memref_slice %arg8[%dma_wait3A_260, %dma_wait3A_261, %dma_wait3A_262] : memref<5x64x128xf32, #tpu.memory_space<vmem>> -> memref<1x64x128xf32, #tpu.memory_space<vmem>>
      %dma_wait3A_264 = tpu.memref_squeeze %dma_wait3A_263 : memref<1x64x128xf32, #tpu.memory_space<vmem>> -> memref<64x128xf32, #tpu.memory_space<vmem>>
      %dma_wait3A_265 = arith.constant 0 : i32
      %dma_wait3A_266 = tpu.memref_slice %arg6[%dma_wait3A_259, %dma_wait3A_265] : memref<16x64xi32, #tpu.memory_space<vmem>> -> memref<1x64xi32, #tpu.memory_space<vmem>>
      %dma_wait3A_267 = tpu.memref_squeeze %dma_wait3A_266 : memref<1x64xi32, #tpu.memory_space<vmem>> -> memref<64xi32, #tpu.memory_space<vmem>>
      %dma_wait3A_268 = arith.constant 0 : i32
      %dma_wait3A_269 = arith.constant 0 : i32
      %dma_wait3A_270 = tpu.memref_slice %arg2[%dma_wait3A_268, %dma_wait3A_269] : memref<10112x128xf32, #tpu.memory_space<hbm>> -> memref<10112x128xf32, #tpu.memory_space<hbm>>
      tpu.wait_indirect_dma semaphore(%arg10 : memref<!tpu.dma_semaphore, #tpu.memory_space<semaphore_mem>>) src(%dma_wait3A_270 : memref<10112x128xf32, #tpu.memory_space<hbm>>) dst(%dma_wait3A_264 : memref<64x128xf32, #tpu.memory_space<vmem>>)
      %dma_start3A_271 = arith.constant 10 : i32
      %dma_start3A_272 = arith.constant 0 : i32
      %dma_start3A_273 = arith.constant 0 : i32
      %dma_start3A_274 = arith.constant 0 : i32
      %dma_start3A_275 = tpu.memref_slice %arg8[%dma_start3A_272, %dma_start3A_273, %dma_start3A_274] : memref<5x64x128xf32, #tpu.memory_space<vmem>> -> memref<1x64x128xf32, #tpu.memory_space<vmem>>
      %dma_start3A_276 = tpu.memref_squeeze %dma_start3A_275 : memref<1x64x128xf32, #tpu.memory_space<vmem>> -> memref<64x128xf32, #tpu.memory_space<vmem>>
      %dma_start3A_277 = arith.constant 0 : i32
      %dma_start3A_278 = tpu.memref_slice %arg6[%dma_start3A_271, %dma_start3A_277] : memref<16x64xi32, #tpu.memory_space<vmem>> -> memref<1x64xi32, #tpu.memory_space<vmem>>
      %dma_start3A_279 = tpu.memref_squeeze %dma_start3A_278 : memref<1x64xi32, #tpu.memory_space<vmem>> -> memref<64xi32, #tpu.memory_space<vmem>>
      %dma_start3A_280 = arith.constant 0 : i32
      %dma_start3A_281 = arith.constant 0 : i32
      %dma_start3A_282 = tpu.memref_slice %arg2[%dma_start3A_280, %dma_start3A_281] : memref<10112x128xf32, #tpu.memory_space<hbm>> -> memref<10112x128xf32, #tpu.memory_space<hbm>>
      tpu.enqueue_indirect_dma source(%dma_start3A_282 : memref<10112x128xf32, #tpu.memory_space<hbm>>) target(%dma_start3A_276 : memref<64x128xf32, #tpu.memory_space<vmem>>) offsets(%dma_start3A_279 : memref<64xi32, #tpu.memory_space<vmem>>) semaphore(%arg10 : memref<!tpu.dma_semaphore, #tpu.memory_space<semaphore_mem>>)
      %run_scoped3A_283 = arith.constant 0 : i32
      %run_scoped3A_284 = arith.constant 5 : i32
      "tpu.region"() ({
        %run_scoped3A_485 = tpu.sem_alloc : memref<!tpu.dma_semaphore, #tpu.memory_space<semaphore_mem>>
        %dma_start3A_486 = arith.constant 0 : i32
        %dma_start3A_487 = arith.constant 0 : i32
        %dma_start3A_488 = tpu.memref_slice %arg8[%run_scoped3A_283, %dma_start3A_486, %dma_start3A_487] : memref<5x64x128xf32, #tpu.memory_space<vmem>> -> memref<1x64x128xf32, #tpu.memory_space<vmem>>
        %dma_start3A_489 = tpu.memref_squeeze %dma_start3A_488 : memref<1x64x128xf32, #tpu.memory_space<vmem>> -> memref<64x128xf32, #tpu.memory_space<vmem>>
        %dma_start3A_490 = arith.constant 0 : i32
        %dma_start3A_491 = tpu.memref_slice %arg7[%run_scoped3A_284, %dma_start3A_490] : memref<16x64xi32, #tpu.memory_space<vmem>> -> memref<1x64xi32, #tpu.memory_space<vmem>>
        %dma_start3A_492 = tpu.memref_squeeze %dma_start3A_491 : memref<1x64xi32, #tpu.memory_space<vmem>> -> memref<64xi32, #tpu.memory_space<vmem>>
        %dma_start3A_493 = arith.constant 0 : i32
        %dma_start3A_494 = arith.constant 0 : i32
        %dma_start3A_495 = tpu.memref_slice %arg9[%dma_start3A_493, %dma_start3A_494] : memref<10112x128xf32, #tpu.memory_space<vmem_shared>> -> memref<10112x128xf32, #tpu.memory_space<vmem_shared>>
        tpu.enqueue_indirect_dma source(%dma_start3A_489 : memref<64x128xf32, #tpu.memory_space<vmem>>) target(%dma_start3A_495 : memref<10112x128xf32, #tpu.memory_space<vmem_shared>>) offsets(%dma_start3A_492 : memref<64xi32, #tpu.memory_space<vmem>>) semaphore(%run_scoped3A_485 : memref<!tpu.dma_semaphore, #tpu.memory_space<semaphore_mem>>) {add = true}
        %dma_wait3A_496 = arith.constant 0 : i32
        %dma_wait3A_497 = arith.constant 0 : i32
        %dma_wait3A_498 = tpu.memref_slice %arg8[%run_scoped3A_283, %dma_wait3A_496, %dma_wait3A_497] : memref<5x64x128xf32, #tpu.memory_space<vmem>> -> memref<1x64x128xf32, #tpu.memory_space<vmem>>
        %dma_wait3A_499 = tpu.memref_squeeze %dma_wait3A_498 : memref<1x64x128xf32, #tpu.memory_space<vmem>> -> memref<64x128xf32, #tpu.memory_space<vmem>>
        %dma_wait3A_500 = arith.constant 0 : i32
        %dma_wait3A_501 = tpu.memref_slice %arg7[%run_scoped3A_284, %dma_wait3A_500] : memref<16x64xi32, #tpu.memory_space<vmem>> -> memref<1x64xi32, #tpu.memory_space<vmem>>
        %dma_wait3A_502 = tpu.memref_squeeze %dma_wait3A_501 : memref<1x64xi32, #tpu.memory_space<vmem>> -> memref<64xi32, #tpu.memory_space<vmem>>
        %dma_wait3A_503 = arith.constant 0 : i32
        %dma_wait3A_504 = arith.constant 0 : i32
        %dma_wait3A_505 = tpu.memref_slice %arg9[%dma_wait3A_503, %dma_wait3A_504] : memref<10112x128xf32, #tpu.memory_space<vmem_shared>> -> memref<10112x128xf32, #tpu.memory_space<vmem_shared>>
        tpu.wait_indirect_dma semaphore(%run_scoped3A_485 : memref<!tpu.dma_semaphore, #tpu.memory_space<semaphore_mem>>) src(%dma_wait3A_499 : memref<64x128xf32, #tpu.memory_space<vmem>>) dst(%dma_wait3A_505 : memref<10112x128xf32, #tpu.memory_space<vmem_shared>>)
        tpu.yield
      }) : () -> ()
      %dma_wait3A_285 = arith.constant 6 : i32
      %dma_wait3A_286 = arith.constant 1 : i32
      %dma_wait3A_287 = arith.constant 0 : i32
      %dma_wait3A_288 = arith.constant 0 : i32
      %dma_wait3A_289 = tpu.memref_slice %arg8[%dma_wait3A_286, %dma_wait3A_287, %dma_wait3A_288] : memref<5x64x128xf32, #tpu.memory_space<vmem>> -> memref<1x64x128xf32, #tpu.memory_space<vmem>>
      %dma_wait3A_290 = tpu.memref_squeeze %dma_wait3A_289 : memref<1x64x128xf32, #tpu.memory_space<vmem>> -> memref<64x128xf32, #tpu.memory_space<vmem>>
      %dma_wait3A_291 = arith.constant 0 : i32
      %dma_wait3A_292 = tpu.memref_slice %arg6[%dma_wait3A_285, %dma_wait3A_291] : memref<16x64xi32, #tpu.memory_space<vmem>> -> memref<1x64xi32, #tpu.memory_space<vmem>>
      %dma_wait3A_293 = tpu.memref_squeeze %dma_wait3A_292 : memref<1x64xi32, #tpu.memory_space<vmem>> -> memref<64xi32, #tpu.memory_space<vmem>>
      %dma_wait3A_294 = arith.constant 0 : i32
      %dma_wait3A_295 = arith.constant 0 : i32
      %dma_wait3A_296 = tpu.memref_slice %arg2[%dma_wait3A_294, %dma_wait3A_295] : memref<10112x128xf32, #tpu.memory_space<hbm>> -> memref<10112x128xf32, #tpu.memory_space<hbm>>
      tpu.wait_indirect_dma semaphore(%arg10 : memref<!tpu.dma_semaphore, #tpu.memory_space<semaphore_mem>>) src(%dma_wait3A_296 : memref<10112x128xf32, #tpu.memory_space<hbm>>) dst(%dma_wait3A_290 : memref<64x128xf32, #tpu.memory_space<vmem>>)
      %dma_start3A_297 = arith.constant 11 : i32
      %dma_start3A_298 = arith.constant 1 : i32
      %dma_start3A_299 = arith.constant 0 : i32
      %dma_start3A_300 = arith.constant 0 : i32
      %dma_start3A_301 = tpu.memref_slice %arg8[%dma_start3A_298, %dma_start3A_299, %dma_start3A_300] : memref<5x64x128xf32, #tpu.memory_space<vmem>> -> memref<1x64x128xf32, #tpu.memory_space<vmem>>
      %dma_start3A_302 = tpu.memref_squeeze %dma_start3A_301 : memref<1x64x128xf32, #tpu.memory_space<vmem>> -> memref<64x128xf32, #tpu.memory_space<vmem>>
      %dma_start3A_303 = arith.constant 0 : i32
      %dma_start3A_304 = tpu.memref_slice %arg6[%dma_start3A_297, %dma_start3A_303] : memref<16x64xi32, #tpu.memory_space<vmem>> -> memref<1x64xi32, #tpu.memory_space<vmem>>
      %dma_start3A_305 = tpu.memref_squeeze %dma_start3A_304 : memref<1x64xi32, #tpu.memory_space<vmem>> -> memref<64xi32, #tpu.memory_space<vmem>>
      %dma_start3A_306 = arith.constant 0 : i32
      %dma_start3A_307 = arith.constant 0 : i32
      %dma_start3A_308 = tpu.memref_slice %arg2[%dma_start3A_306, %dma_start3A_307] : memref<10112x128xf32, #tpu.memory_space<hbm>> -> memref<10112x128xf32, #tpu.memory_space<hbm>>
      tpu.enqueue_indirect_dma source(%dma_start3A_308 : memref<10112x128xf32, #tpu.memory_space<hbm>>) target(%dma_start3A_302 : memref<64x128xf32, #tpu.memory_space<vmem>>) offsets(%dma_start3A_305 : memref<64xi32, #tpu.memory_space<vmem>>) semaphore(%arg10 : memref<!tpu.dma_semaphore, #tpu.memory_space<semaphore_mem>>)
      %run_scoped3A_309 = arith.constant 1 : i32
      %run_scoped3A_310 = arith.constant 6 : i32
      "tpu.region"() ({
        %run_scoped3A_485 = tpu.sem_alloc : memref<!tpu.dma_semaphore, #tpu.memory_space<semaphore_mem>>
        %dma_start3A_486 = arith.constant 0 : i32
        %dma_start3A_487 = arith.constant 0 : i32
        %dma_start3A_488 = tpu.memref_slice %arg8[%run_scoped3A_309, %dma_start3A_486, %dma_start3A_487] : memref<5x64x128xf32, #tpu.memory_space<vmem>> -> memref<1x64x128xf32, #tpu.memory_space<vmem>>
        %dma_start3A_489 = tpu.memref_squeeze %dma_start3A_488 : memref<1x64x128xf32, #tpu.memory_space<vmem>> -> memref<64x128xf32, #tpu.memory_space<vmem>>
        %dma_start3A_490 = arith.constant 0 : i32
        %dma_start3A_491 = tpu.memref_slice %arg7[%run_scoped3A_310, %dma_start3A_490] : memref<16x64xi32, #tpu.memory_space<vmem>> -> memref<1x64xi32, #tpu.memory_space<vmem>>
        %dma_start3A_492 = tpu.memref_squeeze %dma_start3A_491 : memref<1x64xi32, #tpu.memory_space<vmem>> -> memref<64xi32, #tpu.memory_space<vmem>>
        %dma_start3A_493 = arith.constant 0 : i32
        %dma_start3A_494 = arith.constant 0 : i32
        %dma_start3A_495 = tpu.memref_slice %arg9[%dma_start3A_493, %dma_start3A_494] : memref<10112x128xf32, #tpu.memory_space<vmem_shared>> -> memref<10112x128xf32, #tpu.memory_space<vmem_shared>>
        tpu.enqueue_indirect_dma source(%dma_start3A_489 : memref<64x128xf32, #tpu.memory_space<vmem>>) target(%dma_start3A_495 : memref<10112x128xf32, #tpu.memory_space<vmem_shared>>) offsets(%dma_start3A_492 : memref<64xi32, #tpu.memory_space<vmem>>) semaphore(%run_scoped3A_485 : memref<!tpu.dma_semaphore, #tpu.memory_space<semaphore_mem>>) {add = true}
        %dma_wait3A_496 = arith.constant 0 : i32
        %dma_wait3A_497 = arith.constant 0 : i32
        %dma_wait3A_498 = tpu.memref_slice %arg8[%run_scoped3A_309, %dma_wait3A_496, %dma_wait3A_497] : memref<5x64x128xf32, #tpu.memory_space<vmem>> -> memref<1x64x128xf32, #tpu.memory_space<vmem>>
        %dma_wait3A_499 = tpu.memref_squeeze %dma_wait3A_498 : memref<1x64x128xf32, #tpu.memory_space<vmem>> -> memref<64x128xf32, #tpu.memory_space<vmem>>
        %dma_wait3A_500 = arith.constant 0 : i32
        %dma_wait3A_501 = tpu.memref_slice %arg7[%run_scoped3A_310, %dma_wait3A_500] : memref<16x64xi32, #tpu.memory_space<vmem>> -> memref<1x64xi32, #tpu.memory_space<vmem>>
        %dma_wait3A_502 = tpu.memref_squeeze %dma_wait3A_501 : memref<1x64xi32, #tpu.memory_space<vmem>> -> memref<64xi32, #tpu.memory_space<vmem>>
        %dma_wait3A_503 = arith.constant 0 : i32
        %dma_wait3A_504 = arith.constant 0 : i32
        %dma_wait3A_505 = tpu.memref_slice %arg9[%dma_wait3A_503, %dma_wait3A_504] : memref<10112x128xf32, #tpu.memory_space<vmem_shared>> -> memref<10112x128xf32, #tpu.memory_space<vmem_shared>>
        tpu.wait_indirect_dma semaphore(%run_scoped3A_485 : memref<!tpu.dma_semaphore, #tpu.memory_space<semaphore_mem>>) src(%dma_wait3A_499 : memref<64x128xf32, #tpu.memory_space<vmem>>) dst(%dma_wait3A_505 : memref<10112x128xf32, #tpu.memory_space<vmem_shared>>)
        tpu.yield
      }) : () -> ()
      %dma_wait3A_311 = arith.constant 7 : i32
      %dma_wait3A_312 = arith.constant 2 : i32
      %dma_wait3A_313 = arith.constant 0 : i32
      %dma_wait3A_314 = arith.constant 0 : i32
      %dma_wait3A_315 = tpu.memref_slice %arg8[%dma_wait3A_312, %dma_wait3A_313, %dma_wait3A_314] : memref<5x64x128xf32, #tpu.memory_space<vmem>> -> memref<1x64x128xf32, #tpu.memory_space<vmem>>
      %dma_wait3A_316 = tpu.memref_squeeze %dma_wait3A_315 : memref<1x64x128xf32, #tpu.memory_space<vmem>> -> memref<64x128xf32, #tpu.memory_space<vmem>>
      %dma_wait3A_317 = arith.constant 0 : i32
      %dma_wait3A_318 = tpu.memref_slice %arg6[%dma_wait3A_311, %dma_wait3A_317] : memref<16x64xi32, #tpu.memory_space<vmem>> -> memref<1x64xi32, #tpu.memory_space<vmem>>
      %dma_wait3A_319 = tpu.memref_squeeze %dma_wait3A_318 : memref<1x64xi32, #tpu.memory_space<vmem>> -> memref<64xi32, #tpu.memory_space<vmem>>
      %dma_wait3A_320 = arith.constant 0 : i32
      %dma_wait3A_321 = arith.constant 0 : i32
      %dma_wait3A_322 = tpu.memref_slice %arg2[%dma_wait3A_320, %dma_wait3A_321] : memref<10112x128xf32, #tpu.memory_space<hbm>> -> memref<10112x128xf32, #tpu.memory_space<hbm>>
      tpu.wait_indirect_dma semaphore(%arg10 : memref<!tpu.dma_semaphore, #tpu.memory_space<semaphore_mem>>) src(%dma_wait3A_322 : memref<10112x128xf32, #tpu.memory_space<hbm>>) dst(%dma_wait3A_316 : memref<64x128xf32, #tpu.memory_space<vmem>>)
      %dma_start3A_323 = arith.constant 12 : i32
      %dma_start3A_324 = arith.constant 2 : i32
      %dma_start3A_325 = arith.constant 0 : i32
      %dma_start3A_326 = arith.constant 0 : i32
      %dma_start3A_327 = tpu.memref_slice %arg8[%dma_start3A_324, %dma_start3A_325, %dma_start3A_326] : memref<5x64x128xf32, #tpu.memory_space<vmem>> -> memref<1x64x128xf32, #tpu.memory_space<vmem>>
      %dma_start3A_328 = tpu.memref_squeeze %dma_start3A_327 : memref<1x64x128xf32, #tpu.memory_space<vmem>> -> memref<64x128xf32, #tpu.memory_space<vmem>>
      %dma_start3A_329 = arith.constant 0 : i32
      %dma_start3A_330 = tpu.memref_slice %arg6[%dma_start3A_323, %dma_start3A_329] : memref<16x64xi32, #tpu.memory_space<vmem>> -> memref<1x64xi32, #tpu.memory_space<vmem>>
      %dma_start3A_331 = tpu.memref_squeeze %dma_start3A_330 : memref<1x64xi32, #tpu.memory_space<vmem>> -> memref<64xi32, #tpu.memory_space<vmem>>
      %dma_start3A_332 = arith.constant 0 : i32
      %dma_start3A_333 = arith.constant 0 : i32
      %dma_start3A_334 = tpu.memref_slice %arg2[%dma_start3A_332, %dma_start3A_333] : memref<10112x128xf32, #tpu.memory_space<hbm>> -> memref<10112x128xf32, #tpu.memory_space<hbm>>
      tpu.enqueue_indirect_dma source(%dma_start3A_334 : memref<10112x128xf32, #tpu.memory_space<hbm>>) target(%dma_start3A_328 : memref<64x128xf32, #tpu.memory_space<vmem>>) offsets(%dma_start3A_331 : memref<64xi32, #tpu.memory_space<vmem>>) semaphore(%arg10 : memref<!tpu.dma_semaphore, #tpu.memory_space<semaphore_mem>>)
      %run_scoped3A_335 = arith.constant 2 : i32
      %run_scoped3A_336 = arith.constant 7 : i32
      "tpu.region"() ({
        %run_scoped3A_485 = tpu.sem_alloc : memref<!tpu.dma_semaphore, #tpu.memory_space<semaphore_mem>>
        %dma_start3A_486 = arith.constant 0 : i32
        %dma_start3A_487 = arith.constant 0 : i32
        %dma_start3A_488 = tpu.memref_slice %arg8[%run_scoped3A_335, %dma_start3A_486, %dma_start3A_487] : memref<5x64x128xf32, #tpu.memory_space<vmem>> -> memref<1x64x128xf32, #tpu.memory_space<vmem>>
        %dma_start3A_489 = tpu.memref_squeeze %dma_start3A_488 : memref<1x64x128xf32, #tpu.memory_space<vmem>> -> memref<64x128xf32, #tpu.memory_space<vmem>>
        %dma_start3A_490 = arith.constant 0 : i32
        %dma_start3A_491 = tpu.memref_slice %arg7[%run_scoped3A_336, %dma_start3A_490] : memref<16x64xi32, #tpu.memory_space<vmem>> -> memref<1x64xi32, #tpu.memory_space<vmem>>
        %dma_start3A_492 = tpu.memref_squeeze %dma_start3A_491 : memref<1x64xi32, #tpu.memory_space<vmem>> -> memref<64xi32, #tpu.memory_space<vmem>>
        %dma_start3A_493 = arith.constant 0 : i32
        %dma_start3A_494 = arith.constant 0 : i32
        %dma_start3A_495 = tpu.memref_slice %arg9[%dma_start3A_493, %dma_start3A_494] : memref<10112x128xf32, #tpu.memory_space<vmem_shared>> -> memref<10112x128xf32, #tpu.memory_space<vmem_shared>>
        tpu.enqueue_indirect_dma source(%dma_start3A_489 : memref<64x128xf32, #tpu.memory_space<vmem>>) target(%dma_start3A_495 : memref<10112x128xf32, #tpu.memory_space<vmem_shared>>) offsets(%dma_start3A_492 : memref<64xi32, #tpu.memory_space<vmem>>) semaphore(%run_scoped3A_485 : memref<!tpu.dma_semaphore, #tpu.memory_space<semaphore_mem>>) {add = true}
        %dma_wait3A_496 = arith.constant 0 : i32
        %dma_wait3A_497 = arith.constant 0 : i32
        %dma_wait3A_498 = tpu.memref_slice %arg8[%run_scoped3A_335, %dma_wait3A_496, %dma_wait3A_497] : memref<5x64x128xf32, #tpu.memory_space<vmem>> -> memref<1x64x128xf32, #tpu.memory_space<vmem>>
        %dma_wait3A_499 = tpu.memref_squeeze %dma_wait3A_498 : memref<1x64x128xf32, #tpu.memory_space<vmem>> -> memref<64x128xf32, #tpu.memory_space<vmem>>
        %dma_wait3A_500 = arith.constant 0 : i32
        %dma_wait3A_501 = tpu.memref_slice %arg7[%run_scoped3A_336, %dma_wait3A_500] : memref<16x64xi32, #tpu.memory_space<vmem>> -> memref<1x64xi32, #tpu.memory_space<vmem>>
        %dma_wait3A_502 = tpu.memref_squeeze %dma_wait3A_501 : memref<1x64xi32, #tpu.memory_space<vmem>> -> memref<64xi32, #tpu.memory_space<vmem>>
        %dma_wait3A_503 = arith.constant 0 : i32
        %dma_wait3A_504 = arith.constant 0 : i32
        %dma_wait3A_505 = tpu.memref_slice %arg9[%dma_wait3A_503, %dma_wait3A_504] : memref<10112x128xf32, #tpu.memory_space<vmem_shared>> -> memref<10112x128xf32, #tpu.memory_space<vmem_shared>>
        tpu.wait_indirect_dma semaphore(%run_scoped3A_485 : memref<!tpu.dma_semaphore, #tpu.memory_space<semaphore_mem>>) src(%dma_wait3A_499 : memref<64x128xf32, #tpu.memory_space<vmem>>) dst(%dma_wait3A_505 : memref<10112x128xf32, #tpu.memory_space<vmem_shared>>)
        tpu.yield
      }) : () -> ()
      %dma_wait3A_337 = arith.constant 8 : i32
      %dma_wait3A_338 = arith.constant 3 : i32
      %dma_wait3A_339 = arith.constant 0 : i32
      %dma_wait3A_340 = arith.constant 0 : i32
      %dma_wait3A_341 = tpu.memref_slice %arg8[%dma_wait3A_338, %dma_wait3A_339, %dma_wait3A_340] : memref<5x64x128xf32, #tpu.memory_space<vmem>> -> memref<1x64x128xf32, #tpu.memory_space<vmem>>
      %dma_wait3A_342 = tpu.memref_squeeze %dma_wait3A_341 : memref<1x64x128xf32, #tpu.memory_space<vmem>> -> memref<64x128xf32, #tpu.memory_space<vmem>>
      %dma_wait3A_343 = arith.constant 0 : i32
      %dma_wait3A_344 = tpu.memref_slice %arg6[%dma_wait3A_337, %dma_wait3A_343] : memref<16x64xi32, #tpu.memory_space<vmem>> -> memref<1x64xi32, #tpu.memory_space<vmem>>
      %dma_wait3A_345 = tpu.memref_squeeze %dma_wait3A_344 : memref<1x64xi32, #tpu.memory_space<vmem>> -> memref<64xi32, #tpu.memory_space<vmem>>
      %dma_wait3A_346 = arith.constant 0 : i32
      %dma_wait3A_347 = arith.constant 0 : i32
      %dma_wait3A_348 = tpu.memref_slice %arg2[%dma_wait3A_346, %dma_wait3A_347] : memref<10112x128xf32, #tpu.memory_space<hbm>> -> memref<10112x128xf32, #tpu.memory_space<hbm>>
      tpu.wait_indirect_dma semaphore(%arg10 : memref<!tpu.dma_semaphore, #tpu.memory_space<semaphore_mem>>) src(%dma_wait3A_348 : memref<10112x128xf32, #tpu.memory_space<hbm>>) dst(%dma_wait3A_342 : memref<64x128xf32, #tpu.memory_space<vmem>>)
      %dma_start3A_349 = arith.constant 13 : i32
      %dma_start3A_350 = arith.constant 3 : i32
      %dma_start3A_351 = arith.constant 0 : i32
      %dma_start3A_352 = arith.constant 0 : i32
      %dma_start3A_353 = tpu.memref_slice %arg8[%dma_start3A_350, %dma_start3A_351, %dma_start3A_352] : memref<5x64x128xf32, #tpu.memory_space<vmem>> -> memref<1x64x128xf32, #tpu.memory_space<vmem>>
      %dma_start3A_354 = tpu.memref_squeeze %dma_start3A_353 : memref<1x64x128xf32, #tpu.memory_space<vmem>> -> memref<64x128xf32, #tpu.memory_space<vmem>>
      %dma_start3A_355 = arith.constant 0 : i32
      %dma_start3A_356 = tpu.memref_slice %arg6[%dma_start3A_349, %dma_start3A_355] : memref<16x64xi32, #tpu.memory_space<vmem>> -> memref<1x64xi32, #tpu.memory_space<vmem>>
      %dma_start3A_357 = tpu.memref_squeeze %dma_start3A_356 : memref<1x64xi32, #tpu.memory_space<vmem>> -> memref<64xi32, #tpu.memory_space<vmem>>
      %dma_start3A_358 = arith.constant 0 : i32
      %dma_start3A_359 = arith.constant 0 : i32
      %dma_start3A_360 = tpu.memref_slice %arg2[%dma_start3A_358, %dma_start3A_359] : memref<10112x128xf32, #tpu.memory_space<hbm>> -> memref<10112x128xf32, #tpu.memory_space<hbm>>
      tpu.enqueue_indirect_dma source(%dma_start3A_360 : memref<10112x128xf32, #tpu.memory_space<hbm>>) target(%dma_start3A_354 : memref<64x128xf32, #tpu.memory_space<vmem>>) offsets(%dma_start3A_357 : memref<64xi32, #tpu.memory_space<vmem>>) semaphore(%arg10 : memref<!tpu.dma_semaphore, #tpu.memory_space<semaphore_mem>>)
      %run_scoped3A_361 = arith.constant 3 : i32
      %run_scoped3A_362 = arith.constant 8 : i32
      "tpu.region"() ({
        %run_scoped3A_485 = tpu.sem_alloc : memref<!tpu.dma_semaphore, #tpu.memory_space<semaphore_mem>>
        %dma_start3A_486 = arith.constant 0 : i32
        %dma_start3A_487 = arith.constant 0 : i32
        %dma_start3A_488 = tpu.memref_slice %arg8[%run_scoped3A_361, %dma_start3A_486, %dma_start3A_487] : memref<5x64x128xf32, #tpu.memory_space<vmem>> -> memref<1x64x128xf32, #tpu.memory_space<vmem>>
        %dma_start3A_489 = tpu.memref_squeeze %dma_start3A_488 : memref<1x64x128xf32, #tpu.memory_space<vmem>> -> memref<64x128xf32, #tpu.memory_space<vmem>>
        %dma_start3A_490 = arith.constant 0 : i32
        %dma_start3A_491 = tpu.memref_slice %arg7[%run_scoped3A_362, %dma_start3A_490] : memref<16x64xi32, #tpu.memory_space<vmem>> -> memref<1x64xi32, #tpu.memory_space<vmem>>
        %dma_start3A_492 = tpu.memref_squeeze %dma_start3A_491 : memref<1x64xi32, #tpu.memory_space<vmem>> -> memref<64xi32, #tpu.memory_space<vmem>>
        %dma_start3A_493 = arith.constant 0 : i32
        %dma_start3A_494 = arith.constant 0 : i32
        %dma_start3A_495 = tpu.memref_slice %arg9[%dma_start3A_493, %dma_start3A_494] : memref<10112x128xf32, #tpu.memory_space<vmem_shared>> -> memref<10112x128xf32, #tpu.memory_space<vmem_shared>>
        tpu.enqueue_indirect_dma source(%dma_start3A_489 : memref<64x128xf32, #tpu.memory_space<vmem>>) target(%dma_start3A_495 : memref<10112x128xf32, #tpu.memory_space<vmem_shared>>) offsets(%dma_start3A_492 : memref<64xi32, #tpu.memory_space<vmem>>) semaphore(%run_scoped3A_485 : memref<!tpu.dma_semaphore, #tpu.memory_space<semaphore_mem>>) {add = true}
        %dma_wait3A_496 = arith.constant 0 : i32
        %dma_wait3A_497 = arith.constant 0 : i32
        %dma_wait3A_498 = tpu.memref_slice %arg8[%run_scoped3A_361, %dma_wait3A_496, %dma_wait3A_497] : memref<5x64x128xf32, #tpu.memory_space<vmem>> -> memref<1x64x128xf32, #tpu.memory_space<vmem>>
        %dma_wait3A_499 = tpu.memref_squeeze %dma_wait3A_498 : memref<1x64x128xf32, #tpu.memory_space<vmem>> -> memref<64x128xf32, #tpu.memory_space<vmem>>
        %dma_wait3A_500 = arith.constant 0 : i32
        %dma_wait3A_501 = tpu.memref_slice %arg7[%run_scoped3A_362, %dma_wait3A_500] : memref<16x64xi32, #tpu.memory_space<vmem>> -> memref<1x64xi32, #tpu.memory_space<vmem>>
        %dma_wait3A_502 = tpu.memref_squeeze %dma_wait3A_501 : memref<1x64xi32, #tpu.memory_space<vmem>> -> memref<64xi32, #tpu.memory_space<vmem>>
        %dma_wait3A_503 = arith.constant 0 : i32
        %dma_wait3A_504 = arith.constant 0 : i32
        %dma_wait3A_505 = tpu.memref_slice %arg9[%dma_wait3A_503, %dma_wait3A_504] : memref<10112x128xf32, #tpu.memory_space<vmem_shared>> -> memref<10112x128xf32, #tpu.memory_space<vmem_shared>>
        tpu.wait_indirect_dma semaphore(%run_scoped3A_485 : memref<!tpu.dma_semaphore, #tpu.memory_space<semaphore_mem>>) src(%dma_wait3A_499 : memref<64x128xf32, #tpu.memory_space<vmem>>) dst(%dma_wait3A_505 : memref<10112x128xf32, #tpu.memory_space<vmem_shared>>)
        tpu.yield
      }) : () -> ()
      %dma_wait3A_363 = arith.constant 9 : i32
      %dma_wait3A_364 = arith.constant 4 : i32
      %dma_wait3A_365 = arith.constant 0 : i32
      %dma_wait3A_366 = arith.constant 0 : i32
      %dma_wait3A_367 = tpu.memref_slice %arg8[%dma_wait3A_364, %dma_wait3A_365, %dma_wait3A_366] : memref<5x64x128xf32, #tpu.memory_space<vmem>> -> memref<1x64x128xf32, #tpu.memory_space<vmem>>
      %dma_wait3A_368 = tpu.memref_squeeze %dma_wait3A_367 : memref<1x64x128xf32, #tpu.memory_space<vmem>> -> memref<64x128xf32, #tpu.memory_space<vmem>>
      %dma_wait3A_369 = arith.constant 0 : i32
      %dma_wait3A_370 = tpu.memref_slice %arg6[%dma_wait3A_363, %dma_wait3A_369] : memref<16x64xi32, #tpu.memory_space<vmem>> -> memref<1x64xi32, #tpu.memory_space<vmem>>
      %dma_wait3A_371 = tpu.memref_squeeze %dma_wait3A_370 : memref<1x64xi32, #tpu.memory_space<vmem>> -> memref<64xi32, #tpu.memory_space<vmem>>
      %dma_wait3A_372 = arith.constant 0 : i32
      %dma_wait3A_373 = arith.constant 0 : i32
      %dma_wait3A_374 = tpu.memref_slice %arg2[%dma_wait3A_372, %dma_wait3A_373] : memref<10112x128xf32, #tpu.memory_space<hbm>> -> memref<10112x128xf32, #tpu.memory_space<hbm>>
      tpu.wait_indirect_dma semaphore(%arg10 : memref<!tpu.dma_semaphore, #tpu.memory_space<semaphore_mem>>) src(%dma_wait3A_374 : memref<10112x128xf32, #tpu.memory_space<hbm>>) dst(%dma_wait3A_368 : memref<64x128xf32, #tpu.memory_space<vmem>>)
      %dma_start3A_375 = arith.constant 14 : i32
      %dma_start3A_376 = arith.constant 4 : i32
      %dma_start3A_377 = arith.constant 0 : i32
      %dma_start3A_378 = arith.constant 0 : i32
      %dma_start3A_379 = tpu.memref_slice %arg8[%dma_start3A_376, %dma_start3A_377, %dma_start3A_378] : memref<5x64x128xf32, #tpu.memory_space<vmem>> -> memref<1x64x128xf32, #tpu.memory_space<vmem>>
      %dma_start3A_380 = tpu.memref_squeeze %dma_start3A_379 : memref<1x64x128xf32, #tpu.memory_space<vmem>> -> memref<64x128xf32, #tpu.memory_space<vmem>>
      %dma_start3A_381 = arith.constant 0 : i32
      %dma_start3A_382 = tpu.memref_slice %arg6[%dma_start3A_375, %dma_start3A_381] : memref<16x64xi32, #tpu.memory_space<vmem>> -> memref<1x64xi32, #tpu.memory_space<vmem>>
      %dma_start3A_383 = tpu.memref_squeeze %dma_start3A_382 : memref<1x64xi32, #tpu.memory_space<vmem>> -> memref<64xi32, #tpu.memory_space<vmem>>
      %dma_start3A_384 = arith.constant 0 : i32
      %dma_start3A_385 = arith.constant 0 : i32
      %dma_start3A_386 = tpu.memref_slice %arg2[%dma_start3A_384, %dma_start3A_385] : memref<10112x128xf32, #tpu.memory_space<hbm>> -> memref<10112x128xf32, #tpu.memory_space<hbm>>
      tpu.enqueue_indirect_dma source(%dma_start3A_386 : memref<10112x128xf32, #tpu.memory_space<hbm>>) target(%dma_start3A_380 : memref<64x128xf32, #tpu.memory_space<vmem>>) offsets(%dma_start3A_383 : memref<64xi32, #tpu.memory_space<vmem>>) semaphore(%arg10 : memref<!tpu.dma_semaphore, #tpu.memory_space<semaphore_mem>>)
      %run_scoped3A_387 = arith.constant 4 : i32
      %run_scoped3A_388 = arith.constant 9 : i32
      "tpu.region"() ({
        %run_scoped3A_485 = tpu.sem_alloc : memref<!tpu.dma_semaphore, #tpu.memory_space<semaphore_mem>>
        %dma_start3A_486 = arith.constant 0 : i32
        %dma_start3A_487 = arith.constant 0 : i32
        %dma_start3A_488 = tpu.memref_slice %arg8[%run_scoped3A_387, %dma_start3A_486, %dma_start3A_487] : memref<5x64x128xf32, #tpu.memory_space<vmem>> -> memref<1x64x128xf32, #tpu.memory_space<vmem>>
        %dma_start3A_489 = tpu.memref_squeeze %dma_start3A_488 : memref<1x64x128xf32, #tpu.memory_space<vmem>> -> memref<64x128xf32, #tpu.memory_space<vmem>>
        %dma_start3A_490 = arith.constant 0 : i32
        %dma_start3A_491 = tpu.memref_slice %arg7[%run_scoped3A_388, %dma_start3A_490] : memref<16x64xi32, #tpu.memory_space<vmem>> -> memref<1x64xi32, #tpu.memory_space<vmem>>
        %dma_start3A_492 = tpu.memref_squeeze %dma_start3A_491 : memref<1x64xi32, #tpu.memory_space<vmem>> -> memref<64xi32, #tpu.memory_space<vmem>>
        %dma_start3A_493 = arith.constant 0 : i32
        %dma_start3A_494 = arith.constant 0 : i32
        %dma_start3A_495 = tpu.memref_slice %arg9[%dma_start3A_493, %dma_start3A_494] : memref<10112x128xf32, #tpu.memory_space<vmem_shared>> -> memref<10112x128xf32, #tpu.memory_space<vmem_shared>>
        tpu.enqueue_indirect_dma source(%dma_start3A_489 : memref<64x128xf32, #tpu.memory_space<vmem>>) target(%dma_start3A_495 : memref<10112x128xf32, #tpu.memory_space<vmem_shared>>) offsets(%dma_start3A_492 : memref<64xi32, #tpu.memory_space<vmem>>) semaphore(%run_scoped3A_485 : memref<!tpu.dma_semaphore, #tpu.memory_space<semaphore_mem>>) {add = true}
        %dma_wait3A_496 = arith.constant 0 : i32
        %dma_wait3A_497 = arith.constant 0 : i32
        %dma_wait3A_498 = tpu.memref_slice %arg8[%run_scoped3A_387, %dma_wait3A_496, %dma_wait3A_497] : memref<5x64x128xf32, #tpu.memory_space<vmem>> -> memref<1x64x128xf32, #tpu.memory_space<vmem>>
        %dma_wait3A_499 = tpu.memref_squeeze %dma_wait3A_498 : memref<1x64x128xf32, #tpu.memory_space<vmem>> -> memref<64x128xf32, #tpu.memory_space<vmem>>
        %dma_wait3A_500 = arith.constant 0 : i32
        %dma_wait3A_501 = tpu.memref_slice %arg7[%run_scoped3A_388, %dma_wait3A_500] : memref<16x64xi32, #tpu.memory_space<vmem>> -> memref<1x64xi32, #tpu.memory_space<vmem>>
        %dma_wait3A_502 = tpu.memref_squeeze %dma_wait3A_501 : memref<1x64xi32, #tpu.memory_space<vmem>> -> memref<64xi32, #tpu.memory_space<vmem>>
        %dma_wait3A_503 = arith.constant 0 : i32
        %dma_wait3A_504 = arith.constant 0 : i32
        %dma_wait3A_505 = tpu.memref_slice %arg9[%dma_wait3A_503, %dma_wait3A_504] : memref<10112x128xf32, #tpu.memory_space<vmem_shared>> -> memref<10112x128xf32, #tpu.memory_space<vmem_shared>>
        tpu.wait_indirect_dma semaphore(%run_scoped3A_485 : memref<!tpu.dma_semaphore, #tpu.memory_space<semaphore_mem>>) src(%dma_wait3A_499 : memref<64x128xf32, #tpu.memory_space<vmem>>) dst(%dma_wait3A_505 : memref<10112x128xf32, #tpu.memory_space<vmem_shared>>)
        tpu.yield
      }) : () -> ()
      %dma_wait3A_389 = arith.constant 10 : i32
      %dma_wait3A_390 = arith.constant 0 : i32
      %dma_wait3A_391 = arith.constant 0 : i32
      %dma_wait3A_392 = arith.constant 0 : i32
      %dma_wait3A_393 = tpu.memref_slice %arg8[%dma_wait3A_390, %dma_wait3A_391, %dma_wait3A_392] : memref<5x64x128xf32, #tpu.memory_space<vmem>> -> memref<1x64x128xf32, #tpu.memory_space<vmem>>
      %dma_wait3A_394 = tpu.memref_squeeze %dma_wait3A_393 : memref<1x64x128xf32, #tpu.memory_space<vmem>> -> memref<64x128xf32, #tpu.memory_space<vmem>>
      %dma_wait3A_395 = arith.constant 0 : i32
      %dma_wait3A_396 = tpu.memref_slice %arg6[%dma_wait3A_389, %dma_wait3A_395] : memref<16x64xi32, #tpu.memory_space<vmem>> -> memref<1x64xi32, #tpu.memory_space<vmem>>
      %dma_wait3A_397 = tpu.memref_squeeze %dma_wait3A_396 : memref<1x64xi32, #tpu.memory_space<vmem>> -> memref<64xi32, #tpu.memory_space<vmem>>
      %dma_wait3A_398 = arith.constant 0 : i32
      %dma_wait3A_399 = arith.constant 0 : i32
      %dma_wait3A_400 = tpu.memref_slice %arg2[%dma_wait3A_398, %dma_wait3A_399] : memref<10112x128xf32, #tpu.memory_space<hbm>> -> memref<10112x128xf32, #tpu.memory_space<hbm>>
      tpu.wait_indirect_dma semaphore(%arg10 : memref<!tpu.dma_semaphore, #tpu.memory_space<semaphore_mem>>) src(%dma_wait3A_400 : memref<10112x128xf32, #tpu.memory_space<hbm>>) dst(%dma_wait3A_394 : memref<64x128xf32, #tpu.memory_space<vmem>>)
      %dma_start3A_401 = arith.constant 15 : i32
      %dma_start3A_402 = arith.constant 0 : i32
      %dma_start3A_403 = arith.constant 0 : i32
      %dma_start3A_404 = arith.constant 0 : i32
      %dma_start3A_405 = tpu.memref_slice %arg8[%dma_start3A_402, %dma_start3A_403, %dma_start3A_404] : memref<5x64x128xf32, #tpu.memory_space<vmem>> -> memref<1x64x128xf32, #tpu.memory_space<vmem>>
      %dma_start3A_406 = tpu.memref_squeeze %dma_start3A_405 : memref<1x64x128xf32, #tpu.memory_space<vmem>> -> memref<64x128xf32, #tpu.memory_space<vmem>>
      %dma_start3A_407 = arith.constant 0 : i32
      %dma_start3A_408 = tpu.memref_slice %arg6[%dma_start3A_401, %dma_start3A_407] : memref<16x64xi32, #tpu.memory_space<vmem>> -> memref<1x64xi32, #tpu.memory_space<vmem>>
      %dma_start3A_409 = tpu.memref_squeeze %dma_start3A_408 : memref<1x64xi32, #tpu.memory_space<vmem>> -> memref<64xi32, #tpu.memory_space<vmem>>
      %dma_start3A_410 = arith.constant 0 : i32
      %dma_start3A_411 = arith.constant 0 : i32
      %dma_start3A_412 = tpu.memref_slice %arg2[%dma_start3A_410, %dma_start3A_411] : memref<10112x128xf32, #tpu.memory_space<hbm>> -> memref<10112x128xf32, #tpu.memory_space<hbm>>
      tpu.enqueue_indirect_dma source(%dma_start3A_412 : memref<10112x128xf32, #tpu.memory_space<hbm>>) target(%dma_start3A_406 : memref<64x128xf32, #tpu.memory_space<vmem>>) offsets(%dma_start3A_409 : memref<64xi32, #tpu.memory_space<vmem>>) semaphore(%arg10 : memref<!tpu.dma_semaphore, #tpu.memory_space<semaphore_mem>>)
      %run_scoped3A_413 = arith.constant 0 : i32
      %run_scoped3A_414 = arith.constant 10 : i32
      "tpu.region"() ({
        %run_scoped3A_485 = tpu.sem_alloc : memref<!tpu.dma_semaphore, #tpu.memory_space<semaphore_mem>>
        %dma_start3A_486 = arith.constant 0 : i32
        %dma_start3A_487 = arith.constant 0 : i32
        %dma_start3A_488 = tpu.memref_slice %arg8[%run_scoped3A_413, %dma_start3A_486, %dma_start3A_487] : memref<5x64x128xf32, #tpu.memory_space<vmem>> -> memref<1x64x128xf32, #tpu.memory_space<vmem>>
        %dma_start3A_489 = tpu.memref_squeeze %dma_start3A_488 : memref<1x64x128xf32, #tpu.memory_space<vmem>> -> memref<64x128xf32, #tpu.memory_space<vmem>>
        %dma_start3A_490 = arith.constant 0 : i32
        %dma_start3A_491 = tpu.memref_slice %arg7[%run_scoped3A_414, %dma_start3A_490] : memref<16x64xi32, #tpu.memory_space<vmem>> -> memref<1x64xi32, #tpu.memory_space<vmem>>
        %dma_start3A_492 = tpu.memref_squeeze %dma_start3A_491 : memref<1x64xi32, #tpu.memory_space<vmem>> -> memref<64xi32, #tpu.memory_space<vmem>>
        %dma_start3A_493 = arith.constant 0 : i32
        %dma_start3A_494 = arith.constant 0 : i32
        %dma_start3A_495 = tpu.memref_slice %arg9[%dma_start3A_493, %dma_start3A_494] : memref<10112x128xf32, #tpu.memory_space<vmem_shared>> -> memref<10112x128xf32, #tpu.memory_space<vmem_shared>>
        tpu.enqueue_indirect_dma source(%dma_start3A_489 : memref<64x128xf32, #tpu.memory_space<vmem>>) target(%dma_start3A_495 : memref<10112x128xf32, #tpu.memory_space<vmem_shared>>) offsets(%dma_start3A_492 : memref<64xi32, #tpu.memory_space<vmem>>) semaphore(%run_scoped3A_485 : memref<!tpu.dma_semaphore, #tpu.memory_space<semaphore_mem>>) {add = true}
        %dma_wait3A_496 = arith.constant 0 : i32
        %dma_wait3A_497 = arith.constant 0 : i32
        %dma_wait3A_498 = tpu.memref_slice %arg8[%run_scoped3A_413, %dma_wait3A_496, %dma_wait3A_497] : memref<5x64x128xf32, #tpu.memory_space<vmem>> -> memref<1x64x128xf32, #tpu.memory_space<vmem>>
        %dma_wait3A_499 = tpu.memref_squeeze %dma_wait3A_498 : memref<1x64x128xf32, #tpu.memory_space<vmem>> -> memref<64x128xf32, #tpu.memory_space<vmem>>
        %dma_wait3A_500 = arith.constant 0 : i32
        %dma_wait3A_501 = tpu.memref_slice %arg7[%run_scoped3A_414, %dma_wait3A_500] : memref<16x64xi32, #tpu.memory_space<vmem>> -> memref<1x64xi32, #tpu.memory_space<vmem>>
        %dma_wait3A_502 = tpu.memref_squeeze %dma_wait3A_501 : memref<1x64xi32, #tpu.memory_space<vmem>> -> memref<64xi32, #tpu.memory_space<vmem>>
        %dma_wait3A_503 = arith.constant 0 : i32
        %dma_wait3A_504 = arith.constant 0 : i32
        %dma_wait3A_505 = tpu.memref_slice %arg9[%dma_wait3A_503, %dma_wait3A_504] : memref<10112x128xf32, #tpu.memory_space<vmem_shared>> -> memref<10112x128xf32, #tpu.memory_space<vmem_shared>>
        tpu.wait_indirect_dma semaphore(%run_scoped3A_485 : memref<!tpu.dma_semaphore, #tpu.memory_space<semaphore_mem>>) src(%dma_wait3A_499 : memref<64x128xf32, #tpu.memory_space<vmem>>) dst(%dma_wait3A_505 : memref<10112x128xf32, #tpu.memory_space<vmem_shared>>)
        tpu.yield
      }) : () -> ()
      %dma_wait3A_415 = arith.constant 11 : i32
      %dma_wait3A_416 = arith.constant 1 : i32
      %dma_wait3A_417 = arith.constant 0 : i32
      %dma_wait3A_418 = arith.constant 0 : i32
      %dma_wait3A_419 = tpu.memref_slice %arg8[%dma_wait3A_416, %dma_wait3A_417, %dma_wait3A_418] : memref<5x64x128xf32, #tpu.memory_space<vmem>> -> memref<1x64x128xf32, #tpu.memory_space<vmem>>
      %dma_wait3A_420 = tpu.memref_squeeze %dma_wait3A_419 : memref<1x64x128xf32, #tpu.memory_space<vmem>> -> memref<64x128xf32, #tpu.memory_space<vmem>>
      %dma_wait3A_421 = arith.constant 0 : i32
      %dma_wait3A_422 = tpu.memref_slice %arg6[%dma_wait3A_415, %dma_wait3A_421] : memref<16x64xi32, #tpu.memory_space<vmem>> -> memref<1x64xi32, #tpu.memory_space<vmem>>
      %dma_wait3A_423 = tpu.memref_squeeze %dma_wait3A_422 : memref<1x64xi32, #tpu.memory_space<vmem>> -> memref<64xi32, #tpu.memory_space<vmem>>
      %dma_wait3A_424 = arith.constant 0 : i32
      %dma_wait3A_425 = arith.constant 0 : i32
      %dma_wait3A_426 = tpu.memref_slice %arg2[%dma_wait3A_424, %dma_wait3A_425] : memref<10112x128xf32, #tpu.memory_space<hbm>> -> memref<10112x128xf32, #tpu.memory_space<hbm>>
      tpu.wait_indirect_dma semaphore(%arg10 : memref<!tpu.dma_semaphore, #tpu.memory_space<semaphore_mem>>) src(%dma_wait3A_426 : memref<10112x128xf32, #tpu.memory_space<hbm>>) dst(%dma_wait3A_420 : memref<64x128xf32, #tpu.memory_space<vmem>>)
      %run_scoped3A_427 = arith.constant 1 : i32
      %run_scoped3A_428 = arith.constant 11 : i32
      "tpu.region"() ({
        %run_scoped3A_485 = tpu.sem_alloc : memref<!tpu.dma_semaphore, #tpu.memory_space<semaphore_mem>>
        %dma_start3A_486 = arith.constant 0 : i32
        %dma_start3A_487 = arith.constant 0 : i32
        %dma_start3A_488 = tpu.memref_slice %arg8[%run_scoped3A_427, %dma_start3A_486, %dma_start3A_487] : memref<5x64x128xf32, #tpu.memory_space<vmem>> -> memref<1x64x128xf32, #tpu.memory_space<vmem>>
        %dma_start3A_489 = tpu.memref_squeeze %dma_start3A_488 : memref<1x64x128xf32, #tpu.memory_space<vmem>> -> memref<64x128xf32, #tpu.memory_space<vmem>>
        %dma_start3A_490 = arith.constant 0 : i32
        %dma_start3A_491 = tpu.memref_slice %arg7[%run_scoped3A_428, %dma_start3A_490] : memref<16x64xi32, #tpu.memory_space<vmem>> -> memref<1x64xi32, #tpu.memory_space<vmem>>
        %dma_start3A_492 = tpu.memref_squeeze %dma_start3A_491 : memref<1x64xi32, #tpu.memory_space<vmem>> -> memref<64xi32, #tpu.memory_space<vmem>>
        %dma_start3A_493 = arith.constant 0 : i32
        %dma_start3A_494 = arith.constant 0 : i32
        %dma_start3A_495 = tpu.memref_slice %arg9[%dma_start3A_493, %dma_start3A_494] : memref<10112x128xf32, #tpu.memory_space<vmem_shared>> -> memref<10112x128xf32, #tpu.memory_space<vmem_shared>>
        tpu.enqueue_indirect_dma source(%dma_start3A_489 : memref<64x128xf32, #tpu.memory_space<vmem>>) target(%dma_start3A_495 : memref<10112x128xf32, #tpu.memory_space<vmem_shared>>) offsets(%dma_start3A_492 : memref<64xi32, #tpu.memory_space<vmem>>) semaphore(%run_scoped3A_485 : memref<!tpu.dma_semaphore, #tpu.memory_space<semaphore_mem>>) {add = true}
        %dma_wait3A_496 = arith.constant 0 : i32
        %dma_wait3A_497 = arith.constant 0 : i32
        %dma_wait3A_498 = tpu.memref_slice %arg8[%run_scoped3A_427, %dma_wait3A_496, %dma_wait3A_497] : memref<5x64x128xf32, #tpu.memory_space<vmem>> -> memref<1x64x128xf32, #tpu.memory_space<vmem>>
        %dma_wait3A_499 = tpu.memref_squeeze %dma_wait3A_498 : memref<1x64x128xf32, #tpu.memory_space<vmem>> -> memref<64x128xf32, #tpu.memory_space<vmem>>
        %dma_wait3A_500 = arith.constant 0 : i32
        %dma_wait3A_501 = tpu.memref_slice %arg7[%run_scoped3A_428, %dma_wait3A_500] : memref<16x64xi32, #tpu.memory_space<vmem>> -> memref<1x64xi32, #tpu.memory_space<vmem>>
        %dma_wait3A_502 = tpu.memref_squeeze %dma_wait3A_501 : memref<1x64xi32, #tpu.memory_space<vmem>> -> memref<64xi32, #tpu.memory_space<vmem>>
        %dma_wait3A_503 = arith.constant 0 : i32
        %dma_wait3A_504 = arith.constant 0 : i32
        %dma_wait3A_505 = tpu.memref_slice %arg9[%dma_wait3A_503, %dma_wait3A_504] : memref<10112x128xf32, #tpu.memory_space<vmem_shared>> -> memref<10112x128xf32, #tpu.memory_space<vmem_shared>>
        tpu.wait_indirect_dma semaphore(%run_scoped3A_485 : memref<!tpu.dma_semaphore, #tpu.memory_space<semaphore_mem>>) src(%dma_wait3A_499 : memref<64x128xf32, #tpu.memory_space<vmem>>) dst(%dma_wait3A_505 : memref<10112x128xf32, #tpu.memory_space<vmem_shared>>)
        tpu.yield
      }) : () -> ()
      %dma_wait3A_429 = arith.constant 12 : i32
      %dma_wait3A_430 = arith.constant 2 : i32
      %dma_wait3A_431 = arith.constant 0 : i32
      %dma_wait3A_432 = arith.constant 0 : i32
      %dma_wait3A_433 = tpu.memref_slice %arg8[%dma_wait3A_430, %dma_wait3A_431, %dma_wait3A_432] : memref<5x64x128xf32, #tpu.memory_space<vmem>> -> memref<1x64x128xf32, #tpu.memory_space<vmem>>
      %dma_wait3A_434 = tpu.memref_squeeze %dma_wait3A_433 : memref<1x64x128xf32, #tpu.memory_space<vmem>> -> memref<64x128xf32, #tpu.memory_space<vmem>>
      %dma_wait3A_435 = arith.constant 0 : i32
      %dma_wait3A_436 = tpu.memref_slice %arg6[%dma_wait3A_429, %dma_wait3A_435] : memref<16x64xi32, #tpu.memory_space<vmem>> -> memref<1x64xi32, #tpu.memory_space<vmem>>
      %dma_wait3A_437 = tpu.memref_squeeze %dma_wait3A_436 : memref<1x64xi32, #tpu.memory_space<vmem>> -> memref<64xi32, #tpu.memory_space<vmem>>
      %dma_wait3A_438 = arith.constant 0 : i32
      %dma_wait3A_439 = arith.constant 0 : i32
      %dma_wait3A_440 = tpu.memref_slice %arg2[%dma_wait3A_438, %dma_wait3A_439] : memref<10112x128xf32, #tpu.memory_space<hbm>> -> memref<10112x128xf32, #tpu.memory_space<hbm>>
      tpu.wait_indirect_dma semaphore(%arg10 : memref<!tpu.dma_semaphore, #tpu.memory_space<semaphore_mem>>) src(%dma_wait3A_440 : memref<10112x128xf32, #tpu.memory_space<hbm>>) dst(%dma_wait3A_434 : memref<64x128xf32, #tpu.memory_space<vmem>>)
      %run_scoped3A_441 = arith.constant 2 : i32
      %run_scoped3A_442 = arith.constant 12 : i32
      "tpu.region"() ({
        %run_scoped3A_485 = tpu.sem_alloc : memref<!tpu.dma_semaphore, #tpu.memory_space<semaphore_mem>>
        %dma_start3A_486 = arith.constant 0 : i32
        %dma_start3A_487 = arith.constant 0 : i32
        %dma_start3A_488 = tpu.memref_slice %arg8[%run_scoped3A_441, %dma_start3A_486, %dma_start3A_487] : memref<5x64x128xf32, #tpu.memory_space<vmem>> -> memref<1x64x128xf32, #tpu.memory_space<vmem>>
        %dma_start3A_489 = tpu.memref_squeeze %dma_start3A_488 : memref<1x64x128xf32, #tpu.memory_space<vmem>> -> memref<64x128xf32, #tpu.memory_space<vmem>>
        %dma_start3A_490 = arith.constant 0 : i32
        %dma_start3A_491 = tpu.memref_slice %arg7[%run_scoped3A_442, %dma_start3A_490] : memref<16x64xi32, #tpu.memory_space<vmem>> -> memref<1x64xi32, #tpu.memory_space<vmem>>
        %dma_start3A_492 = tpu.memref_squeeze %dma_start3A_491 : memref<1x64xi32, #tpu.memory_space<vmem>> -> memref<64xi32, #tpu.memory_space<vmem>>
        %dma_start3A_493 = arith.constant 0 : i32
        %dma_start3A_494 = arith.constant 0 : i32
        %dma_start3A_495 = tpu.memref_slice %arg9[%dma_start3A_493, %dma_start3A_494] : memref<10112x128xf32, #tpu.memory_space<vmem_shared>> -> memref<10112x128xf32, #tpu.memory_space<vmem_shared>>
        tpu.enqueue_indirect_dma source(%dma_start3A_489 : memref<64x128xf32, #tpu.memory_space<vmem>>) target(%dma_start3A_495 : memref<10112x128xf32, #tpu.memory_space<vmem_shared>>) offsets(%dma_start3A_492 : memref<64xi32, #tpu.memory_space<vmem>>) semaphore(%run_scoped3A_485 : memref<!tpu.dma_semaphore, #tpu.memory_space<semaphore_mem>>) {add = true}
        %dma_wait3A_496 = arith.constant 0 : i32
        %dma_wait3A_497 = arith.constant 0 : i32
        %dma_wait3A_498 = tpu.memref_slice %arg8[%run_scoped3A_441, %dma_wait3A_496, %dma_wait3A_497] : memref<5x64x128xf32, #tpu.memory_space<vmem>> -> memref<1x64x128xf32, #tpu.memory_space<vmem>>
        %dma_wait3A_499 = tpu.memref_squeeze %dma_wait3A_498 : memref<1x64x128xf32, #tpu.memory_space<vmem>> -> memref<64x128xf32, #tpu.memory_space<vmem>>
        %dma_wait3A_500 = arith.constant 0 : i32
        %dma_wait3A_501 = tpu.memref_slice %arg7[%run_scoped3A_442, %dma_wait3A_500] : memref<16x64xi32, #tpu.memory_space<vmem>> -> memref<1x64xi32, #tpu.memory_space<vmem>>
        %dma_wait3A_502 = tpu.memref_squeeze %dma_wait3A_501 : memref<1x64xi32, #tpu.memory_space<vmem>> -> memref<64xi32, #tpu.memory_space<vmem>>
        %dma_wait3A_503 = arith.constant 0 : i32
        %dma_wait3A_504 = arith.constant 0 : i32
        %dma_wait3A_505 = tpu.memref_slice %arg9[%dma_wait3A_503, %dma_wait3A_504] : memref<10112x128xf32, #tpu.memory_space<vmem_shared>> -> memref<10112x128xf32, #tpu.memory_space<vmem_shared>>
        tpu.wait_indirect_dma semaphore(%run_scoped3A_485 : memref<!tpu.dma_semaphore, #tpu.memory_space<semaphore_mem>>) src(%dma_wait3A_499 : memref<64x128xf32, #tpu.memory_space<vmem>>) dst(%dma_wait3A_505 : memref<10112x128xf32, #tpu.memory_space<vmem_shared>>)
        tpu.yield
      }) : () -> ()
      %dma_wait3A_443 = arith.constant 13 : i32
      %dma_wait3A_444 = arith.constant 3 : i32
      %dma_wait3A_445 = arith.constant 0 : i32
      %dma_wait3A_446 = arith.constant 0 : i32
      %dma_wait3A_447 = tpu.memref_slice %arg8[%dma_wait3A_444, %dma_wait3A_445, %dma_wait3A_446] : memref<5x64x128xf32, #tpu.memory_space<vmem>> -> memref<1x64x128xf32, #tpu.memory_space<vmem>>
      %dma_wait3A_448 = tpu.memref_squeeze %dma_wait3A_447 : memref<1x64x128xf32, #tpu.memory_space<vmem>> -> memref<64x128xf32, #tpu.memory_space<vmem>>
      %dma_wait3A_449 = arith.constant 0 : i32
      %dma_wait3A_450 = tpu.memref_slice %arg6[%dma_wait3A_443, %dma_wait3A_449] : memref<16x64xi32, #tpu.memory_space<vmem>> -> memref<1x64xi32, #tpu.memory_space<vmem>>
      %dma_wait3A_451 = tpu.memref_squeeze %dma_wait3A_450 : memref<1x64xi32, #tpu.memory_space<vmem>> -> memref<64xi32, #tpu.memory_space<vmem>>
      %dma_wait3A_452 = arith.constant 0 : i32
      %dma_wait3A_453 = arith.constant 0 : i32
      %dma_wait3A_454 = tpu.memref_slice %arg2[%dma_wait3A_452, %dma_wait3A_453] : memref<10112x128xf32, #tpu.memory_space<hbm>> -> memref<10112x128xf32, #tpu.memory_space<hbm>>
      tpu.wait_indirect_dma semaphore(%arg10 : memref<!tpu.dma_semaphore, #tpu.memory_space<semaphore_mem>>) src(%dma_wait3A_454 : memref<10112x128xf32, #tpu.memory_space<hbm>>) dst(%dma_wait3A_448 : memref<64x128xf32, #tpu.memory_space<vmem>>)
      %run_scoped3A_455 = arith.constant 3 : i32
      %run_scoped3A_456 = arith.constant 13 : i32
      "tpu.region"() ({
        %run_scoped3A_485 = tpu.sem_alloc : memref<!tpu.dma_semaphore, #tpu.memory_space<semaphore_mem>>
        %dma_start3A_486 = arith.constant 0 : i32
        %dma_start3A_487 = arith.constant 0 : i32
        %dma_start3A_488 = tpu.memref_slice %arg8[%run_scoped3A_455, %dma_start3A_486, %dma_start3A_487] : memref<5x64x128xf32, #tpu.memory_space<vmem>> -> memref<1x64x128xf32, #tpu.memory_space<vmem>>
        %dma_start3A_489 = tpu.memref_squeeze %dma_start3A_488 : memref<1x64x128xf32, #tpu.memory_space<vmem>> -> memref<64x128xf32, #tpu.memory_space<vmem>>
        %dma_start3A_490 = arith.constant 0 : i32
        %dma_start3A_491 = tpu.memref_slice %arg7[%run_scoped3A_456, %dma_start3A_490] : memref<16x64xi32, #tpu.memory_space<vmem>> -> memref<1x64xi32, #tpu.memory_space<vmem>>
        %dma_start3A_492 = tpu.memref_squeeze %dma_start3A_491 : memref<1x64xi32, #tpu.memory_space<vmem>> -> memref<64xi32, #tpu.memory_space<vmem>>
        %dma_start3A_493 = arith.constant 0 : i32
        %dma_start3A_494 = arith.constant 0 : i32
        %dma_start3A_495 = tpu.memref_slice %arg9[%dma_start3A_493, %dma_start3A_494] : memref<10112x128xf32, #tpu.memory_space<vmem_shared>> -> memref<10112x128xf32, #tpu.memory_space<vmem_shared>>
        tpu.enqueue_indirect_dma source(%dma_start3A_489 : memref<64x128xf32, #tpu.memory_space<vmem>>) target(%dma_start3A_495 : memref<10112x128xf32, #tpu.memory_space<vmem_shared>>) offsets(%dma_start3A_492 : memref<64xi32, #tpu.memory_space<vmem>>) semaphore(%run_scoped3A_485 : memref<!tpu.dma_semaphore, #tpu.memory_space<semaphore_mem>>) {add = true}
        %dma_wait3A_496 = arith.constant 0 : i32
        %dma_wait3A_497 = arith.constant 0 : i32
        %dma_wait3A_498 = tpu.memref_slice %arg8[%run_scoped3A_455, %dma_wait3A_496, %dma_wait3A_497] : memref<5x64x128xf32, #tpu.memory_space<vmem>> -> memref<1x64x128xf32, #tpu.memory_space<vmem>>
        %dma_wait3A_499 = tpu.memref_squeeze %dma_wait3A_498 : memref<1x64x128xf32, #tpu.memory_space<vmem>> -> memref<64x128xf32, #tpu.memory_space<vmem>>
        %dma_wait3A_500 = arith.constant 0 : i32
        %dma_wait3A_501 = tpu.memref_slice %arg7[%run_scoped3A_456, %dma_wait3A_500] : memref<16x64xi32, #tpu.memory_space<vmem>> -> memref<1x64xi32, #tpu.memory_space<vmem>>
        %dma_wait3A_502 = tpu.memref_squeeze %dma_wait3A_501 : memref<1x64xi32, #tpu.memory_space<vmem>> -> memref<64xi32, #tpu.memory_space<vmem>>
        %dma_wait3A_503 = arith.constant 0 : i32
        %dma_wait3A_504 = arith.constant 0 : i32
        %dma_wait3A_505 = tpu.memref_slice %arg9[%dma_wait3A_503, %dma_wait3A_504] : memref<10112x128xf32, #tpu.memory_space<vmem_shared>> -> memref<10112x128xf32, #tpu.memory_space<vmem_shared>>
        tpu.wait_indirect_dma semaphore(%run_scoped3A_485 : memref<!tpu.dma_semaphore, #tpu.memory_space<semaphore_mem>>) src(%dma_wait3A_499 : memref<64x128xf32, #tpu.memory_space<vmem>>) dst(%dma_wait3A_505 : memref<10112x128xf32, #tpu.memory_space<vmem_shared>>)
        tpu.yield
      }) : () -> ()
      %dma_wait3A_457 = arith.constant 14 : i32
      %dma_wait3A_458 = arith.constant 4 : i32
      %dma_wait3A_459 = arith.constant 0 : i32
      %dma_wait3A_460 = arith.constant 0 : i32
      %dma_wait3A_461 = tpu.memref_slice %arg8[%dma_wait3A_458, %dma_wait3A_459, %dma_wait3A_460] : memref<5x64x128xf32, #tpu.memory_space<vmem>> -> memref<1x64x128xf32, #tpu.memory_space<vmem>>
      %dma_wait3A_462 = tpu.memref_squeeze %dma_wait3A_461 : memref<1x64x128xf32, #tpu.memory_space<vmem>> -> memref<64x128xf32, #tpu.memory_space<vmem>>
      %dma_wait3A_463 = arith.constant 0 : i32
      %dma_wait3A_464 = tpu.memref_slice %arg6[%dma_wait3A_457, %dma_wait3A_463] : memref<16x64xi32, #tpu.memory_space<vmem>> -> memref<1x64xi32, #tpu.memory_space<vmem>>
      %dma_wait3A_465 = tpu.memref_squeeze %dma_wait3A_464 : memref<1x64xi32, #tpu.memory_space<vmem>> -> memref<64xi32, #tpu.memory_space<vmem>>
      %dma_wait3A_466 = arith.constant 0 : i32
      %dma_wait3A_467 = arith.constant 0 : i32
      %dma_wait3A_468 = tpu.memref_slice %arg2[%dma_wait3A_466, %dma_wait3A_467] : memref<10112x128xf32, #tpu.memory_space<hbm>> -> memref<10112x128xf32, #tpu.memory_space<hbm>>
      tpu.wait_indirect_dma semaphore(%arg10 : memref<!tpu.dma_semaphore, #tpu.memory_space<semaphore_mem>>) src(%dma_wait3A_468 : memref<10112x128xf32, #tpu.memory_space<hbm>>) dst(%dma_wait3A_462 : memref<64x128xf32, #tpu.memory_space<vmem>>)
      %run_scoped3A_469 = arith.constant 4 : i32
      %run_scoped3A_470 = arith.constant 14 : i32
      "tpu.region"() ({
        %run_scoped3A_485 = tpu.sem_alloc : memref<!tpu.dma_semaphore, #tpu.memory_space<semaphore_mem>>
        %dma_start3A_486 = arith.constant 0 : i32
        %dma_start3A_487 = arith.constant 0 : i32
        %dma_start3A_488 = tpu.memref_slice %arg8[%run_scoped3A_469, %dma_start3A_486, %dma_start3A_487] : memref<5x64x128xf32, #tpu.memory_space<vmem>> -> memref<1x64x128xf32, #tpu.memory_space<vmem>>
        %dma_start3A_489 = tpu.memref_squeeze %dma_start3A_488 : memref<1x64x128xf32, #tpu.memory_space<vmem>> -> memref<64x128xf32, #tpu.memory_space<vmem>>
        %dma_start3A_490 = arith.constant 0 : i32
        %dma_start3A_491 = tpu.memref_slice %arg7[%run_scoped3A_470, %dma_start3A_490] : memref<16x64xi32, #tpu.memory_space<vmem>> -> memref<1x64xi32, #tpu.memory_space<vmem>>
        %dma_start3A_492 = tpu.memref_squeeze %dma_start3A_491 : memref<1x64xi32, #tpu.memory_space<vmem>> -> memref<64xi32, #tpu.memory_space<vmem>>
        %dma_start3A_493 = arith.constant 0 : i32
        %dma_start3A_494 = arith.constant 0 : i32
        %dma_start3A_495 = tpu.memref_slice %arg9[%dma_start3A_493, %dma_start3A_494] : memref<10112x128xf32, #tpu.memory_space<vmem_shared>> -> memref<10112x128xf32, #tpu.memory_space<vmem_shared>>
        tpu.enqueue_indirect_dma source(%dma_start3A_489 : memref<64x128xf32, #tpu.memory_space<vmem>>) target(%dma_start3A_495 : memref<10112x128xf32, #tpu.memory_space<vmem_shared>>) offsets(%dma_start3A_492 : memref<64xi32, #tpu.memory_space<vmem>>) semaphore(%run_scoped3A_485 : memref<!tpu.dma_semaphore, #tpu.memory_space<semaphore_mem>>) {add = true}
        %dma_wait3A_496 = arith.constant 0 : i32
        %dma_wait3A_497 = arith.constant 0 : i32
        %dma_wait3A_498 = tpu.memref_slice %arg8[%run_scoped3A_469, %dma_wait3A_496, %dma_wait3A_497] : memref<5x64x128xf32, #tpu.memory_space<vmem>> -> memref<1x64x128xf32, #tpu.memory_space<vmem>>
        %dma_wait3A_499 = tpu.memref_squeeze %dma_wait3A_498 : memref<1x64x128xf32, #tpu.memory_space<vmem>> -> memref<64x128xf32, #tpu.memory_space<vmem>>
        %dma_wait3A_500 = arith.constant 0 : i32
        %dma_wait3A_501 = tpu.memref_slice %arg7[%run_scoped3A_470, %dma_wait3A_500] : memref<16x64xi32, #tpu.memory_space<vmem>> -> memref<1x64xi32, #tpu.memory_space<vmem>>
        %dma_wait3A_502 = tpu.memref_squeeze %dma_wait3A_501 : memref<1x64xi32, #tpu.memory_space<vmem>> -> memref<64xi32, #tpu.memory_space<vmem>>
        %dma_wait3A_503 = arith.constant 0 : i32
        %dma_wait3A_504 = arith.constant 0 : i32
        %dma_wait3A_505 = tpu.memref_slice %arg9[%dma_wait3A_503, %dma_wait3A_504] : memref<10112x128xf32, #tpu.memory_space<vmem_shared>> -> memref<10112x128xf32, #tpu.memory_space<vmem_shared>>
        tpu.wait_indirect_dma semaphore(%run_scoped3A_485 : memref<!tpu.dma_semaphore, #tpu.memory_space<semaphore_mem>>) src(%dma_wait3A_499 : memref<64x128xf32, #tpu.memory_space<vmem>>) dst(%dma_wait3A_505 : memref<10112x128xf32, #tpu.memory_space<vmem_shared>>)
        tpu.yield
      }) : () -> ()
      %dma_wait3A_471 = arith.constant 15 : i32
      %dma_wait3A_472 = arith.constant 0 : i32
      %dma_wait3A_473 = arith.constant 0 : i32
      %dma_wait3A_474 = arith.constant 0 : i32
      %dma_wait3A_475 = tpu.memref_slice %arg8[%dma_wait3A_472, %dma_wait3A_473, %dma_wait3A_474] : memref<5x64x128xf32, #tpu.memory_space<vmem>> -> memref<1x64x128xf32, #tpu.memory_space<vmem>>
      %dma_wait3A_476 = tpu.memref_squeeze %dma_wait3A_475 : memref<1x64x128xf32, #tpu.memory_space<vmem>> -> memref<64x128xf32, #tpu.memory_space<vmem>>
      %dma_wait3A_477 = arith.constant 0 : i32
      %dma_wait3A_478 = tpu.memref_slice %arg6[%dma_wait3A_471, %dma_wait3A_477] : memref<16x64xi32, #tpu.memory_space<vmem>> -> memref<1x64xi32, #tpu.memory_space<vmem>>
      %dma_wait3A_479 = tpu.memref_squeeze %dma_wait3A_478 : memref<1x64xi32, #tpu.memory_space<vmem>> -> memref<64xi32, #tpu.memory_space<vmem>>
      %dma_wait3A_480 = arith.constant 0 : i32
      %dma_wait3A_481 = arith.constant 0 : i32
      %dma_wait3A_482 = tpu.memref_slice %arg2[%dma_wait3A_480, %dma_wait3A_481] : memref<10112x128xf32, #tpu.memory_space<hbm>> -> memref<10112x128xf32, #tpu.memory_space<hbm>>
      tpu.wait_indirect_dma semaphore(%arg10 : memref<!tpu.dma_semaphore, #tpu.memory_space<semaphore_mem>>) src(%dma_wait3A_482 : memref<10112x128xf32, #tpu.memory_space<hbm>>) dst(%dma_wait3A_476 : memref<64x128xf32, #tpu.memory_space<vmem>>)
      %run_scoped3A_483 = arith.constant 0 : i32
      %run_scoped3A_484 = arith.constant 15 : i32
      "tpu.region"() ({
        %run_scoped3A_485 = tpu.sem_alloc : memref<!tpu.dma_semaphore, #tpu.memory_space<semaphore_mem>>
        %dma_start3A_486 = arith.constant 0 : i32
        %dma_start3A_487 = arith.constant 0 : i32
        %dma_start3A_488 = tpu.memref_slice %arg8[%run_scoped3A_483, %dma_start3A_486, %dma_start3A_487] : memref<5x64x128xf32, #tpu.memory_space<vmem>> -> memref<1x64x128xf32, #tpu.memory_space<vmem>>
        %dma_start3A_489 = tpu.memref_squeeze %dma_start3A_488 : memref<1x64x128xf32, #tpu.memory_space<vmem>> -> memref<64x128xf32, #tpu.memory_space<vmem>>
        %dma_start3A_490 = arith.constant 0 : i32
        %dma_start3A_491 = tpu.memref_slice %arg7[%run_scoped3A_484, %dma_start3A_490] : memref<16x64xi32, #tpu.memory_space<vmem>> -> memref<1x64xi32, #tpu.memory_space<vmem>>
        %dma_start3A_492 = tpu.memref_squeeze %dma_start3A_491 : memref<1x64xi32, #tpu.memory_space<vmem>> -> memref<64xi32, #tpu.memory_space<vmem>>
        %dma_start3A_493 = arith.constant 0 : i32
        %dma_start3A_494 = arith.constant 0 : i32
        %dma_start3A_495 = tpu.memref_slice %arg9[%dma_start3A_493, %dma_start3A_494] : memref<10112x128xf32, #tpu.memory_space<vmem_shared>> -> memref<10112x128xf32, #tpu.memory_space<vmem_shared>>
        tpu.enqueue_indirect_dma source(%dma_start3A_489 : memref<64x128xf32, #tpu.memory_space<vmem>>) target(%dma_start3A_495 : memref<10112x128xf32, #tpu.memory_space<vmem_shared>>) offsets(%dma_start3A_492 : memref<64xi32, #tpu.memory_space<vmem>>) semaphore(%run_scoped3A_485 : memref<!tpu.dma_semaphore, #tpu.memory_space<semaphore_mem>>) {add = true}
        %dma_wait3A_496 = arith.constant 0 : i32
        %dma_wait3A_497 = arith.constant 0 : i32
        %dma_wait3A_498 = tpu.memref_slice %arg8[%run_scoped3A_483, %dma_wait3A_496, %dma_wait3A_497] : memref<5x64x128xf32, #tpu.memory_space<vmem>> -> memref<1x64x128xf32, #tpu.memory_space<vmem>>
        %dma_wait3A_499 = tpu.memref_squeeze %dma_wait3A_498 : memref<1x64x128xf32, #tpu.memory_space<vmem>> -> memref<64x128xf32, #tpu.memory_space<vmem>>
        %dma_wait3A_500 = arith.constant 0 : i32
        %dma_wait3A_501 = tpu.memref_slice %arg7[%run_scoped3A_484, %dma_wait3A_500] : memref<16x64xi32, #tpu.memory_space<vmem>> -> memref<1x64xi32, #tpu.memory_space<vmem>>
        %dma_wait3A_502 = tpu.memref_squeeze %dma_wait3A_501 : memref<1x64xi32, #tpu.memory_space<vmem>> -> memref<64xi32, #tpu.memory_space<vmem>>
        %dma_wait3A_503 = arith.constant 0 : i32
        %dma_wait3A_504 = arith.constant 0 : i32
        %dma_wait3A_505 = tpu.memref_slice %arg9[%dma_wait3A_503, %dma_wait3A_504] : memref<10112x128xf32, #tpu.memory_space<vmem_shared>> -> memref<10112x128xf32, #tpu.memory_space<vmem_shared>>
        tpu.wait_indirect_dma semaphore(%run_scoped3A_485 : memref<!tpu.dma_semaphore, #tpu.memory_space<semaphore_mem>>) src(%dma_wait3A_499 : memref<64x128xf32, #tpu.memory_space<vmem>>) dst(%dma_wait3A_505 : memref<10112x128xf32, #tpu.memory_space<vmem_shared>>)
        tpu.yield
      }) : () -> ()
    }
    %scan3A_53 = arith.constant 10 : i32
    %barrier3A_54 = arith.constant 0 : index
    tpu.barrier barrier_id(%barrier3A_54)
    %mul3A_55 = arith.constant 632 : i32
    %mul3A_56 = arith.muli %arg1, %mul3A_55 : i32
    %multiple_of3A_57 = tpu.assume_multiple %mul3A_56, 8 : i32
    %mul3A_58 = arith.constant 10112 : i32
    %mul3A_59 = arith.muli %arg0, %mul3A_58 : i32
    %mul3A_60 = arith.constant 632 : i32
    %mul3A_61 = arith.muli %arg1, %mul3A_60 : i32
    %add3A_62 = arith.addi %mul3A_59, %mul3A_61 : i32
    %multiple_of3A_63 = tpu.assume_multiple %add3A_62, 8 : i32
    "tpu.region"() ({
      %run_scoped3A_64 = tpu.sem_alloc : memref<!tpu.dma_semaphore, #tpu.memory_space<semaphore_mem>>
      %dma_start3A = arith.constant 0 : i32
      %dma_start3A_65 = tpu.memref_slice %arg5[%multiple_of3A_63, %dma_start3A] : memref<20224x128xf32, #tpu.memory_space<hbm>> -> memref<632x128xf32, #tpu.memory_space<hbm>>
      %dma_start3A_66 = arith.constant 0 : i32
      %dma_start3A_67 = tpu.memref_slice %arg9[%multiple_of3A_57, %dma_start3A_66] : memref<10112x128xf32, #tpu.memory_space<vmem_shared>> -> memref<632x128xf32, #tpu.memory_space<vmem_shared>>
      tpu.enqueue_dma source(%dma_start3A_67 : memref<632x128xf32, #tpu.memory_space<vmem_shared>>) target(%dma_start3A_65 : memref<632x128xf32, #tpu.memory_space<hbm>>) target_semaphore(%run_scoped3A_64 : memref<!tpu.dma_semaphore, #tpu.memory_space<semaphore_mem>>)
      %dma_wait3A = arith.constant 0 : i32
      %dma_wait3A_68 = tpu.memref_slice %arg5[%multiple_of3A_63, %dma_wait3A] : memref<20224x128xf32, #tpu.memory_space<hbm>> -> memref<632x128xf32, #tpu.memory_space<hbm>>
      %dma_wait3A_69 = arith.constant 0 : i32
      %dma_wait3A_70 = tpu.memref_slice %arg9[%multiple_of3A_57, %dma_wait3A_69] : memref<10112x128xf32, #tpu.memory_space<vmem_shared>> -> memref<632x128xf32, #tpu.memory_space<vmem_shared>>
      tpu.wait_dma2 semaphore(%run_scoped3A_64 : memref<!tpu.dma_semaphore, #tpu.memory_space<semaphore_mem>>) src(%dma_wait3A_70 : memref<632x128xf32, #tpu.memory_space<vmem_shared>>) dst(%dma_wait3A_68 : memref<632x128xf32, #tpu.memory_space<hbm>>)
      tpu.yield
    }) : () -> ()
    return
  }
}

#map = affine_map<(d0, d1) -> (0, 0)>
module attributes {stable_mosaic.version = 14 : i64} {
  func.func @deg_kernel(%arg0: i32, %arg1: i32, %arg2: memref<5120x64xi32, #tpu.memory_space<hbm>>, %arg3: memref<20224x16xf32, #tpu.memory_space<hbm>>, %arg4: memref<160x64xi32, #tpu.memory_space<vmem>>, %arg5: memref<64x16xf32, #tpu.memory_space<vmem>>, %arg6: memref<64x16xf32, #tpu.memory_space<vmem>>, %arg7: memref<10112x16xf32, #tpu.memory_space<vmem_shared>>) attributes {dimension_semantics = [#tpu.dimension_semantics<core_parallel>, #tpu.dimension_semantics<subcore_parallel>], iteration_bounds = array<i64: 2, 16>, scalar_prefetch = 0 : i64, scratch_operands = 4 : i64, tpu.core_type = #tpu.core_type<sc_vector_subcore>, window_params = [{transform_indices = #map}, {transform_indices = #map}]} {
    %mul3A = arith.constant 16 : i32
    %mul3A_0 = arith.muli %arg0, %mul3A : i32
    %add3A = arith.addi %mul3A_0, %arg1 : i32
    %broadcast_in_dim3A = arith.constant 1.000000e+00 : f32
    %broadcast_in_dim3A_1 = vector.broadcast %broadcast_in_dim3A : f32 to vector<16xf32>
    %scan3A = arith.constant 0 : i32
    %scan3A_2 = arith.constant 0 : i32
    %scan3A_3 = arith.constant 64 : i32
    %scan3A_4 = arith.addi %scan3A_2, %scan3A_3 : i32
    %scan3A_5 = arith.constant 1 : i32
    scf.for %scan3A_65 = %scan3A_2 to %scan3A_4 step %scan3A_5  : i32 {
      %swap3A = arith.index_cast %scan3A_65 : i32 to index
      %swap3A_66 = arith.constant 0 : index
      %swap3A_67 = tpu.vector_load %arg5[%swap3A, %swap3A_66] {strides = array<i32>} : memref<64x16xf32, #tpu.memory_space<vmem>>, vector<1x16xf32>,
      %swap3A_68 = vector.shape_cast %swap3A_67 : vector<1x16xf32> to vector<16xf32>
      %swap3A_69 = vector.shape_cast %broadcast_in_dim3A_1 : vector<16xf32> to vector<1x16xf32>
      tpu.vector_store %arg5[%swap3A, %swap3A_66], %swap3A_69 {strides = array<i32>} : memref<64x16xf32, #tpu.memory_space<vmem>>, vector<1x16xf32>,
    }
    %scan3A_6 = arith.constant 64 : i32
    %broadcast_in_dim3A_7 = arith.constant 0.000000e+00 : f32
    %broadcast_in_dim3A_8 = vector.broadcast %broadcast_in_dim3A_7 : f32 to vector<16xf32>
    %scan3A_9 = arith.constant 0 : i32
    %scan3A_10 = arith.constant 0 : i32
    %scan3A_11 = arith.constant 64 : i32
    %scan3A_12 = arith.addi %scan3A_10, %scan3A_11 : i32
    %scan3A_13 = arith.constant 1 : i32
    scf.for %scan3A_65 = %scan3A_10 to %scan3A_12 step %scan3A_13  : i32 {
      %swap3A = arith.index_cast %scan3A_65 : i32 to index
      %swap3A_66 = arith.constant 0 : index
      %swap3A_67 = tpu.vector_load %arg6[%swap3A, %swap3A_66] {strides = array<i32>} : memref<64x16xf32, #tpu.memory_space<vmem>>, vector<1x16xf32>,
      %swap3A_68 = vector.shape_cast %swap3A_67 : vector<1x16xf32> to vector<16xf32>
      %swap3A_69 = vector.shape_cast %broadcast_in_dim3A_8 : vector<16xf32> to vector<1x16xf32>
      tpu.vector_store %arg6[%swap3A, %swap3A_66], %swap3A_69 {strides = array<i32>} : memref<64x16xf32, #tpu.memory_space<vmem>>, vector<1x16xf32>,
    }
    %scan3A_14 = arith.constant 64 : i32
    %mul3A_15 = arith.constant 632 : i32
    %mul3A_16 = arith.muli %arg1, %mul3A_15 : i32
    %add3A_17 = arith.constant 0 : i32
    %add3A_18 = arith.addi %mul3A_16, %add3A_17 : i32
    %multiple_of3A = tpu.assume_multiple %add3A_18, 8 : i32
    "tpu.region"() ({
      %run_scoped3A = tpu.sem_alloc : memref<!tpu.dma_semaphore, #tpu.memory_space<semaphore_mem>>
      %dma_start3A = arith.constant 0 : i32
      %dma_start3A_65 = tpu.memref_slice %arg7[%multiple_of3A, %dma_start3A] : memref<10112x16xf32, #tpu.memory_space<vmem_shared>> -> memref<64x16xf32, #tpu.memory_space<vmem_shared>>
      %dma_start3A_66 = arith.constant 0 : i32
      %dma_start3A_67 = tpu.memref_slice %arg7[%multiple_of3A, %dma_start3A_66] : memref<10112x16xf32, #tpu.memory_space<vmem_shared>> -> memref<64x16xf32, #tpu.memory_space<vmem_shared>>
      tpu.enqueue_dma source(%arg6 : memref<64x16xf32, #tpu.memory_space<vmem>>) target(%dma_start3A_67 : memref<64x16xf32, #tpu.memory_space<vmem_shared>>) target_semaphore(%run_scoped3A : memref<!tpu.dma_semaphore, #tpu.memory_space<semaphore_mem>>)
      %dma_wait3A = arith.constant 0 : i32
      %dma_wait3A_68 = tpu.memref_slice %arg7[%multiple_of3A, %dma_wait3A] : memref<10112x16xf32, #tpu.memory_space<vmem_shared>> -> memref<64x16xf32, #tpu.memory_space<vmem_shared>>
      %dma_wait3A_69 = arith.constant 0 : i32
      %dma_wait3A_70 = tpu.memref_slice %arg7[%multiple_of3A, %dma_wait3A_69] : memref<10112x16xf32, #tpu.memory_space<vmem_shared>> -> memref<64x16xf32, #tpu.memory_space<vmem_shared>>
      tpu.wait_dma2 semaphore(%run_scoped3A : memref<!tpu.dma_semaphore, #tpu.memory_space<semaphore_mem>>) src(%arg6 : memref<64x16xf32, #tpu.memory_space<vmem>>) dst(%dma_wait3A_70 : memref<64x16xf32, #tpu.memory_space<vmem_shared>>)
      tpu.yield
    }) : () -> ()
    %add3A_19 = arith.constant 64 : i32
    %add3A_20 = arith.addi %mul3A_16, %add3A_19 : i32
    %multiple_of3A_21 = tpu.assume_multiple %add3A_20, 8 : i32
    "tpu.region"() ({
      %run_scoped3A = tpu.sem_alloc : memref<!tpu.dma_semaphore, #tpu.memory_space<semaphore_mem>>
      %dma_start3A = arith.constant 0 : i32
      %dma_start3A_65 = tpu.memref_slice %arg7[%multiple_of3A_21, %dma_start3A] : memref<10112x16xf32, #tpu.memory_space<vmem_shared>> -> memref<64x16xf32, #tpu.memory_space<vmem_shared>>
      %dma_start3A_66 = arith.constant 0 : i32
      %dma_start3A_67 = tpu.memref_slice %arg7[%multiple_of3A_21, %dma_start3A_66] : memref<10112x16xf32, #tpu.memory_space<vmem_shared>> -> memref<64x16xf32, #tpu.memory_space<vmem_shared>>
      tpu.enqueue_dma source(%arg6 : memref<64x16xf32, #tpu.memory_space<vmem>>) target(%dma_start3A_67 : memref<64x16xf32, #tpu.memory_space<vmem_shared>>) target_semaphore(%run_scoped3A : memref<!tpu.dma_semaphore, #tpu.memory_space<semaphore_mem>>)
      %dma_wait3A = arith.constant 0 : i32
      %dma_wait3A_68 = tpu.memref_slice %arg7[%multiple_of3A_21, %dma_wait3A] : memref<10112x16xf32, #tpu.memory_space<vmem_shared>> -> memref<64x16xf32, #tpu.memory_space<vmem_shared>>
      %dma_wait3A_69 = arith.constant 0 : i32
      %dma_wait3A_70 = tpu.memref_slice %arg7[%multiple_of3A_21, %dma_wait3A_69] : memref<10112x16xf32, #tpu.memory_space<vmem_shared>> -> memref<64x16xf32, #tpu.memory_space<vmem_shared>>
      tpu.wait_dma2 semaphore(%run_scoped3A : memref<!tpu.dma_semaphore, #tpu.memory_space<semaphore_mem>>) src(%arg6 : memref<64x16xf32, #tpu.memory_space<vmem>>) dst(%dma_wait3A_70 : memref<64x16xf32, #tpu.memory_space<vmem_shared>>)
      tpu.yield
    }) : () -> ()
    %add3A_22 = arith.constant 128 : i32
    %add3A_23 = arith.addi %mul3A_16, %add3A_22 : i32
    %multiple_of3A_24 = tpu.assume_multiple %add3A_23, 8 : i32
    "tpu.region"() ({
      %run_scoped3A = tpu.sem_alloc : memref<!tpu.dma_semaphore, #tpu.memory_space<semaphore_mem>>
      %dma_start3A = arith.constant 0 : i32
      %dma_start3A_65 = tpu.memref_slice %arg7[%multiple_of3A_24, %dma_start3A] : memref<10112x16xf32, #tpu.memory_space<vmem_shared>> -> memref<64x16xf32, #tpu.memory_space<vmem_shared>>
      %dma_start3A_66 = arith.constant 0 : i32
      %dma_start3A_67 = tpu.memref_slice %arg7[%multiple_of3A_24, %dma_start3A_66] : memref<10112x16xf32, #tpu.memory_space<vmem_shared>> -> memref<64x16xf32, #tpu.memory_space<vmem_shared>>
      tpu.enqueue_dma source(%arg6 : memref<64x16xf32, #tpu.memory_space<vmem>>) target(%dma_start3A_67 : memref<64x16xf32, #tpu.memory_space<vmem_shared>>) target_semaphore(%run_scoped3A : memref<!tpu.dma_semaphore, #tpu.memory_space<semaphore_mem>>)
      %dma_wait3A = arith.constant 0 : i32
      %dma_wait3A_68 = tpu.memref_slice %arg7[%multiple_of3A_24, %dma_wait3A] : memref<10112x16xf32, #tpu.memory_space<vmem_shared>> -> memref<64x16xf32, #tpu.memory_space<vmem_shared>>
      %dma_wait3A_69 = arith.constant 0 : i32
      %dma_wait3A_70 = tpu.memref_slice %arg7[%multiple_of3A_24, %dma_wait3A_69] : memref<10112x16xf32, #tpu.memory_space<vmem_shared>> -> memref<64x16xf32, #tpu.memory_space<vmem_shared>>
      tpu.wait_dma2 semaphore(%run_scoped3A : memref<!tpu.dma_semaphore, #tpu.memory_space<semaphore_mem>>) src(%arg6 : memref<64x16xf32, #tpu.memory_space<vmem>>) dst(%dma_wait3A_70 : memref<64x16xf32, #tpu.memory_space<vmem_shared>>)
      tpu.yield
    }) : () -> ()
    %add3A_25 = arith.constant 192 : i32
    %add3A_26 = arith.addi %mul3A_16, %add3A_25 : i32
    %multiple_of3A_27 = tpu.assume_multiple %add3A_26, 8 : i32
    "tpu.region"() ({
      %run_scoped3A = tpu.sem_alloc : memref<!tpu.dma_semaphore, #tpu.memory_space<semaphore_mem>>
      %dma_start3A = arith.constant 0 : i32
      %dma_start3A_65 = tpu.memref_slice %arg7[%multiple_of3A_27, %dma_start3A] : memref<10112x16xf32, #tpu.memory_space<vmem_shared>> -> memref<64x16xf32, #tpu.memory_space<vmem_shared>>
      %dma_start3A_66 = arith.constant 0 : i32
      %dma_start3A_67 = tpu.memref_slice %arg7[%multiple_of3A_27, %dma_start3A_66] : memref<10112x16xf32, #tpu.memory_space<vmem_shared>> -> memref<64x16xf32, #tpu.memory_space<vmem_shared>>
      tpu.enqueue_dma source(%arg6 : memref<64x16xf32, #tpu.memory_space<vmem>>) target(%dma_start3A_67 : memref<64x16xf32, #tpu.memory_space<vmem_shared>>) target_semaphore(%run_scoped3A : memref<!tpu.dma_semaphore, #tpu.memory_space<semaphore_mem>>)
      %dma_wait3A = arith.constant 0 : i32
      %dma_wait3A_68 = tpu.memref_slice %arg7[%multiple_of3A_27, %dma_wait3A] : memref<10112x16xf32, #tpu.memory_space<vmem_shared>> -> memref<64x16xf32, #tpu.memory_space<vmem_shared>>
      %dma_wait3A_69 = arith.constant 0 : i32
      %dma_wait3A_70 = tpu.memref_slice %arg7[%multiple_of3A_27, %dma_wait3A_69] : memref<10112x16xf32, #tpu.memory_space<vmem_shared>> -> memref<64x16xf32, #tpu.memory_space<vmem_shared>>
      tpu.wait_dma2 semaphore(%run_scoped3A : memref<!tpu.dma_semaphore, #tpu.memory_space<semaphore_mem>>) src(%arg6 : memref<64x16xf32, #tpu.memory_space<vmem>>) dst(%dma_wait3A_70 : memref<64x16xf32, #tpu.memory_space<vmem_shared>>)
      tpu.yield
    }) : () -> ()
    %add3A_28 = arith.constant 256 : i32
    %add3A_29 = arith.addi %mul3A_16, %add3A_28 : i32
    %multiple_of3A_30 = tpu.assume_multiple %add3A_29, 8 : i32
    "tpu.region"() ({
      %run_scoped3A = tpu.sem_alloc : memref<!tpu.dma_semaphore, #tpu.memory_space<semaphore_mem>>
      %dma_start3A = arith.constant 0 : i32
      %dma_start3A_65 = tpu.memref_slice %arg7[%multiple_of3A_30, %dma_start3A] : memref<10112x16xf32, #tpu.memory_space<vmem_shared>> -> memref<64x16xf32, #tpu.memory_space<vmem_shared>>
      %dma_start3A_66 = arith.constant 0 : i32
      %dma_start3A_67 = tpu.memref_slice %arg7[%multiple_of3A_30, %dma_start3A_66] : memref<10112x16xf32, #tpu.memory_space<vmem_shared>> -> memref<64x16xf32, #tpu.memory_space<vmem_shared>>
      tpu.enqueue_dma source(%arg6 : memref<64x16xf32, #tpu.memory_space<vmem>>) target(%dma_start3A_67 : memref<64x16xf32, #tpu.memory_space<vmem_shared>>) target_semaphore(%run_scoped3A : memref<!tpu.dma_semaphore, #tpu.memory_space<semaphore_mem>>)
      %dma_wait3A = arith.constant 0 : i32
      %dma_wait3A_68 = tpu.memref_slice %arg7[%multiple_of3A_30, %dma_wait3A] : memref<10112x16xf32, #tpu.memory_space<vmem_shared>> -> memref<64x16xf32, #tpu.memory_space<vmem_shared>>
      %dma_wait3A_69 = arith.constant 0 : i32
      %dma_wait3A_70 = tpu.memref_slice %arg7[%multiple_of3A_30, %dma_wait3A_69] : memref<10112x16xf32, #tpu.memory_space<vmem_shared>> -> memref<64x16xf32, #tpu.memory_space<vmem_shared>>
      tpu.wait_dma2 semaphore(%run_scoped3A : memref<!tpu.dma_semaphore, #tpu.memory_space<semaphore_mem>>) src(%arg6 : memref<64x16xf32, #tpu.memory_space<vmem>>) dst(%dma_wait3A_70 : memref<64x16xf32, #tpu.memory_space<vmem_shared>>)
      tpu.yield
    }) : () -> ()
    %add3A_31 = arith.constant 320 : i32
    %add3A_32 = arith.addi %mul3A_16, %add3A_31 : i32
    %multiple_of3A_33 = tpu.assume_multiple %add3A_32, 8 : i32
    "tpu.region"() ({
      %run_scoped3A = tpu.sem_alloc : memref<!tpu.dma_semaphore, #tpu.memory_space<semaphore_mem>>
      %dma_start3A = arith.constant 0 : i32
      %dma_start3A_65 = tpu.memref_slice %arg7[%multiple_of3A_33, %dma_start3A] : memref<10112x16xf32, #tpu.memory_space<vmem_shared>> -> memref<64x16xf32, #tpu.memory_space<vmem_shared>>
      %dma_start3A_66 = arith.constant 0 : i32
      %dma_start3A_67 = tpu.memref_slice %arg7[%multiple_of3A_33, %dma_start3A_66] : memref<10112x16xf32, #tpu.memory_space<vmem_shared>> -> memref<64x16xf32, #tpu.memory_space<vmem_shared>>
      tpu.enqueue_dma source(%arg6 : memref<64x16xf32, #tpu.memory_space<vmem>>) target(%dma_start3A_67 : memref<64x16xf32, #tpu.memory_space<vmem_shared>>) target_semaphore(%run_scoped3A : memref<!tpu.dma_semaphore, #tpu.memory_space<semaphore_mem>>)
      %dma_wait3A = arith.constant 0 : i32
      %dma_wait3A_68 = tpu.memref_slice %arg7[%multiple_of3A_33, %dma_wait3A] : memref<10112x16xf32, #tpu.memory_space<vmem_shared>> -> memref<64x16xf32, #tpu.memory_space<vmem_shared>>
      %dma_wait3A_69 = arith.constant 0 : i32
      %dma_wait3A_70 = tpu.memref_slice %arg7[%multiple_of3A_33, %dma_wait3A_69] : memref<10112x16xf32, #tpu.memory_space<vmem_shared>> -> memref<64x16xf32, #tpu.memory_space<vmem_shared>>
      tpu.wait_dma2 semaphore(%run_scoped3A : memref<!tpu.dma_semaphore, #tpu.memory_space<semaphore_mem>>) src(%arg6 : memref<64x16xf32, #tpu.memory_space<vmem>>) dst(%dma_wait3A_70 : memref<64x16xf32, #tpu.memory_space<vmem_shared>>)
      tpu.yield
    }) : () -> ()
    %add3A_34 = arith.constant 384 : i32
    %add3A_35 = arith.addi %mul3A_16, %add3A_34 : i32
    %multiple_of3A_36 = tpu.assume_multiple %add3A_35, 8 : i32
    "tpu.region"() ({
      %run_scoped3A = tpu.sem_alloc : memref<!tpu.dma_semaphore, #tpu.memory_space<semaphore_mem>>
      %dma_start3A = arith.constant 0 : i32
      %dma_start3A_65 = tpu.memref_slice %arg7[%multiple_of3A_36, %dma_start3A] : memref<10112x16xf32, #tpu.memory_space<vmem_shared>> -> memref<64x16xf32, #tpu.memory_space<vmem_shared>>
      %dma_start3A_66 = arith.constant 0 : i32
      %dma_start3A_67 = tpu.memref_slice %arg7[%multiple_of3A_36, %dma_start3A_66] : memref<10112x16xf32, #tpu.memory_space<vmem_shared>> -> memref<64x16xf32, #tpu.memory_space<vmem_shared>>
      tpu.enqueue_dma source(%arg6 : memref<64x16xf32, #tpu.memory_space<vmem>>) target(%dma_start3A_67 : memref<64x16xf32, #tpu.memory_space<vmem_shared>>) target_semaphore(%run_scoped3A : memref<!tpu.dma_semaphore, #tpu.memory_space<semaphore_mem>>)
      %dma_wait3A = arith.constant 0 : i32
      %dma_wait3A_68 = tpu.memref_slice %arg7[%multiple_of3A_36, %dma_wait3A] : memref<10112x16xf32, #tpu.memory_space<vmem_shared>> -> memref<64x16xf32, #tpu.memory_space<vmem_shared>>
      %dma_wait3A_69 = arith.constant 0 : i32
      %dma_wait3A_70 = tpu.memref_slice %arg7[%multiple_of3A_36, %dma_wait3A_69] : memref<10112x16xf32, #tpu.memory_space<vmem_shared>> -> memref<64x16xf32, #tpu.memory_space<vmem_shared>>
      tpu.wait_dma2 semaphore(%run_scoped3A : memref<!tpu.dma_semaphore, #tpu.memory_space<semaphore_mem>>) src(%arg6 : memref<64x16xf32, #tpu.memory_space<vmem>>) dst(%dma_wait3A_70 : memref<64x16xf32, #tpu.memory_space<vmem_shared>>)
      tpu.yield
    }) : () -> ()
    %add3A_37 = arith.constant 448 : i32
    %add3A_38 = arith.addi %mul3A_16, %add3A_37 : i32
    %multiple_of3A_39 = tpu.assume_multiple %add3A_38, 8 : i32
    "tpu.region"() ({
      %run_scoped3A = tpu.sem_alloc : memref<!tpu.dma_semaphore, #tpu.memory_space<semaphore_mem>>
      %dma_start3A = arith.constant 0 : i32
      %dma_start3A_65 = tpu.memref_slice %arg7[%multiple_of3A_39, %dma_start3A] : memref<10112x16xf32, #tpu.memory_space<vmem_shared>> -> memref<64x16xf32, #tpu.memory_space<vmem_shared>>
      %dma_start3A_66 = arith.constant 0 : i32
      %dma_start3A_67 = tpu.memref_slice %arg7[%multiple_of3A_39, %dma_start3A_66] : memref<10112x16xf32, #tpu.memory_space<vmem_shared>> -> memref<64x16xf32, #tpu.memory_space<vmem_shared>>
      tpu.enqueue_dma source(%arg6 : memref<64x16xf32, #tpu.memory_space<vmem>>) target(%dma_start3A_67 : memref<64x16xf32, #tpu.memory_space<vmem_shared>>) target_semaphore(%run_scoped3A : memref<!tpu.dma_semaphore, #tpu.memory_space<semaphore_mem>>)
      %dma_wait3A = arith.constant 0 : i32
      %dma_wait3A_68 = tpu.memref_slice %arg7[%multiple_of3A_39, %dma_wait3A] : memref<10112x16xf32, #tpu.memory_space<vmem_shared>> -> memref<64x16xf32, #tpu.memory_space<vmem_shared>>
      %dma_wait3A_69 = arith.constant 0 : i32
      %dma_wait3A_70 = tpu.memref_slice %arg7[%multiple_of3A_39, %dma_wait3A_69] : memref<10112x16xf32, #tpu.memory_space<vmem_shared>> -> memref<64x16xf32, #tpu.memory_space<vmem_shared>>
      tpu.wait_dma2 semaphore(%run_scoped3A : memref<!tpu.dma_semaphore, #tpu.memory_space<semaphore_mem>>) src(%arg6 : memref<64x16xf32, #tpu.memory_space<vmem>>) dst(%dma_wait3A_70 : memref<64x16xf32, #tpu.memory_space<vmem_shared>>)
      tpu.yield
    }) : () -> ()
    %add3A_40 = arith.constant 512 : i32
    %add3A_41 = arith.addi %mul3A_16, %add3A_40 : i32
    %multiple_of3A_42 = tpu.assume_multiple %add3A_41, 8 : i32
    "tpu.region"() ({
      %run_scoped3A = tpu.sem_alloc : memref<!tpu.dma_semaphore, #tpu.memory_space<semaphore_mem>>
      %dma_start3A = arith.constant 0 : i32
      %dma_start3A_65 = tpu.memref_slice %arg7[%multiple_of3A_42, %dma_start3A] : memref<10112x16xf32, #tpu.memory_space<vmem_shared>> -> memref<64x16xf32, #tpu.memory_space<vmem_shared>>
      %dma_start3A_66 = arith.constant 0 : i32
      %dma_start3A_67 = tpu.memref_slice %arg7[%multiple_of3A_42, %dma_start3A_66] : memref<10112x16xf32, #tpu.memory_space<vmem_shared>> -> memref<64x16xf32, #tpu.memory_space<vmem_shared>>
      tpu.enqueue_dma source(%arg6 : memref<64x16xf32, #tpu.memory_space<vmem>>) target(%dma_start3A_67 : memref<64x16xf32, #tpu.memory_space<vmem_shared>>) target_semaphore(%run_scoped3A : memref<!tpu.dma_semaphore, #tpu.memory_space<semaphore_mem>>)
      %dma_wait3A = arith.constant 0 : i32
      %dma_wait3A_68 = tpu.memref_slice %arg7[%multiple_of3A_42, %dma_wait3A] : memref<10112x16xf32, #tpu.memory_space<vmem_shared>> -> memref<64x16xf32, #tpu.memory_space<vmem_shared>>
      %dma_wait3A_69 = arith.constant 0 : i32
      %dma_wait3A_70 = tpu.memref_slice %arg7[%multiple_of3A_42, %dma_wait3A_69] : memref<10112x16xf32, #tpu.memory_space<vmem_shared>> -> memref<64x16xf32, #tpu.memory_space<vmem_shared>>
      tpu.wait_dma2 semaphore(%run_scoped3A : memref<!tpu.dma_semaphore, #tpu.memory_space<semaphore_mem>>) src(%arg6 : memref<64x16xf32, #tpu.memory_space<vmem>>) dst(%dma_wait3A_70 : memref<64x16xf32, #tpu.memory_space<vmem_shared>>)
      tpu.yield
    }) : () -> ()
    %add3A_43 = arith.constant 576 : i32
    %add3A_44 = arith.addi %mul3A_16, %add3A_43 : i32
    %multiple_of3A_45 = tpu.assume_multiple %add3A_44, 8 : i32
    "tpu.region"() ({
      %run_scoped3A = tpu.sem_alloc : memref<!tpu.dma_semaphore, #tpu.memory_space<semaphore_mem>>
      %dma_start3A = arith.constant 0 : i32
      %dma_start3A_65 = arith.constant 0 : i32
      %dma_start3A_66 = tpu.memref_slice %arg6[%dma_start3A, %dma_start3A_65] : memref<64x16xf32, #tpu.memory_space<vmem>> -> memref<56x16xf32, #tpu.memory_space<vmem>>
      %dma_start3A_67 = arith.constant 0 : i32
      %dma_start3A_68 = tpu.memref_slice %arg7[%multiple_of3A_45, %dma_start3A_67] : memref<10112x16xf32, #tpu.memory_space<vmem_shared>> -> memref<56x16xf32, #tpu.memory_space<vmem_shared>>
      %dma_start3A_69 = arith.constant 0 : i32
      %dma_start3A_70 = tpu.memref_slice %arg7[%multiple_of3A_45, %dma_start3A_69] : memref<10112x16xf32, #tpu.memory_space<vmem_shared>> -> memref<56x16xf32, #tpu.memory_space<vmem_shared>>
      %dma_start3A_71 = arith.constant 0 : i32
      %dma_start3A_72 = arith.constant 0 : i32
      %dma_start3A_73 = tpu.memref_slice %arg6[%dma_start3A_71, %dma_start3A_72] : memref<64x16xf32, #tpu.memory_space<vmem>> -> memref<56x16xf32, #tpu.memory_space<vmem>>
      tpu.enqueue_dma source(%dma_start3A_73 : memref<56x16xf32, #tpu.memory_space<vmem>>) target(%dma_start3A_70 : memref<56x16xf32, #tpu.memory_space<vmem_shared>>) target_semaphore(%run_scoped3A : memref<!tpu.dma_semaphore, #tpu.memory_space<semaphore_mem>>)
      %dma_wait3A = arith.constant 0 : i32
      %dma_wait3A_74 = arith.constant 0 : i32
      %dma_wait3A_75 = tpu.memref_slice %arg6[%dma_wait3A, %dma_wait3A_74] : memref<64x16xf32, #tpu.memory_space<vmem>> -> memref<56x16xf32, #tpu.memory_space<vmem>>
      %dma_wait3A_76 = arith.constant 0 : i32
      %dma_wait3A_77 = tpu.memref_slice %arg7[%multiple_of3A_45, %dma_wait3A_76] : memref<10112x16xf32, #tpu.memory_space<vmem_shared>> -> memref<56x16xf32, #tpu.memory_space<vmem_shared>>
      %dma_wait3A_78 = arith.constant 0 : i32
      %dma_wait3A_79 = tpu.memref_slice %arg7[%multiple_of3A_45, %dma_wait3A_78] : memref<10112x16xf32, #tpu.memory_space<vmem_shared>> -> memref<56x16xf32, #tpu.memory_space<vmem_shared>>
      %dma_wait3A_80 = arith.constant 0 : i32
      %dma_wait3A_81 = arith.constant 0 : i32
      %dma_wait3A_82 = tpu.memref_slice %arg6[%dma_wait3A_80, %dma_wait3A_81] : memref<64x16xf32, #tpu.memory_space<vmem>> -> memref<56x16xf32, #tpu.memory_space<vmem>>
      tpu.wait_dma2 semaphore(%run_scoped3A : memref<!tpu.dma_semaphore, #tpu.memory_space<semaphore_mem>>) src(%dma_wait3A_82 : memref<56x16xf32, #tpu.memory_space<vmem>>) dst(%dma_wait3A_79 : memref<56x16xf32, #tpu.memory_space<vmem_shared>>)
      tpu.yield
    }) : () -> ()
    %mul3A_46 = arith.constant 160 : i32
    %mul3A_47 = arith.muli %add3A, %mul3A_46 : i32
    %multiple_of3A_48 = tpu.assume_multiple %mul3A_47, 8 : i32
    "tpu.region"() ({
      %run_scoped3A = tpu.sem_alloc : memref<!tpu.dma_semaphore, #tpu.memory_space<semaphore_mem>>
      %dma_start3A = arith.constant 0 : i32
      %dma_start3A_65 = tpu.memref_slice %arg2[%multiple_of3A_48, %dma_start3A] : memref<5120x64xi32, #tpu.memory_space<hbm>> -> memref<160x64xi32, #tpu.memory_space<hbm>>
      %dma_start3A_66 = arith.constant 0 : i32
      %dma_start3A_67 = tpu.memref_slice %arg2[%multiple_of3A_48, %dma_start3A_66] : memref<5120x64xi32, #tpu.memory_space<hbm>> -> memref<160x64xi32, #tpu.memory_space<hbm>>
      tpu.enqueue_dma source(%dma_start3A_67 : memref<160x64xi32, #tpu.memory_space<hbm>>) target(%arg4 : memref<160x64xi32, #tpu.memory_space<vmem>>) target_semaphore(%run_scoped3A : memref<!tpu.dma_semaphore, #tpu.memory_space<semaphore_mem>>)
      %dma_wait3A = arith.constant 0 : i32
      %dma_wait3A_68 = tpu.memref_slice %arg2[%multiple_of3A_48, %dma_wait3A] : memref<5120x64xi32, #tpu.memory_space<hbm>> -> memref<160x64xi32, #tpu.memory_space<hbm>>
      %dma_wait3A_69 = arith.constant 0 : i32
      %dma_wait3A_70 = tpu.memref_slice %arg2[%multiple_of3A_48, %dma_wait3A_69] : memref<5120x64xi32, #tpu.memory_space<hbm>> -> memref<160x64xi32, #tpu.memory_space<hbm>>
      tpu.wait_dma2 semaphore(%run_scoped3A : memref<!tpu.dma_semaphore, #tpu.memory_space<semaphore_mem>>) src(%dma_wait3A_70 : memref<160x64xi32, #tpu.memory_space<hbm>>) dst(%arg4 : memref<160x64xi32, #tpu.memory_space<vmem>>)
      tpu.yield
    }) : () -> ()
    %barrier3A = arith.constant 0 : index
    tpu.barrier barrier_id(%barrier3A)
    %scan3A_49 = arith.constant 0 : i32
    %scan3A_50 = arith.constant 0 : i32
    %scan3A_51 = arith.constant 160 : i32
    %scan3A_52 = arith.addi %scan3A_50, %scan3A_51 : i32
    %scan3A_53 = arith.constant 1 : i32
    scf.for %scan3A_65 = %scan3A_50 to %scan3A_52 step %scan3A_53  : i32 {
      "tpu.region"() ({
        %run_scoped3A = tpu.sem_alloc : memref<!tpu.dma_semaphore, #tpu.memory_space<semaphore_mem>>
        %dma_start3A = arith.constant 0 : i32
        %dma_start3A_66 = tpu.memref_slice %arg4[%scan3A_65, %dma_start3A] : memref<160x64xi32, #tpu.memory_space<vmem>> -> memref<1x64xi32, #tpu.memory_space<vmem>>
        %dma_start3A_67 = tpu.memref_squeeze %dma_start3A_66 : memref<1x64xi32, #tpu.memory_space<vmem>> -> memref<64xi32, #tpu.memory_space<vmem>>
        %dma_start3A_68 = arith.constant 0 : i32
        %dma_start3A_69 = arith.constant 0 : i32
        %dma_start3A_70 = tpu.memref_slice %arg7[%dma_start3A_68, %dma_start3A_69] : memref<10112x16xf32, #tpu.memory_space<vmem_shared>> -> memref<10112x16xf32, #tpu.memory_space<vmem_shared>>
        tpu.enqueue_indirect_dma source(%arg5 : memref<64x16xf32, #tpu.memory_space<vmem>>) target(%dma_start3A_70 : memref<10112x16xf32, #tpu.memory_space<vmem_shared>>) offsets(%dma_start3A_67 : memref<64xi32, #tpu.memory_space<vmem>>) semaphore(%run_scoped3A : memref<!tpu.dma_semaphore, #tpu.memory_space<semaphore_mem>>) {add = true}
        %dma_wait3A = arith.constant 0 : i32
        %dma_wait3A_71 = tpu.memref_slice %arg4[%scan3A_65, %dma_wait3A] : memref<160x64xi32, #tpu.memory_space<vmem>> -> memref<1x64xi32, #tpu.memory_space<vmem>>
        %dma_wait3A_72 = tpu.memref_squeeze %dma_wait3A_71 : memref<1x64xi32, #tpu.memory_space<vmem>> -> memref<64xi32, #tpu.memory_space<vmem>>
        %dma_wait3A_73 = arith.constant 0 : i32
        %dma_wait3A_74 = arith.constant 0 : i32
        %dma_wait3A_75 = tpu.memref_slice %arg7[%dma_wait3A_73, %dma_wait3A_74] : memref<10112x16xf32, #tpu.memory_space<vmem_shared>> -> memref<10112x16xf32, #tpu.memory_space<vmem_shared>>
        tpu.wait_indirect_dma semaphore(%run_scoped3A : memref<!tpu.dma_semaphore, #tpu.memory_space<semaphore_mem>>) src(%arg5 : memref<64x16xf32, #tpu.memory_space<vmem>>) dst(%dma_wait3A_75 : memref<10112x16xf32, #tpu.memory_space<vmem_shared>>)
        tpu.yield
      }) : () -> ()
    }
    %scan3A_54 = arith.constant 160 : i32
    %barrier3A_55 = arith.constant 0 : index
    tpu.barrier barrier_id(%barrier3A_55)
    %mul3A_56 = arith.constant 632 : i32
    %mul3A_57 = arith.muli %arg1, %mul3A_56 : i32
    %multiple_of3A_58 = tpu.assume_multiple %mul3A_57, 8 : i32
    %mul3A_59 = arith.constant 10112 : i32
    %mul3A_60 = arith.muli %arg0, %mul3A_59 : i32
    %mul3A_61 = arith.constant 632 : i32
    %mul3A_62 = arith.muli %arg1, %mul3A_61 : i32
    %add3A_63 = arith.addi %mul3A_60, %mul3A_62 : i32
    %multiple_of3A_64 = tpu.assume_multiple %add3A_63, 8 : i32
    "tpu.region"() ({
      %run_scoped3A = tpu.sem_alloc : memref<!tpu.dma_semaphore, #tpu.memory_space<semaphore_mem>>
      %dma_start3A = arith.constant 0 : i32
      %dma_start3A_65 = tpu.memref_slice %arg3[%multiple_of3A_64, %dma_start3A] : memref<20224x16xf32, #tpu.memory_space<hbm>> -> memref<632x16xf32, #tpu.memory_space<hbm>>
      %dma_start3A_66 = arith.constant 0 : i32
      %dma_start3A_67 = tpu.memref_slice %arg7[%multiple_of3A_58, %dma_start3A_66] : memref<10112x16xf32, #tpu.memory_space<vmem_shared>> -> memref<632x16xf32, #tpu.memory_space<vmem_shared>>
      tpu.enqueue_dma source(%dma_start3A_67 : memref<632x16xf32, #tpu.memory_space<vmem_shared>>) target(%dma_start3A_65 : memref<632x16xf32, #tpu.memory_space<hbm>>) target_semaphore(%run_scoped3A : memref<!tpu.dma_semaphore, #tpu.memory_space<semaphore_mem>>)
      %dma_wait3A = arith.constant 0 : i32
      %dma_wait3A_68 = tpu.memref_slice %arg3[%multiple_of3A_64, %dma_wait3A] : memref<20224x16xf32, #tpu.memory_space<hbm>> -> memref<632x16xf32, #tpu.memory_space<hbm>>
      %dma_wait3A_69 = arith.constant 0 : i32
      %dma_wait3A_70 = tpu.memref_slice %arg7[%multiple_of3A_58, %dma_wait3A_69] : memref<10112x16xf32, #tpu.memory_space<vmem_shared>> -> memref<632x16xf32, #tpu.memory_space<vmem_shared>>
      tpu.wait_dma2 semaphore(%run_scoped3A : memref<!tpu.dma_semaphore, #tpu.memory_space<semaphore_mem>>) src(%dma_wait3A_70 : memref<632x16xf32, #tpu.memory_space<vmem_shared>>) dst(%dma_wait3A_68 : memref<632x16xf32, #tpu.memory_space<hbm>>)
      tpu.yield
    }) : () -> ()
    return
  }
}

module attributes {stable_mosaic.version = 14 : i64} {
  func.func @_tc_prep_body(%arg0: memref<10000x128xf32, #tpu.memory_space<vmem>>, %arg1: memref<128x128xf32, #tpu.memory_space<vmem>>, %arg2: memref<20224x16xf32, #tpu.memory_space<vmem>>, %arg3: memref<10112x128xf32, #tpu.memory_space<vmem>>, %arg4: memref<10000x1xf32, #tpu.memory_space<vmem>>) attributes {dimension_semantics = [], scalar_prefetch = 0 : i64, scratch_operands = 0 : i64, tpu.core_type = #tpu.core_type<tc>} {
    %get3A = arith.constant 0 : index
    %get3A_0 = arith.constant 0 : index
    %get3A_1 = vector.load %arg2[%get3A, %get3A_0] : memref<20224x16xf32, #tpu.memory_space<vmem>>, vector<10000x1xf32>
    %get3A_2 = arith.constant 10112 : index
    %get3A_3 = arith.constant 0 : index
    %get3A_4 = vector.load %arg2[%get3A_2, %get3A_3] : memref<20224x16xf32, #tpu.memory_space<vmem>>, vector<10000x1xf32>
    %add3A = arith.addf %get3A_1, %get3A_4 : vector<10000x1xf32>
    %add3A_5 = arith.constant 1.000000e+00 : f32
    %add3A_6 = vector.broadcast %add3A_5 : f32 to vector<10000x1xf32>
    %add3A_7 = arith.addf %add3A, %add3A_6 : vector<10000x1xf32>
    %rsqrt3A = math.rsqrt %add3A_7 : vector<10000x1xf32>
    %swap3A = arith.constant 0 : index
    %swap3A_8 = arith.constant 0 : index
    %swap3A_9 = vector.load %arg4[%swap3A, %swap3A_8] : memref<10000x1xf32, #tpu.memory_space<vmem>>, vector<10000x1xf32>
    tpu.vector_store %arg4[%swap3A, %swap3A_8], %rsqrt3A {strides = array<i32>} : memref<10000x1xf32, #tpu.memory_space<vmem>>, vector<10000x1xf32>,
    %get3A_10 = arith.constant 0 : index
    %get3A_11 = arith.constant 0 : index
    %get3A_12 = vector.load %arg0[%get3A_10, %get3A_11] : memref<10000x128xf32, #tpu.memory_space<vmem>>, vector<10000x128xf32>
    %get3A_13 = arith.constant 0 : index
    %get3A_14 = arith.constant 0 : index
    %get3A_15 = vector.load %arg1[%get3A_13, %get3A_14] : memref<128x128xf32, #tpu.memory_space<vmem>>, vector<128x128xf32>
    %dot_general3A = arith.constant dense<0.000000e+00> : vector<10000x128xf32>
    %dot_general3A_16 = tpu.matmul %get3A_12, %get3A_15, %dot_general3A {dimension_numbers = #tpu.dot_dimension_numbers<[1], [1], [0], [0], [0, 0, 1, 0], [], []>, precision = #tpu.contract_precision<fp32>, transpose_lhs_hint = false} : vector<10000x128xf32>, vector<128x128xf32>, vector<10000x128xf32> -> vector<10000x128xf32>
    %mul3A = vector.broadcast %rsqrt3A : vector<10000x1xf32> to vector<10000x128xf32>
    %mul3A_17 = arith.mulf %dot_general3A_16, %mul3A : vector<10000x128xf32>
    %swap3A_18 = arith.constant 0 : index
    %swap3A_19 = arith.constant 0 : index
    %swap3A_20 = vector.load %arg3[%swap3A_18, %swap3A_19] : memref<10112x128xf32, #tpu.memory_space<vmem>>, vector<10000x128xf32>
    tpu.vector_store %arg3[%swap3A_18, %swap3A_19], %mul3A_17 {strides = array<i32>} : memref<10112x128xf32, #tpu.memory_space<vmem>>, vector<10000x128xf32>,
    %broadcast_in_dim3A = arith.constant 0.000000e+00 : f32
    %broadcast_in_dim3A_21 = vector.broadcast %broadcast_in_dim3A : f32 to vector<112x128xf32>
    %swap3A_22 = arith.constant 10000 : index
    %swap3A_23 = arith.constant 0 : index
    %swap3A_24 = vector.load %arg3[%swap3A_22, %swap3A_23] : memref<10112x128xf32, #tpu.memory_space<vmem>>, vector<112x128xf32>
    tpu.vector_store %arg3[%swap3A_22, %swap3A_23], %broadcast_in_dim3A_21 {strides = array<i32>} : memref<10112x128xf32, #tpu.memory_space<vmem>>, vector<112x128xf32>,
    return
  }
}

module attributes {stable_mosaic.version = 14 : i64} {
  func.func @_tc_combine_body(%arg0: memref<20224x128xf32, #tpu.memory_space<vmem>>, %arg1: memref<10112x128xf32, #tpu.memory_space<vmem>>, %arg2: memref<10000x1xf32, #tpu.memory_space<vmem>>, %arg3: memref<1x128xf32, #tpu.memory_space<vmem>>, %arg4: memref<1x128xf32, #tpu.memory_space<vmem>>, %arg5: memref<1x128xf32, #tpu.memory_space<vmem>>, %arg6: memref<10000x128xf32, #tpu.memory_space<vmem>>) attributes {dimension_semantics = [], scalar_prefetch = 0 : i64, scratch_operands = 0 : i64, tpu.core_type = #tpu.core_type<tc>} {
    %get3A = arith.constant 0 : index
    %get3A_0 = arith.constant 0 : index
    %get3A_1 = vector.load %arg2[%get3A, %get3A_0] : memref<10000x1xf32, #tpu.memory_space<vmem>>, vector<10000x1xf32>
    %get3A_2 = arith.constant 0 : index
    %get3A_3 = arith.constant 0 : index
    %get3A_4 = vector.load %arg1[%get3A_2, %get3A_3] : memref<10112x128xf32, #tpu.memory_space<vmem>>, vector<10000x128xf32>
    %get3A_5 = arith.constant 0 : index
    %get3A_6 = arith.constant 0 : index
    %get3A_7 = vector.load %arg0[%get3A_5, %get3A_6] : memref<20224x128xf32, #tpu.memory_space<vmem>>, vector<10000x128xf32>
    %add3A = arith.addf %get3A_4, %get3A_7 : vector<10000x128xf32>
    %get3A_8 = arith.constant 10112 : index
    %get3A_9 = arith.constant 0 : index
    %get3A_10 = vector.load %arg0[%get3A_8, %get3A_9] : memref<20224x128xf32, #tpu.memory_space<vmem>>, vector<10000x128xf32>
    %add3A_11 = arith.addf %add3A, %get3A_10 : vector<10000x128xf32>
    %mul3A = vector.broadcast %get3A_1 : vector<10000x1xf32> to vector<10000x128xf32>
    %mul3A_12 = arith.mulf %add3A_11, %mul3A : vector<10000x128xf32>
    %get3A_13 = arith.constant 0 : index
    %get3A_14 = arith.constant 0 : index
    %get3A_15 = vector.load %arg3[%get3A_13, %get3A_14] : memref<1x128xf32, #tpu.memory_space<vmem>>, vector<1x128xf32>
    %add3A_16 = vector.broadcast %get3A_15 : vector<1x128xf32> to vector<10000x128xf32>
    %add3A_17 = arith.addf %mul3A_12, %add3A_16 : vector<10000x128xf32>
    %max3A = arith.constant 0.000000e+00 : f32
    %max3A_18 = vector.broadcast %max3A : f32 to vector<10000x128xf32>
    %max3A_19 = arith.maximumf %add3A_17, %max3A_18 : vector<10000x128xf32>
    %reduce_sum3A = arith.constant dense<0.000000e+00> : vector<128xf32>
    %reduce_sum3A_20 = vector.multi_reduction <add>, %max3A_19, %reduce_sum3A [0] : vector<10000x128xf32> to vector<128xf32>
    %broadcast_in_dim3A = vector.shape_cast %reduce_sum3A_20 : vector<128xf32> to vector<1x128xf32>
    %div3A = arith.constant 1.000000e+04 : f32
    %div3A_21 = vector.broadcast %div3A : f32 to vector<1x128xf32>
    %div3A_22 = arith.divf %broadcast_in_dim3A, %div3A_21 : vector<1x128xf32>
    %mul3A_23 = arith.mulf %max3A_19, %max3A_19 : vector<10000x128xf32>
    %reduce_sum3A_24 = arith.constant dense<0.000000e+00> : vector<128xf32>
    %reduce_sum3A_25 = vector.multi_reduction <add>, %mul3A_23, %reduce_sum3A_24 [0] : vector<10000x128xf32> to vector<128xf32>
    %broadcast_in_dim3A_26 = vector.shape_cast %reduce_sum3A_25 : vector<128xf32> to vector<1x128xf32>
    %div3A_27 = arith.constant 1.000000e+04 : f32
    %div3A_28 = vector.broadcast %div3A_27 : f32 to vector<1x128xf32>
    %div3A_29 = arith.divf %broadcast_in_dim3A_26, %div3A_28 : vector<1x128xf32>
    %mul3A_30 = arith.mulf %div3A_22, %div3A_22 : vector<1x128xf32>
    %sub3A = arith.subf %div3A_29, %mul3A_30 : vector<1x128xf32>
    %sub3A_31 = vector.broadcast %div3A_22 : vector<1x128xf32> to vector<10000x128xf32>
    %sub3A_32 = arith.subf %max3A_19, %sub3A_31 : vector<10000x128xf32>
    %add3A_33 = arith.constant 9.99999974E-6 : f32
    %add3A_34 = vector.broadcast %add3A_33 : f32 to vector<1x128xf32>
    %add3A_35 = arith.addf %sub3A, %add3A_34 : vector<1x128xf32>
    %rsqrt3A = math.rsqrt %add3A_35 : vector<1x128xf32>
    %mul3A_36 = vector.broadcast %rsqrt3A : vector<1x128xf32> to vector<10000x128xf32>
    %mul3A_37 = arith.mulf %sub3A_32, %mul3A_36 : vector<10000x128xf32>
    %get3A_38 = arith.constant 0 : index
    %get3A_39 = arith.constant 0 : index
    %get3A_40 = vector.load %arg4[%get3A_38, %get3A_39] : memref<1x128xf32, #tpu.memory_space<vmem>>, vector<1x128xf32>
    %mul3A_41 = vector.broadcast %get3A_40 : vector<1x128xf32> to vector<10000x128xf32>
    %mul3A_42 = arith.mulf %mul3A_37, %mul3A_41 : vector<10000x128xf32>
    %get3A_43 = arith.constant 0 : index
    %get3A_44 = arith.constant 0 : index
    %get3A_45 = vector.load %arg5[%get3A_43, %get3A_44] : memref<1x128xf32, #tpu.memory_space<vmem>>, vector<1x128xf32>
    %add3A_46 = vector.broadcast %get3A_45 : vector<1x128xf32> to vector<10000x128xf32>
    %add3A_47 = arith.addf %mul3A_42, %add3A_46 : vector<10000x128xf32>
    %swap3A = arith.constant 0 : index
    %swap3A_48 = arith.constant 0 : index
    %swap3A_49 = vector.load %arg6[%swap3A, %swap3A_48] : memref<10000x128xf32, #tpu.memory_space<vmem>>, vector<10000x128xf32>
    tpu.vector_store %arg6[%swap3A, %swap3A_48], %add3A_47 {strides = array<i32>} : memref<10000x128xf32, #tpu.memory_space<vmem>>, vector<10000x128xf32>,
    return
  }
}

module attributes {stable_mosaic.version = 14 : i64} {
  func.func @_tc_pool_next_body(%arg0: memref<10000x128xf32, #tpu.memory_space<vmem>>, %arg1: memref<10000x1xf32, #tpu.memory_space<vmem>>, %arg2: memref<10000x1xi32, #tpu.memory_space<vmem>>, %arg3: memref<128x128xf32, #tpu.memory_space<vmem>>, %arg4: memref<10112x128xf32, #tpu.memory_space<vmem>>, %arg5: memref<64x128xf32, #tpu.memory_space<vmem>>) attributes {dimension_semantics = [], scalar_prefetch = 0 : i64, scratch_operands = 0 : i64, tpu.core_type = #tpu.core_type<tc>} {
    %get3A = arith.constant 0 : index
    %get3A_0 = arith.constant 0 : index
    %get3A_1 = vector.load %arg0[%get3A, %get3A_0] : memref<10000x128xf32, #tpu.memory_space<vmem>>, vector<10000x128xf32>
    %iota3A = tpu.iota {dimensions = array<i32: 1>} : vector<10000x64xi32>
    %get3A_2 = arith.constant 0 : index
    %get3A_3 = arith.constant 0 : index
    %get3A_4 = vector.load %arg2[%get3A_2, %get3A_3] : memref<10000x1xi32, #tpu.memory_space<vmem>>, vector<10000x1xi32>
    %eq3A = vector.broadcast %get3A_4 : vector<10000x1xi32> to vector<10000x64xi32>
    %eq3A_5 = arith.cmpi eq, %eq3A, %iota3A : vector<10000x64xi32>
    %convert_element_type3A = arith.extui %eq3A_5 : vector<10000x64xi1> to vector<10000x64xi32>
    %convert_element_type3A_6 = arith.sitofp %convert_element_type3A : vector<10000x64xi32> to vector<10000x64xf32>
    %dot_general3A = arith.constant dense<0.000000e+00> : vector<64x128xf32>
    %dot_general3A_7 = tpu.matmul %convert_element_type3A_6, %get3A_1, %dot_general3A {dimension_numbers = #tpu.dot_dimension_numbers<[0], [0], [1], [1], [0, 1, 1, 1], [], []>, precision = #tpu.contract_precision<fp32>, transpose_lhs_hint = false} : vector<10000x64xf32>, vector<10000x128xf32>, vector<64x128xf32> -> vector<64x128xf32>
    %swap3A = arith.constant 0 : index
    %swap3A_8 = arith.constant 0 : index
    %swap3A_9 = vector.load %arg5[%swap3A, %swap3A_8] : memref<64x128xf32, #tpu.memory_space<vmem>>, vector<64x128xf32>
    tpu.vector_store %arg5[%swap3A, %swap3A_8], %dot_general3A_7 {strides = array<i32>} : memref<64x128xf32, #tpu.memory_space<vmem>>, vector<64x128xf32>,
    %get3A_10 = arith.constant 0 : index
    %get3A_11 = arith.constant 0 : index
    %get3A_12 = vector.load %arg3[%get3A_10, %get3A_11] : memref<128x128xf32, #tpu.memory_space<vmem>>, vector<128x128xf32>
    %dot_general3A_13 = arith.constant dense<0.000000e+00> : vector<10000x128xf32>
    %dot_general3A_14 = tpu.matmul %get3A_1, %get3A_12, %dot_general3A_13 {dimension_numbers = #tpu.dot_dimension_numbers<[1], [1], [0], [0], [0, 0, 1, 0], [], []>, precision = #tpu.contract_precision<fp32>, transpose_lhs_hint = false} : vector<10000x128xf32>, vector<128x128xf32>, vector<10000x128xf32> -> vector<10000x128xf32>
    %get3A_15 = arith.constant 0 : index
    %get3A_16 = arith.constant 0 : index
    %get3A_17 = vector.load %arg1[%get3A_15, %get3A_16] : memref<10000x1xf32, #tpu.memory_space<vmem>>, vector<10000x1xf32>
    %mul3A = vector.broadcast %get3A_17 : vector<10000x1xf32> to vector<10000x128xf32>
    %mul3A_18 = arith.mulf %dot_general3A_14, %mul3A : vector<10000x128xf32>
    %swap3A_19 = arith.constant 0 : index
    %swap3A_20 = arith.constant 0 : index
    %swap3A_21 = vector.load %arg4[%swap3A_19, %swap3A_20] : memref<10112x128xf32, #tpu.memory_space<vmem>>, vector<10000x128xf32>
    tpu.vector_store %arg4[%swap3A_19, %swap3A_20], %mul3A_18 {strides = array<i32>} : memref<10112x128xf32, #tpu.memory_space<vmem>>, vector<10000x128xf32>,
    %broadcast_in_dim3A = arith.constant 0.000000e+00 : f32
    %broadcast_in_dim3A_22 = vector.broadcast %broadcast_in_dim3A : f32 to vector<112x128xf32>
    %swap3A_23 = arith.constant 10000 : index
    %swap3A_24 = arith.constant 0 : index
    %swap3A_25 = vector.load %arg4[%swap3A_23, %swap3A_24] : memref<10112x128xf32, #tpu.memory_space<vmem>>, vector<112x128xf32>
    tpu.vector_store %arg4[%swap3A_23, %swap3A_24], %broadcast_in_dim3A_22 {strides = array<i32>} : memref<10112x128xf32, #tpu.memory_space<vmem>>, vector<112x128xf32>,
    return
  }
}

</mosaic_0001>

<sc_bundles>
// kernel: closed_call.16.cloned.1.call-start
scs
__scs_entry_jumppad:
0x0: {  	(pc) =	sbr.rel $0x88, $3  }
0x1: {  	(tag) =	ssettag $0x0;
	lr =	simm.s32 $0x1  }
0x2: {  	[smem:$0x3F92] =	sst lr;
	_ =	strace $0xD0000000  }
0x3: {  	_ = 	snop  }
0x4: {  	_ = 	snop  }
0x5: {  	_ = 	snop  }
0x6: {  	_ = 	snop  }
0x7: {  	_ = 	snop  }
__scs_overlays_trampoline_lowered:
0x8: {  	[smem:$0x3FA1] =	sst s0  }
0x9: {  	[smem:$0x3FA2] =	sst s1  }
0xa: {  	[smem:$0x3FA3] =	sst s2  }
0xb: {  	[smem:$0x3FA4] =	sst s3  }
0xc: {  	[smem:$0x3FA5] =	sst s4  }
0xd: {  	[smem:$0x3FA6] =	sst s5  }
0xe: {  	[smem:$0x3FA7] =	sst s6  }
0xf: {  	[smem:$0x3FA8] =	sst s7  }
0x10: {  	[smem:$0x3FA9] =	sst s8  }
0x11: {  	[smem:$0x3FAA] =	sst s9;
	s0 =	simm.s32 @!p0 $0x0  }
0x12: {  	s1 =	sld [smem:$0x3F90];
	s0 =	simm.s32 @p0 $0x1  }
0x13: {  	[smem:$0x3FAB] =	sst s0;
	s0 =	simm.s32 @!p1 $0x0  }
0x14: {  	s2 =	sld [smem:$0x3F8F];
	s0 =	simm.s32 @p1 $0x1  }
0x15: {  	[smem:$0x3FAC] =	sst s0;
	s0 =	simm.s32 @!p2 $0x0  }
0x16: {  	s3 =	sld [smem:$0x3FDB];
	s0 =	simm.s32 @p2 $0x1  }
0x17: {  	s4 =	simm.s32 $0x1BF5;
	[smem:$0x3FAE] =	sst s0  }
0x18: {  	s0 =	sld [smem:$0x3F91];
	_ =	swait.ge [sflag:s4], $0x0  }
0x19: {  	s7 =	sld [smem:$0x3F92]  }
0x1a: {  	s8 =	sadd.s32 $0xFFFFE003, lr  }
0x1b: {  	s9 =	sadd.s32 $0xFFFFFEF7, lr;
	s5 =	simm.s32 $0xFFFFFFFF;
	p2 =	slt.u32 s8, $0xFFFFF086  }
0x1c: {  	p1 =	slt.u32 s9, $0xF7A;
	s5 =	simm.s32 @!p2 $0x0  }
0x1d: {  	s5 =	simm.s32 @p1 $0x1;
	p0 =	seq.s32 s7, s2  }
0x1e: {  	s7 =	smul.u32 @!p0 $0xF7A, s2;
	p2 =	seq.s32 @!p0 s5, $0x0  }
0x1f: {  	s9 =	smul.u32 $0xF7A, s1;
	s8 =	simm.s32 @!p0 $0x1BF5;
	p2 =	por !p2, p0  }
0x20: {  	[sflag:s8] =	ssyncset.s32 @!p0 $0xFFFFF086;
	s6 =	sadd.s32 @!p0 s3, s7;
	s7 =	simm.s32 @!p0 $0x108  }
0x21: {  	s3 =	sadd.s32 s3, s9;
	s6 =	sadd.s32 @!p0 $0x88, s6;
	s7 =	simm.s32 @p2 $0x1082  }
0x22: {  	[simem:s7], [sflag:s8] =	dma.local @!p0 [hbm:s6], $0xF7A  }
0x23: {  	s9 =	sor.u32 $0xD0000000, s2;
	s6 =	simm.s32 $0x108;
	_ =	swait.ge @!p0 [sflag:s8], $0x0  }
0x24: {  	s3 =	sadd.s32 $0x88, s3;
	s6 =	simm.s32 @!p1 $0x1082;
	[sflag:s4] =	ssyncset.s32 $0xFFFFF086  }
0x25: {  	[simem:s6], [sflag:s4] =	dma.local [hbm:s3], $0xF7A  }
0x26: {  	[smem:$0x3F92] =	sst s1;
	(tag) =	ssettag s2;
	_ =	strace s9  }
0x27: {  	s1 =	sld [smem:$0x3FA2]  }
0x28: {  	s2 =	sld [smem:$0x3FA3]  }
0x29: {  	s4 =	sld [smem:$0x3FA5]  }
0x2a: {  	p0 =	seq.s32 s5, $0x0;
	s5 =	sld [smem:$0x3FA6]  }
0x2b: {  	s6 =	sld [smem:$0x3FA7]  }
0x2c: {  	s7 =	sld [smem:$0x3FA8]  }
0x2d: {  	s3 =	simm.s32 $0x108;
	s8 =	sld [smem:$0x3FA9]  }
0x2e: {  	s3 =	simm.s32 @!p0 $0x1082;
	s9 =	sld [smem:$0x3FAA]  }
0x2f: {  	lr =	sadd.s32 s0, s3;
	s0 =	sld [smem:$0x3FA1]  }
0x30: {  	s3 =	sld [smem:$0x3FA4]  }
0x31: {  	[smem:$0x3FAD] =	sst s10  }
0x32: {  	s10 =	sld [smem:$0x3FAB];
	_ =	sdelay $0x3  }
0x33: {  	p0 =	seq.s32 s10, $0x1;
	s10 =	sld [smem:$0x3FAD];
	_ =	sdelay $0x3  }
0x34: {  	[smem:$0x3FAD] =	sst s10  }
0x35: {  	s10 =	sld [smem:$0x3FAC];
	_ =	sdelay $0x3  }
0x36: {  	p1 =	seq.s32 s10, $0x1;
	s10 =	sld [smem:$0x3FAD];
	_ =	sdelay $0x3  }
0x37: {  	[smem:$0x3FAD] =	sst s10  }
0x38: {  	s10 =	sld [smem:$0x3FAE]  }
0x39: {  	_ = 	snop;
	(pc) =	sbr.ind lr, $3  }
0x3a: {  	_ = 	snop  }
0x3b: {  	_ = 	snop  }
0x3c: {  	p2 =	seq.s32 s10, $0x1;
	s10 =	sld [smem:$0x3FAD]  }
0x3d: {  	_ =	shalt  }
0x3e: {  	_ =	shalt  }
0x3f: {  	_ =	shalt  }
0x40: {  	_ =	shalt  }
0x41: {  	_ =	shalt  }
0x42: {  	_ =	shalt  }
0x43: {  	_ =	shalt  }
0x44: {  	_ =	shalt  }
0x45: {  	_ =	shalt  }
0x46: {  	_ =	shalt  }
0x47: {  	_ =	shalt  }
0x48: {  	_ =	shalt  }
0x49: {  	_ =	shalt  }
0x4a: {  	_ =	shalt  }
0x4b: {  	_ =	shalt  }
0x4c: {  	_ =	shalt  }
0x4d: {  	_ =	shalt  }
0x4e: {  	_ =	shalt  }
0x4f: {  	_ =	shalt  }
0x50: {  	_ =	shalt  }
0x51: {  	_ =	shalt  }
0x52: {  	_ =	shalt  }
0x53: {  	_ =	shalt  }
0x54: {  	_ =	shalt  }
0x55: {  	_ =	shalt  }
0x56: {  	_ =	shalt  }
0x57: {  	_ =	shalt  }
0x58: {  	_ =	shalt  }
0x59: {  	_ =	shalt  }
0x5a: {  	_ =	shalt  }
0x5b: {  	_ =	shalt  }
0x5c: {  	_ =	shalt  }
0x5d: {  	_ =	shalt  }
0x5e: {  	_ =	shalt  }
0x5f: {  	_ =	shalt  }
0x60: {  	_ =	shalt  }
0x61: {  	_ =	shalt  }
0x62: {  	_ =	shalt  }
0x63: {  	_ =	shalt  }
0x64: {  	_ =	shalt  }
0x65: {  	_ =	shalt  }
0x66: {  	_ =	shalt  }
0x67: {  	_ =	shalt  }
0x68: {  	_ =	shalt  }
0x69: {  	_ =	shalt  }
0x6a: {  	_ =	shalt  }
0x6b: {  	_ =	shalt  }
0x6c: {  	_ =	shalt  }
0x6d: {  	_ =	shalt  }
0x6e: {  	_ =	shalt  }
0x6f: {  	_ =	shalt  }
0x70: {  	_ =	shalt  }
0x71: {  	_ =	shalt  }
0x72: {  	_ =	shalt  }
0x73: {  	_ =	shalt  }
0x74: {  	_ =	shalt  }
0x75: {  	_ =	shalt  }
0x76: {  	_ =	shalt  }
0x77: {  	_ =	shalt  }
0x78: {  	_ =	shalt  }
0x79: {  	_ =	shalt  }
0x7a: {  	_ =	shalt  }
0x7b: {  	_ =	shalt  }
0x7c: {  	_ =	shalt  }
0x7d: {  	_ =	shalt  }
0x7e: {  	_ =	shalt  }
0x7f: {  	_ =	shalt  }
0x80: {  	_ =	shalt  }
0x81: {  	_ =	shalt  }
0x82: {  	_ =	shalt  }
0x83: {  	_ =	shalt  }
0x84: {  	_ =	shalt  }
0x85: {  	_ =	shalt  }
0x86: {  	_ =	shalt  }
0x87: {  	_ =	shalt  }
.Lfunc_end0:
.L_simem_size_0:
called_computation_lowered:
.L_overlay_start_0:
0x88: {  	s2 =	sld [smem:$0x3FD9]  }
0x89: {  	s3 =	sld [smem:$0x3FFE];
	_ =	sdelay $0x1  }
0x8a: {  	s1 =	srdreg.scid  }
0x8b: {  	s0 =	sand.u32 $0x1, s1  }
0x8c: {  	s16 =	sshll.u32 s0, $0xA;
	s2 =	sadd.s32 s3, s2  }
0x8d: {  	s2 =	sadd.s32 s2, s16  }
0x8e: {  	[smem:$0x3FB9] =	sst s2  }
0x8f: {  	_ = 	snop  }
0x90: {  	(tm) =	ssettm $0x1  }
0x91: {  	s17 =	sld [smem:$0x3FFB];
	_ =	sdelay $0x3  }
0x92: {  	_ =	strace s17  }
0x93: {  	s2 =	sld [smem:$0x3FFC];
	_ =	sdelay $0x3  }
0x94: {  	_ =	strace s2  }
0x95: {  	s2 =	sld [smem:$0x3FFD];
	_ =	sdelay $0x3  }
0x96: {  	_ =	strace s2  }
0x97: {  	_ =	strace $0x8FFFFFFF  }
0x98: {  	s18 =	sld [smem:$0x3FDB];
	_ =	sdelay $0x1  }
0x99: {  	s19 =	simm.s32 $_scs_section_size  }
0x9a: {  	s4 =	simm.s32 $_size__tile_overlayer_lowered;
	s5 =	simm.s32 $_tile_overlayer_lowered  }
0x9b: {  	s22 =	simm.s32 $0x1BFF;
	s21 =	sshll.u32 s5, $0x1;
	s2 =	sadd.s32 s19, s18  }
0x9c: {  	s6 =	simm.s32 $0x0;
	s20 =	sshll.u32 s4, $0x1;
	s4 =	sadd.s32 s21, s2  }
0x9d: {  	[timem:s6], [sflag:s22] =	dma.local [hbm:s4], s20  }
0x9e: {  	_ =	swait.ge [sflag:s22], s20  }
0x9f: {  	s3 =	ssub.s32 $0x0, s20;
	[sflag:s22] =	ssyncset.done $0x0  }
0xa0: {  	[sflag:s22] =	ssyncadd.s32 s3;
	_ =	sdelay $0x1  }
0xa1: {  	s23 =	simm.s32 $0x1B8B  }
0xa2: {  	_ =	swait.ge [sflag:s23], $0x1  }
0xa3: {  	[sflag:s23] =	ssyncset.done $0x0  }
0xa4: {  	s25 =	simm.s32 $0x1B8E;
	s24 =	sld [smem:$0x3FFE];
	[sflag:s23] =	ssyncadd.s32 $0xFFFFFFFF  }
0xa5: {  	s26 =	simm.s32 $execute0_lowered;
	[smem:$0x3FD2] =	sst s25  }
0xa6: {  	s4 =	sshll.u32 s26, $0x1;
	_ =	strace $0x80000049;
	[dreg:$0x1] =	wrdreg $0xFFFFFFFF  }
0xa7: {  	s28 =	simm.s32 $_size_execute0_lowered;
	s2 =	sadd.s32 s2, s4;
	[dreg:$0x0] =	wrdreg $0x0  }
0xa8: {  	s4 =	sshll.u32 s28, $0x1;
	[dreg:$0x2] =	wrdreg s2  }
0xa9: {  	[dreg:$0x3] =	wrdreg s4  }
0xaa: {  	[dreg:$0x4] =	wrdreg $0xC0  }
0xab: {  	_ =	task [dreg:s6], $0x5FFFF  }
0xac: {  	[dreg:$0x1] =	wrdreg $0xFFFFFFFF  }
0xad: {  	[dreg:$0x0] =	wrdreg $0x60  }
0xae: {  	[dreg:$0x2] =	wrdreg s24  }
0xaf: {  	[dreg:$0x3] =	wrdreg $0xB0000  }
0xb0: {  	[dreg:$0x4] =	wrdreg $0x9  }
0xb1: {  	_ =	task.clear_ibuf [dreg:s6], $0x5FFFF;
	_ =	strace $0x90000049  }
0xb2: {  	s29 =	simm.s32 $0x9;
	_ =	strace $0x8000004B  }
0xb3: {  	_ =	swait.ge [sflag:s29], $0x1  }
0xb4: {  	[sflag:s29] =	ssyncadd.s32 $0xFFFFFFFF  }
0xb5: {  	_ =	strace $0x9000004B  }
0xb6: {  	_ =	sfence  }
0xb7: {  	s30 =	sld [smem:$0x0];
	_ =	sdelay $0x2  }
0xb8: {  	s31 =	sshll.u32 s1, $0xD;
	s1 =	sshrl.u32 s1, $0x2  }
0xb9: {  	s3 =	sand.u32 $0x4000, s31;
	s1 =	sadd.s32 s1, s30  }
0xba: {  	s0 =	sor.u32 s3, s0;
	s1 =	sshll.u32 s1, $0x11  }
0xbb: {  	s0 =	sor.u32 s1, s0  }
0xbc: {  	s0 =	sadd.s32 $0x8F2B, s0  }
0xbd: {  	[sflag:s0] =	ssyncadd.remote.s32 $0x1  }
0xbe: {  	_ =	sfence.sel $0xFFFF  }
0xbf: {  	[dreg:$0x0] =	wrdreg $0xFFFFFFFF;
	(pc) =	sbr.abs _section_cstart, $3  }
0xc0: {  	[dreg:$0x1] =	wrdreg $0xFFFFFFFF  }
0xc1: {  	_ =	task.clear_ibuf [dreg:s6], $0x2FFFF;
	_ =	strace $0x9FFFFFFF  }
0xc2: {  	(tm) =	ssettm $0x7FFFFFFF  }
0xc3: {  	_ =	shalt  }
tec
execute0_lowered:
.L_overlay_start_1:
0x0: {  	(tag) =	ssettag $0x1  }
0x1: {  	s0 =	rddreg [dreg:$0x0];
	s1 =	srdreg.scid  }
0x2: {  	s2 =	rddreg [dreg:$0x1];
	s7 =	stileid.u32  }
0x3: {  	s3 =	simm.s32 $0x0;
	s10 =	simm.s32 $0x100;
	s12 =	simm.s32 $0x180  }
0x4: {  	s14 =	simm.s32 $0x200;
	s16 =	simm.s32 $0x280;
	s17 =	simm.s32 $0x300  }
0x5: {  	s18 =	simm.s32 $0x880;
	s19 =	simm.s32 $0x380;
	[smem:$0x7FF] =	sst s3  }
0x6: {  	s28 =	simm.s32 $0xB00;
	_ =	strace $0x8000004A;
	[dreg:$0x6] =	wrdreg s10  }
0x7: {  	s29 =	simm.s32 $0x600;
	s5 =	smul.u32 $0x5000, s7;
	[dreg:$0x7] =	wrdreg s12  }
0x8: {  	s30 =	simm.s32 $0xB80;
	s6 =	smul.u32 $0x2780, s7;
	[dreg:$0x8] =	wrdreg s14  }
0x9: {  	s1 =	sand.u32 $0x1, s1;
	s7 =	smul.u32 $0x4F000, s7;
	[dreg:$0x9] =	wrdreg s16  }
0xa: {  	s31 =	simm.s32 $0x680;
	s4 =	smul.u32 $0x50000, s1;
	[dreg:$0xa] =	wrdreg s17  }
0xb: {  	s8 =	smul.u32 $0x27800, s1;
	s1 =	ssub.s32 $0x2, s1;
	[dreg:$0xb] =	wrdreg s18  }
0xc: {  	s17 =	simm.s32 $0x1000;
	s18 =	simm.s32 $0x2;
	[dreg:$0xc] =	wrdreg s19  }
0xd: {  	s7 =	sshrl.u32 s7, $0x2;
	s6 =	sadd.s32 s6, s8;
	s8 =	simm.s32 $0x80  }
0xe: {  	s20 =	sshrl.u32 s1, $0x1;
	s7 =	sadd.s32 s7, s2;
	[dreg:$0x5] =	wrdreg s8  }
0xf: {  	s1 =	ssub.s32 s1, s20;
	s20 =	simm.s32 $0x900;
	[dreg:$0x14] =	wrdreg s7  }
0x10: {  	s19 =	simm.s32 $0x800;
	s21 =	sadd.s32 $0x2000, s7;
	[dreg:$0xd] =	wrdreg s20  }
0x11: {  	s10 =	simm.s32 $0xE00;
	s22 =	sadd.s32 $0x4000, s7;
	[dreg:$0x15] =	wrdreg s21  }
0x12: {  	s12 =	simm.s32 $0xF00;
	s23 =	sadd.s32 $0x6000, s7;
	[dreg:$0x16] =	wrdreg s22  }
0x13: {  	s14 =	simm.s32 $0x0;
	s25 =	sadd.s32 $0x8000, s7;
	[dreg:$0x17] =	wrdreg s23  }
0x14: {  	s5 =	sadd.s32 s5, s4;
	s26 =	sadd.s32 $0xA000, s7;
	[dreg:$0x18] =	wrdreg s25  }
0x15: {  	s4 =	sadd.s32 $0x17C00, s0;
	s9 =	sadd.s32 $0xC000, s7;
	[dreg:$0x19] =	wrdreg s26  }
0x16: {  	s5 =	sshrl.u32 s5, $0x3;
	s11 =	sadd.s32 $0xE000, s7;
	[dreg:$0x1a] =	wrdreg s9  }
0x17: {  	s13 =	sadd.s32 $0x10000, s7;
	s15 =	sadd.s32 $0x12000, s7;
	[dreg:$0x1b] =	wrdreg s11  }
0x18: {  	s1 =	smax.u32 s1, $0x1;
	s20 =	simm.s32 $0x40;
	[dreg:$0x1c] =	wrdreg s13  }
0x19: {  	s7 =	simm.s32 $0x780;
	s8 =	simm.s32 $0xD00;
	[dreg:$0x1d] =	wrdreg s15  }
0x1a: {  	s5 =	sadd.s32 s5, s0;
	s0 =	sadd.s32 s6, s0;
	[dreg:$0x1f] =	wrdreg s1  }
0x1b: {  	s21 =	simm.s32 $0x400;
	s22 =	simm.s32 $0x980;
	s23 =	simm.s32 $0x480  }
0x1c: {  	s25 =	simm.s32 $0x500;
	s26 =	simm.s32 $0xA80;
	[dreg:$0xe] =	wrdreg s21  }
0x1d: {  	s1 =	simm.s32 $0x700;
	s6 =	simm.s32 $0xC80;
	[dreg:$0xf] =	wrdreg s22  }
0x1e: {  	s9 =	simm.s32 $0xD80;
	s11 =	simm.s32 $0xE80;
	[dreg:$0x10] =	wrdreg s23  }
0x1f: {  	s13 =	simm.s32 $0xF80;
	s24 =	sadd.s32 $0x3C00, s5;
	[dreg:$0x12] =	wrdreg s25  }
0x20: {  	s5 =	sadd.s32 $0x3F400, s5;
	s0 =	sadd.s32 $0x8DE00, s0;
	[dreg:$0x13] =	wrdreg s26  }
0x21: {  	s21 =	simm.s32 $0x3000;
	s22 =	simm.s32 $0x5000;
	[dreg:$0x3] =	wrdreg s24  }
0x22: {  	s23 =	simm.s32 $0x7000;
	s25 =	simm.s32 $0x1;
	[dreg:$0x4] =	wrdreg s5  }
0x23: {  	s26 =	simm.s32 $0x580;
	[dreg:$0x1e] =	wrdreg s0;
	s24 =	simm.s32 $0xA00  }
0x24: {  	v0 =	vimm.f32 $0.0e+00;
	s0 =	simm.s32 $0xC00;
	[dreg:$0x11] =	wrdreg s24;
	s24 =	simm.s32 $0x9000  }
.LBB2_1:
0x25: {  	s15 =	simm.s32 $0x0;
	s16 =	simm.s32 $0x200  }
.LBB2_2:
0x26: {  	p0 =	sne.s32 s16, $0x7E00;
	[tilespmem:s15+$0x1070] =	vst v0  }
0x27: {  	[tilespmem:s15+$0x1000] =	vst v0  }
0x28: {  	[tilespmem:s15+$0x1010] =	vst v0  }
.Ltmp0:
0x29: {  	[tilespmem:s15+$0x1020] =	vst v0;
	(pc) =	sbr.rel @p0 .LBB2_2-.Ltmp0, $4  }
0x2a: {  	[tilespmem:s15+$0x1030] =	vst v0  }
0x2b: {  	[tilespmem:s15+$0x1040] =	vst v0  }
0x2c: {  	[tilespmem:s15+$0x1050] =	vst v0  }
0x2d: {  	[tilespmem:s15+$0x1060] =	vst v0;
	s15 =	sshra.s32 s16, $0x2;
	s16 =	sadd.s32 $0x200, s16  }
0x2e: {  	[tilespmem:s15+$0x1070] =	vst v0  }
0x2f: {  	[tilespmem:s15+$0x1000] =	vst v0  }
0x30: {  	[tilespmem:s15+$0x1010] =	vst v0  }
0x31: {  	[tilespmem:s15+$0x1020] =	vst v0  }
0x32: {  	[tilespmem:s15+$0x1030] =	vst v0  }
0x33: {  	[tilespmem:s15+$0x1040] =	vst v0  }
0x34: {  	[smem:$0x7FD] =	sst s14;
	[tilespmem:s15+$0x1050] =	vst v0  }
0x35: {  	[tilespmem:s15+$0x1060] =	vst v0;
	s5 =	rddreg [dreg:$0x14]  }
0x36: {  	[spmem:s5] =	stream.linear.scatter [tilespmem:s17], [sflag:$0x2], $0x2000, $0x38;
	[tilespmem:$0x1EC00] =	vst v63  }
0x37: {  	_ =	swait.ge [sflag:s18], $0x2000  }
0x38: {  	[sflag:s18] =	ssyncset.done $0x0  }
0x39: {  	s14 =	rddreg [dreg:$0x15];
	[sflag:s18] =	ssyncadd.s32 $0xFFFFE000  }
0x3a: {  	[spmem:s14] =	stream.linear.scatter [tilespmem:s17], [sflag:$0x2], $0x2000, $0x38;
	[tilespmem:$0x1EC00] =	vst v63  }
0x3b: {  	_ =	swait.ge [sflag:s18], $0x2000  }
0x3c: {  	[sflag:s18] =	ssyncset.done $0x0  }
0x3d: {  	s15 =	rddreg [dreg:$0x16];
	[sflag:s18] =	ssyncadd.s32 $0xFFFFE000  }
0x3e: {  	[spmem:s15] =	stream.linear.scatter [tilespmem:s17], [sflag:$0x2], $0x2000, $0x38;
	[tilespmem:$0x1EC00] =	vst v63  }
0x3f: {  	_ =	swait.ge [sflag:s18], $0x2000  }
0x40: {  	[sflag:s18] =	ssyncset.done $0x0  }
0x41: {  	s16 =	rddreg [dreg:$0x17];
	[sflag:s18] =	ssyncadd.s32 $0xFFFFE000  }
0x42: {  	[spmem:s16] =	stream.linear.scatter [tilespmem:s17], [sflag:$0x2], $0x2000, $0x38;
	[tilespmem:$0x1EC00] =	vst v63  }
0x43: {  	_ =	swait.ge [sflag:s18], $0x2000  }
0x44: {  	[sflag:s18] =	ssyncset.done $0x0  }
0x45: {  	s14 =	rddreg [dreg:$0x18];
	[sflag:s18] =	ssyncadd.s32 $0xFFFFE000  }
0x46: {  	[spmem:s14] =	stream.linear.scatter [tilespmem:s17], [sflag:$0x2], $0x2000, $0x38;
	[tilespmem:$0x1EC00] =	vst v63  }
0x47: {  	_ =	swait.ge [sflag:s18], $0x2000  }
0x48: {  	[sflag:s18] =	ssyncset.done $0x0  }
0x49: {  	s15 =	rddreg [dreg:$0x19];
	[sflag:s18] =	ssyncadd.s32 $0xFFFFE000  }
0x4a: {  	[spmem:s15] =	stream.linear.scatter [tilespmem:s17], [sflag:$0x2], $0x2000, $0x38;
	[tilespmem:$0x1EC00] =	vst v63  }
0x4b: {  	_ =	swait.ge [sflag:s18], $0x2000  }
0x4c: {  	[sflag:s18] =	ssyncset.done $0x0  }
0x4d: {  	s16 =	rddreg [dreg:$0x1a];
	[sflag:s18] =	ssyncadd.s32 $0xFFFFE000  }
0x4e: {  	[spmem:s16] =	stream.linear.scatter [tilespmem:s17], [sflag:$0x2], $0x2000, $0x38;
	[tilespmem:$0x1EC00] =	vst v63  }
0x4f: {  	_ =	swait.ge [sflag:s18], $0x2000  }
0x50: {  	[sflag:s18] =	ssyncset.done $0x0  }
0x51: {  	s14 =	rddreg [dreg:$0x1b];
	[sflag:s18] =	ssyncadd.s32 $0xFFFFE000  }
0x52: {  	[spmem:s14] =	stream.linear.scatter [tilespmem:s17], [sflag:$0x2], $0x2000, $0x38;
	[tilespmem:$0x1EC00] =	vst v63  }
0x53: {  	_ =	swait.ge [sflag:s18], $0x2000  }
0x54: {  	[sflag:s18] =	ssyncset.done $0x0  }
0x55: {  	s15 =	rddreg [dreg:$0x1c];
	[sflag:s18] =	ssyncadd.s32 $0xFFFFE000  }
0x56: {  	[spmem:s15] =	stream.linear.scatter [tilespmem:s17], [sflag:$0x2], $0x2000, $0x38;
	[tilespmem:$0x1EC00] =	vst v63  }
0x57: {  	_ =	swait.ge [sflag:s18], $0x2000  }
0x58: {  	[sflag:s18] =	ssyncset.done $0x0  }
0x59: {  	s16 =	rddreg [dreg:$0x1d];
	[sflag:s18] =	ssyncadd.s32 $0xFFFFE000  }
0x5a: {  	[spmem:s16] =	stream.linear.scatter [tilespmem:s17], [sflag:$0x2], $0x1C00, $0x38;
	[tilespmem:$0x1EC00] =	vst v63  }
0x5b: {  	_ =	swait.ge [sflag:s18], $0x1C00  }
0x5c: {  	[sflag:s18] =	ssyncset.done $0x0  }
0x5d: {  	[sflag:s18] =	ssyncadd.s32 $0xFFFFE400  }
0x5e: {  	[bflag:$0x0] =	sbarrier.arrive $0xFFFF  }
0x5f: {  	s14 =	rddreg [dreg:$0x4]  }
0x60: {  	s5 =	sadd.s32 $0x0, s14  }
0x61: {  	[tilespmem:s3], [sflag:$0x2] =	stream.linear.gather [hbm4b:s5+s3], $0x800, $0x38;
	[tilespmem:$0x1EC00] =	vst v63  }
0x62: {  	_ =	swait.ge [sflag:s18], $0x800  }
0x63: {  	s15 =	rddreg [dreg:$0x3];
	[sflag:s18] =	ssyncset.done $0x0  }
0x64: {  	[sflag:s18] =	ssyncadd.s32 $0xFFFFF800;
	s5 =	sadd.s32 $0x0, s15  }
0x65: {  	[tilespmem:s19], [sflag:$0x2] =	stream.linear.gather [hbm4b:s5+s3], $0x800, $0x38;
	[tilespmem:$0x1EC00] =	vst v63  }
0x66: {  	_ =	swait.ge [sflag:s18], $0x800  }
0x67: {  	[sflag:s18] =	ssyncset.done $0x0  }
0x68: {  	[sflag:s18] =	ssyncadd.s32 $0xFFFFF800  }
0x69: {  	[tilespmem:s17], [sflag:$0x1] =	stream.indirect.gather [hbm4b:s4+s20], $0x80, s3, s20, $0xb8;
	[tilespmem:$0x1EC00] =	vst v63  }
0x6a: {  	s16 =	rddreg [dreg:$0x5]  }
0x6b: {  	[tilespmem:s21], [sflag:$0x1] =	stream.indirect.gather [hbm4b:s4+s20], $0x80, s16, s20, $0xb8;
	[tilespmem:$0x1EC00] =	vst v63  }
0x6c: {  	s14 =	rddreg [dreg:$0x6]  }
0x6d: {  	[tilespmem:s22], [sflag:$0x1] =	stream.indirect.gather [hbm4b:s4+s20], $0x80, s14, s20, $0xb8;
	[tilespmem:$0x1EC00] =	vst v63  }
0x6e: {  	s16 =	rddreg [dreg:$0x7]  }
0x6f: {  	[tilespmem:s23], [sflag:$0x1] =	stream.indirect.gather [hbm4b:s4+s20], $0x80, s16, s20, $0xb8;
	[tilespmem:$0x1EC00] =	vst v63  }
0x70: {  	s14 =	rddreg [dreg:$0x8]  }
0x71: {  	[tilespmem:s24], [sflag:$0x1] =	stream.indirect.gather [hbm4b:s4+s20], $0x80, s14, s20, $0xb8;
	[tilespmem:$0x1EC00] =	vst v63  }
0x72: {  	_ =	swait.ge [sflag:s25], $0x2000  }
0x73: {  	[sflag:s25] =	ssyncset.done $0x0  }
0x74: {  	s15 =	rddreg [dreg:$0x9];
	[sflag:s25] =	ssyncadd.s32 $0xFFFFE000  }
0x75: {  	[tilespmem:s17], [sflag:$0x1] =	stream.indirect.gather [hbm4b:s4+s20], $0x80, s15, s20, $0xb8;
	[tilespmem:$0x1EC00] =	vst v63  }
0x76: {  	_ = 	snop  }
0x77: {  	[spmem:s2] =	stream.indirect.scatter.add.f32 [tilespmem:s17], [sflag:$0x2], $0x80, s19, s20, $0xb8;
	[tilespmem:$0x1EC00] =	vst v63  }
0x78: {  	_ =	swait.ge [sflag:s18], $0x2000  }
0x79: {  	[sflag:s18] =	ssyncset.done $0x0  }
0x7a: {  	[sflag:s18] =	ssyncadd.s32 $0xFFFFE000  }
0x7b: {  	_ =	swait.ge [sflag:s25], $0x2000  }
0x7c: {  	[sflag:s25] =	ssyncset.done $0x0  }
0x7d: {  	s16 =	rddreg [dreg:$0xa];
	[sflag:s25] =	ssyncadd.s32 $0xFFFFE000  }
0x7e: {  	[tilespmem:s21], [sflag:$0x1] =	stream.indirect.gather [hbm4b:s4+s20], $0x80, s16, s20, $0xb8;
	[tilespmem:$0x1EC00] =	vst v63  }
0x7f: {  	s14 =	rddreg [dreg:$0xb]  }
0x80: {  	[spmem:s2] =	stream.indirect.scatter.add.f32 [tilespmem:s21], [sflag:$0x2], $0x80, s14, s20, $0xb8;
	[tilespmem:$0x1EC00] =	vst v63  }
0x81: {  	_ =	swait.ge [sflag:s18], $0x2000  }
0x82: {  	[sflag:s18] =	ssyncset.done $0x0  }
0x83: {  	[sflag:s18] =	ssyncadd.s32 $0xFFFFE000  }
0x84: {  	_ =	swait.ge [sflag:s25], $0x2000  }
0x85: {  	[sflag:s25] =	ssyncset.done $0x0  }
0x86: {  	s16 =	rddreg [dreg:$0xc];
	[sflag:s25] =	ssyncadd.s32 $0xFFFFE000  }
0x87: {  	[tilespmem:s22], [sflag:$0x1] =	stream.indirect.gather [hbm4b:s4+s20], $0x80, s16, s20, $0xb8;
	[tilespmem:$0x1EC00] =	vst v63  }
0x88: {  	s14 =	rddreg [dreg:$0xd]  }
0x89: {  	[spmem:s2] =	stream.indirect.scatter.add.f32 [tilespmem:s22], [sflag:$0x2], $0x80, s14, s20, $0xb8;
	[tilespmem:$0x1EC00] =	vst v63  }
0x8a: {  	_ =	swait.ge [sflag:s18], $0x2000  }
0x8b: {  	[sflag:s18] =	ssyncset.done $0x0  }
0x8c: {  	[sflag:s18] =	ssyncadd.s32 $0xFFFFE000  }
0x8d: {  	_ =	swait.ge [sflag:s25], $0x2000  }
0x8e: {  	[sflag:s25] =	ssyncset.done $0x0  }
0x8f: {  	s16 =	rddreg [dreg:$0xe];
	[sflag:s25] =	ssyncadd.s32 $0xFFFFE000  }
0x90: {  	[tilespmem:s23], [sflag:$0x1] =	stream.indirect.gather [hbm4b:s4+s20], $0x80, s16, s20, $0xb8;
	[tilespmem:$0x1EC00] =	vst v63  }
0x91: {  	s14 =	rddreg [dreg:$0xf]  }
0x92: {  	[spmem:s2] =	stream.indirect.scatter.add.f32 [tilespmem:s23], [sflag:$0x2], $0x80, s14, s20, $0xb8;
	[tilespmem:$0x1EC00] =	vst v63  }
0x93: {  	_ =	swait.ge [sflag:s18], $0x2000  }
0x94: {  	[sflag:s18] =	ssyncset.done $0x0  }
0x95: {  	[sflag:s18] =	ssyncadd.s32 $0xFFFFE000  }
0x96: {  	_ =	swait.ge [sflag:s25], $0x2000  }
0x97: {  	[sflag:s25] =	ssyncset.done $0x0  }
0x98: {  	s16 =	rddreg [dreg:$0x10];
	[sflag:s25] =	ssyncadd.s32 $0xFFFFE000  }
0x99: {  	[tilespmem:s24], [sflag:$0x1] =	stream.indirect.gather [hbm4b:s4+s20], $0x80, s16, s20, $0xb8;
	[tilespmem:$0x1EC00] =	vst v63  }
0x9a: {  	s14 =	rddreg [dreg:$0x11]  }
0x9b: {  	[spmem:s2] =	stream.indirect.scatter.add.f32 [tilespmem:s24], [sflag:$0x2], $0x80, s14, s20, $0xb8;
	[tilespmem:$0x1EC00] =	vst v63  }
0x9c: {  	_ =	swait.ge [sflag:s18], $0x2000  }
0x9d: {  	[sflag:s18] =	ssyncset.done $0x0  }
0x9e: {  	[sflag:s18] =	ssyncadd.s32 $0xFFFFE000  }
0x9f: {  	_ =	swait.ge [sflag:s25], $0x2000  }
0xa0: {  	[sflag:s25] =	ssyncset.done $0x0  }
0xa1: {  	s15 =	rddreg [dreg:$0x12];
	[sflag:s25] =	ssyncadd.s32 $0xFFFFE000  }
0xa2: {  	[tilespmem:s17], [sflag:$0x1] =	stream.indirect.gather [hbm4b:s4+s20], $0x80, s15, s20, $0xb8;
	[tilespmem:$0x1EC00] =	vst v63  }
0xa3: {  	s16 =	rddreg [dreg:$0x13]  }
0xa4: {  	[spmem:s2] =	stream.indirect.scatter.add.f32 [tilespmem:s17], [sflag:$0x2], $0x80, s16, s20, $0xb8;
	[tilespmem:$0x1EC00] =	vst v63  }
0xa5: {  	_ =	swait.ge [sflag:s18], $0x2000  }
0xa6: {  	[sflag:s18] =	ssyncset.done $0x0  }
0xa7: {  	[sflag:s18] =	ssyncadd.s32 $0xFFFFE000  }
0xa8: {  	_ =	swait.ge [sflag:s25], $0x2000  }
0xa9: {  	[sflag:s25] =	ssyncset.done $0x0  }
0xaa: {  	[sflag:s25] =	ssyncadd.s32 $0xFFFFE000  }
0xab: {  	[tilespmem:s21], [sflag:$0x1] =	stream.indirect.gather [hbm4b:s4+s20], $0x80, s26, s20, $0xb8;
	[tilespmem:$0x1EC00] =	vst v63  }
0xac: {  	_ = 	snop  }
0xad: {  	[spmem:s2] =	stream.indirect.scatter.add.f32 [tilespmem:s21], [sflag:$0x2], $0x80, s28, s20, $0xb8;
	[tilespmem:$0x1EC00] =	vst v63  }
0xae: {  	_ =	swait.ge [sflag:s18], $0x2000  }
0xaf: {  	[sflag:s18] =	ssyncset.done $0x0  }
0xb0: {  	[sflag:s18] =	ssyncadd.s32 $0xFFFFE000  }
0xb1: {  	_ =	swait.ge [sflag:s25], $0x2000  }
0xb2: {  	[sflag:s25] =	ssyncset.done $0x0  }
0xb3: {  	[sflag:s25] =	ssyncadd.s32 $0xFFFFE000  }
0xb4: {  	[tilespmem:s22], [sflag:$0x1] =	stream.indirect.gather [hbm4b:s4+s20], $0x80, s29, s20, $0xb8;
	[tilespmem:$0x1EC00] =	vst v63  }
0xb5: {  	_ = 	snop  }
0xb6: {  	[spmem:s2] =	stream.indirect.scatter.add.f32 [tilespmem:s22], [sflag:$0x2], $0x80, s30, s20, $0xb8;
	[tilespmem:$0x1EC00] =	vst v63  }
0xb7: {  	_ =	swait.ge [sflag:s18], $0x2000  }
0xb8: {  	[sflag:s18] =	ssyncset.done $0x0  }
0xb9: {  	[sflag:s18] =	ssyncadd.s32 $0xFFFFE000  }
0xba: {  	_ =	swait.ge [sflag:s25], $0x2000  }
0xbb: {  	[sflag:s25] =	ssyncset.done $0x0  }
0xbc: {  	[sflag:s25] =	ssyncadd.s32 $0xFFFFE000  }
0xbd: {  	[tilespmem:s23], [sflag:$0x1] =	stream.indirect.gather [hbm4b:s4+s20], $0x80, s31, s20, $0xb8;
	[tilespmem:$0x1EC00] =	vst v63  }
0xbe: {  	_ = 	snop  }
0xbf: {  	[spmem:s2] =	stream.indirect.scatter.add.f32 [tilespmem:s23], [sflag:$0x2], $0x80, s0, s20, $0xb8;
	[tilespmem:$0x1EC00] =	vst v63  }
0xc0: {  	_ =	swait.ge [sflag:s18], $0x2000  }
0xc1: {  	[sflag:s18] =	ssyncset.done $0x0  }
0xc2: {  	[sflag:s18] =	ssyncadd.s32 $0xFFFFE000  }
0xc3: {  	_ =	swait.ge [sflag:s25], $0x2000  }
0xc4: {  	[sflag:s25] =	ssyncset.done $0x0  }
0xc5: {  	[sflag:s25] =	ssyncadd.s32 $0xFFFFE000  }
0xc6: {  	[tilespmem:s24], [sflag:$0x1] =	stream.indirect.gather [hbm4b:s4+s20], $0x80, s1, s20, $0xb8;
	[tilespmem:$0x1EC00] =	vst v63  }
0xc7: {  	_ = 	snop  }
0xc8: {  	[spmem:s2] =	stream.indirect.scatter.add.f32 [tilespmem:s24], [sflag:$0x2], $0x80, s6, s20, $0xb8;
	[tilespmem:$0x1EC00] =	vst v63  }
0xc9: {  	_ =	swait.ge [sflag:s18], $0x2000  }
0xca: {  	[sflag:s18] =	ssyncset.done $0x0  }
0xcb: {  	[sflag:s18] =	ssyncadd.s32 $0xFFFFE000  }
0xcc: {  	_ =	swait.ge [sflag:s25], $0x2000  }
0xcd: {  	[sflag:s25] =	ssyncset.done $0x0  }
0xce: {  	[sflag:s25] =	ssyncadd.s32 $0xFFFFE000  }
0xcf: {  	[tilespmem:s17], [sflag:$0x1] =	stream.indirect.gather [hbm4b:s4+s20], $0x80, s7, s20, $0xb8;
	[tilespmem:$0x1EC00] =	vst v63  }
0xd0: {  	_ = 	snop  }
0xd1: {  	[spmem:s2] =	stream.indirect.scatter.add.f32 [tilespmem:s17], [sflag:$0x2], $0x80, s8, s20, $0xb8;
	[tilespmem:$0x1EC00] =	vst v63  }
0xd2: {  	_ =	swait.ge [sflag:s18], $0x2000  }
0xd3: {  	[sflag:s18] =	ssyncset.done $0x0  }
0xd4: {  	[sflag:s18] =	ssyncadd.s32 $0xFFFFE000  }
0xd5: {  	_ =	swait.ge [sflag:s25], $0x2000  }
0xd6: {  	[sflag:s25] =	ssyncset.done $0x0  }
0xd7: {  	[sflag:s25] =	ssyncadd.s32 $0xFFFFE000  }
0xd8: {  	[spmem:s2] =	stream.indirect.scatter.add.f32 [tilespmem:s21], [sflag:$0x2], $0x80, s9, s20, $0xb8;
	[tilespmem:$0x1EC00] =	vst v63  }
0xd9: {  	_ =	swait.ge [sflag:s18], $0x2000  }
0xda: {  	[sflag:s18] =	ssyncset.done $0x0  }
0xdb: {  	[sflag:s18] =	ssyncadd.s32 $0xFFFFE000  }
0xdc: {  	_ =	swait.ge [sflag:s25], $0x2000  }
0xdd: {  	[sflag:s25] =	ssyncset.done $0x0  }
0xde: {  	[sflag:s25] =	ssyncadd.s32 $0xFFFFE000  }
0xdf: {  	[spmem:s2] =	stream.indirect.scatter.add.f32 [tilespmem:s22], [sflag:$0x2], $0x80, s10, s20, $0xb8;
	[tilespmem:$0x1EC00] =	vst v63  }
0xe0: {  	_ =	swait.ge [sflag:s18], $0x2000  }
0xe1: {  	[sflag:s18] =	ssyncset.done $0x0  }
0xe2: {  	[sflag:s18] =	ssyncadd.s32 $0xFFFFE000  }
0xe3: {  	_ =	swait.ge [sflag:s25], $0x2000  }
0xe4: {  	[sflag:s25] =	ssyncset.done $0x0  }
0xe5: {  	[sflag:s25] =	ssyncadd.s32 $0xFFFFE000  }
0xe6: {  	[spmem:s2] =	stream.indirect.scatter.add.f32 [tilespmem:s23], [sflag:$0x2], $0x80, s11, s20, $0xb8;
	[tilespmem:$0x1EC00] =	vst v63  }
0xe7: {  	_ =	swait.ge [sflag:s18], $0x2000  }
0xe8: {  	[sflag:s18] =	ssyncset.done $0x0  }
0xe9: {  	[sflag:s18] =	ssyncadd.s32 $0xFFFFE000  }
0xea: {  	_ =	swait.ge [sflag:s25], $0x2000  }
0xeb: {  	[sflag:s25] =	ssyncset.done $0x0  }
0xec: {  	[sflag:s25] =	ssyncadd.s32 $0xFFFFE000  }
0xed: {  	[spmem:s2] =	stream.indirect.scatter.add.f32 [tilespmem:s24], [sflag:$0x2], $0x80, s12, s20, $0xb8;
	[tilespmem:$0x1EC00] =	vst v63  }
0xee: {  	_ =	swait.ge [sflag:s18], $0x2000  }
0xef: {  	[sflag:s18] =	ssyncset.done $0x0  }
0xf0: {  	[sflag:s18] =	ssyncadd.s32 $0xFFFFE000  }
0xf1: {  	_ =	swait.ge [sflag:s25], $0x2000  }
0xf2: {  	[sflag:s25] =	ssyncset.done $0x0  }
0xf3: {  	[sflag:s25] =	ssyncadd.s32 $0xFFFFE000  }
0xf4: {  	[spmem:s2] =	stream.indirect.scatter.add.f32 [tilespmem:s17], [sflag:$0x2], $0x80, s13, s20, $0xb8;
	[tilespmem:$0x1EC00] =	vst v63  }
0xf5: {  	s15 =	simm.s32 $0x100;
	_ =	swait.ge [sflag:s18], $0x2000  }
0xf6: {  	s16 =	simm.s32 $0x200;
	s5 =	rddreg [dreg:$0x4];
	[sflag:s18] =	ssyncset.done $0x0  }
.LBB2_4:
0xf7: {  	[sflag:s18] =	ssyncadd.s32 $0xFFFFE000;
	s5 =	sadd.s32 s15, s5  }
0xf8: {  	[tilespmem:s3], [sflag:$0x2] =	stream.linear.gather [hbm4b:s5+s3], $0x800, $0x38;
	[tilespmem:$0x1EC00] =	vst v63  }
0xf9: {  	_ =	swait.ge [sflag:s18], $0x800  }
0xfa: {  	s5 =	rddreg [dreg:$0x3];
	[sflag:s18] =	ssyncset.done $0x0  }
0xfb: {  	[sflag:s18] =	ssyncadd.s32 $0xFFFFF800;
	s5 =	sadd.s32 s15, s5  }
0xfc: {  	[tilespmem:s19], [sflag:$0x2] =	stream.linear.gather [hbm4b:s5+s3], $0x800, $0x38;
	[tilespmem:$0x1EC00] =	vst v63  }
0xfd: {  	_ =	swait.ge [sflag:s18], $0x800  }
0xfe: {  	[sflag:s18] =	ssyncset.done $0x0  }
0xff: {  	[sflag:s18] =	ssyncadd.s32 $0xFFFFF800  }
0x100: {  	[tilespmem:s17], [sflag:$0x1] =	stream.indirect.gather [hbm4b:s4+s20], $0x80, s3, s20, $0xb8;
	[tilespmem:$0x1EC00] =	vst v63  }
0x101: {  	s14 =	smov.u32 s16;
	s5 =	rddreg [dreg:$0x5]  }
0x102: {  	[tilespmem:s21], [sflag:$0x1] =	stream.indirect.gather [hbm4b:s4+s20], $0x80, s5, s20, $0xb8;
	[tilespmem:$0x1EC00] =	vst v63  }
0x103: {  	s15 =	smov.u32 s14;
	s14 =	rddreg [dreg:$0x6]  }
0x104: {  	[tilespmem:s22], [sflag:$0x1] =	stream.indirect.gather [hbm4b:s4+s20], $0x80, s14, s20, $0xb8;
	[tilespmem:$0x1EC00] =	vst v63  }
0x105: {  	s5 =	rddreg [dreg:$0x7]  }
0x106: {  	[tilespmem:s23], [sflag:$0x1] =	stream.indirect.gather [hbm4b:s4+s20], $0x80, s5, s20, $0xb8;
	[tilespmem:$0x1EC00] =	vst v63  }
0x107: {  	s14 =	rddreg [dreg:$0x8]  }
0x108: {  	[tilespmem:s24], [sflag:$0x1] =	stream.indirect.gather [hbm4b:s4+s20], $0x80, s14, s20, $0xb8;
	[tilespmem:$0x1EC00] =	vst v63  }
0x109: {  	_ =	swait.ge [sflag:s25], $0x2000  }
0x10a: {  	[sflag:s25] =	ssyncset.done $0x0  }
0x10b: {  	s14 =	rddreg [dreg:$0x9];
	[sflag:s25] =	ssyncadd.s32 $0xFFFFE000  }
0x10c: {  	[tilespmem:s17], [sflag:$0x1] =	stream.indirect.gather [hbm4b:s4+s20], $0x80, s14, s20, $0xb8;
	[tilespmem:$0x1EC00] =	vst v63  }
0x10d: {  	_ = 	snop  }
0x10e: {  	[spmem:s2] =	stream.indirect.scatter.add.f32 [tilespmem:s17], [sflag:$0x2], $0x80, s19, s20, $0xb8;
	[tilespmem:$0x1EC00] =	vst v63  }
0x10f: {  	_ =	swait.ge [sflag:s18], $0x2000  }
0x110: {  	[sflag:s18] =	ssyncset.done $0x0  }
0x111: {  	[sflag:s18] =	ssyncadd.s32 $0xFFFFE000  }
0x112: {  	_ =	swait.ge [sflag:s25], $0x2000  }
0x113: {  	[sflag:s25] =	ssyncset.done $0x0  }
0x114: {  	s5 =	rddreg [dreg:$0xa];
	[sflag:s25] =	ssyncadd.s32 $0xFFFFE000  }
0x115: {  	[tilespmem:s21], [sflag:$0x1] =	stream.indirect.gather [hbm4b:s4+s20], $0x80, s5, s20, $0xb8;
	[tilespmem:$0x1EC00] =	vst v63  }
0x116: {  	s14 =	rddreg [dreg:$0xb]  }
0x117: {  	[spmem:s2] =	stream.indirect.scatter.add.f32 [tilespmem:s21], [sflag:$0x2], $0x80, s14, s20, $0xb8;
	[tilespmem:$0x1EC00] =	vst v63  }
0x118: {  	_ =	swait.ge [sflag:s18], $0x2000  }
0x119: {  	[sflag:s18] =	ssyncset.done $0x0  }
0x11a: {  	[sflag:s18] =	ssyncadd.s32 $0xFFFFE000  }
0x11b: {  	_ =	swait.ge [sflag:s25], $0x2000  }
0x11c: {  	[sflag:s25] =	ssyncset.done $0x0  }
0x11d: {  	s5 =	rddreg [dreg:$0xc];
	[sflag:s25] =	ssyncadd.s32 $0xFFFFE000  }
0x11e: {  	[tilespmem:s22], [sflag:$0x1] =	stream.indirect.gather [hbm4b:s4+s20], $0x80, s5, s20, $0xb8;
	[tilespmem:$0x1EC00] =	vst v63  }
0x11f: {  	s14 =	rddreg [dreg:$0xd]  }
0x120: {  	[spmem:s2] =	stream.indirect.scatter.add.f32 [tilespmem:s22], [sflag:$0x2], $0x80, s14, s20, $0xb8;
	[tilespmem:$0x1EC00] =	vst v63  }
0x121: {  	_ =	swait.ge [sflag:s18], $0x2000  }
0x122: {  	[sflag:s18] =	ssyncset.done $0x0  }
0x123: {  	[sflag:s18] =	ssyncadd.s32 $0xFFFFE000  }
0x124: {  	_ =	swait.ge [sflag:s25], $0x2000  }
0x125: {  	[sflag:s25] =	ssyncset.done $0x0  }
0x126: {  	s5 =	rddreg [dreg:$0xe];
	[sflag:s25] =	ssyncadd.s32 $0xFFFFE000  }
0x127: {  	[tilespmem:s23], [sflag:$0x1] =	stream.indirect.gather [hbm4b:s4+s20], $0x80, s5, s20, $0xb8;
	[tilespmem:$0x1EC00] =	vst v63  }
0x128: {  	s14 =	rddreg [dreg:$0xf]  }
0x129: {  	[spmem:s2] =	stream.indirect.scatter.add.f32 [tilespmem:s23], [sflag:$0x2], $0x80, s14, s20, $0xb8;
	[tilespmem:$0x1EC00] =	vst v63  }
0x12a: {  	_ =	swait.ge [sflag:s18], $0x2000  }
0x12b: {  	[sflag:s18] =	ssyncset.done $0x0  }
0x12c: {  	[sflag:s18] =	ssyncadd.s32 $0xFFFFE000  }
0x12d: {  	_ =	swait.ge [sflag:s25], $0x2000  }
0x12e: {  	[sflag:s25] =	ssyncset.done $0x0  }
0x12f: {  	s5 =	rddreg [dreg:$0x10];
	[sflag:s25] =	ssyncadd.s32 $0xFFFFE000  }
0x130: {  	[tilespmem:s24], [sflag:$0x1] =	stream.indirect.gather [hbm4b:s4+s20], $0x80, s5, s20, $0xb8;
	[tilespmem:$0x1EC00] =	vst v63  }
0x131: {  	s14 =	rddreg [dreg:$0x11]  }
0x132: {  	[spmem:s2] =	stream.indirect.scatter.add.f32 [tilespmem:s24], [sflag:$0x2], $0x80, s14, s20, $0xb8;
	[tilespmem:$0x1EC00] =	vst v63  }
0x133: {  	_ =	swait.ge [sflag:s18], $0x2000  }
0x134: {  	[sflag:s18] =	ssyncset.done $0x0  }
0x135: {  	[sflag:s18] =	ssyncadd.s32 $0xFFFFE000  }
0x136: {  	_ =	swait.ge [sflag:s25], $0x2000  }
0x137: {  	[sflag:s25] =	ssyncset.done $0x0  }
0x138: {  	s5 =	rddreg [dreg:$0x12];
	[sflag:s25] =	ssyncadd.s32 $0xFFFFE000  }
0x139: {  	[tilespmem:s17], [sflag:$0x1] =	stream.indirect.gather [hbm4b:s4+s20], $0x80, s5, s20, $0xb8;
	[tilespmem:$0x1EC00] =	vst v63  }
0x13a: {  	s14 =	rddreg [dreg:$0x13]  }
0x13b: {  	[spmem:s2] =	stream.indirect.scatter.add.f32 [tilespmem:s17], [sflag:$0x2], $0x80, s14, s20, $0xb8;
	[tilespmem:$0x1EC00] =	vst v63  }
0x13c: {  	_ =	swait.ge [sflag:s18], $0x2000  }
0x13d: {  	[sflag:s18] =	ssyncset.done $0x0  }
0x13e: {  	[sflag:s18] =	ssyncadd.s32 $0xFFFFE000  }
0x13f: {  	_ =	swait.ge [sflag:s25], $0x2000  }
0x140: {  	[sflag:s25] =	ssyncset.done $0x0  }
0x141: {  	[sflag:s25] =	ssyncadd.s32 $0xFFFFE000  }
0x142: {  	[tilespmem:s21], [sflag:$0x1] =	stream.indirect.gather [hbm4b:s4+s20], $0x80, s26, s20, $0xb8;
	[tilespmem:$0x1EC00] =	vst v63  }
0x143: {  	_ = 	snop  }
0x144: {  	[spmem:s2] =	stream.indirect.scatter.add.f32 [tilespmem:s21], [sflag:$0x2], $0x80, s28, s20, $0xb8;
	[tilespmem:$0x1EC00] =	vst v63  }
0x145: {  	_ =	swait.ge [sflag:s18], $0x2000  }
0x146: {  	[sflag:s18] =	ssyncset.done $0x0  }
0x147: {  	[sflag:s18] =	ssyncadd.s32 $0xFFFFE000  }
0x148: {  	_ =	swait.ge [sflag:s25], $0x2000  }
0x149: {  	[sflag:s25] =	ssyncset.done $0x0  }
0x14a: {  	[sflag:s25] =	ssyncadd.s32 $0xFFFFE000  }
0x14b: {  	[tilespmem:s22], [sflag:$0x1] =	stream.indirect.gather [hbm4b:s4+s20], $0x80, s29, s20, $0xb8;
	[tilespmem:$0x1EC00] =	vst v63  }
0x14c: {  	_ = 	snop  }
0x14d: {  	[spmem:s2] =	stream.indirect.scatter.add.f32 [tilespmem:s22], [sflag:$0x2], $0x80, s30, s20, $0xb8;
	[tilespmem:$0x1EC00] =	vst v63  }
0x14e: {  	_ =	swait.ge [sflag:s18], $0x2000  }
0x14f: {  	[sflag:s18] =	ssyncset.done $0x0  }
0x150: {  	[sflag:s18] =	ssyncadd.s32 $0xFFFFE000  }
0x151: {  	_ =	swait.ge [sflag:s25], $0x2000  }
0x152: {  	[sflag:s25] =	ssyncset.done $0x0  }
0x153: {  	[sflag:s25] =	ssyncadd.s32 $0xFFFFE000  }
0x154: {  	[tilespmem:s23], [sflag:$0x1] =	stream.indirect.gather [hbm4b:s4+s20], $0x80, s31, s20, $0xb8;
	[tilespmem:$0x1EC00] =	vst v63  }
0x155: {  	_ = 	snop  }
0x156: {  	[spmem:s2] =	stream.indirect.scatter.add.f32 [tilespmem:s23], [sflag:$0x2], $0x80, s0, s20, $0xb8;
	[tilespmem:$0x1EC00] =	vst v63  }
0x157: {  	_ =	swait.ge [sflag:s18], $0x2000  }
0x158: {  	[sflag:s18] =	ssyncset.done $0x0  }
0x159: {  	[sflag:s18] =	ssyncadd.s32 $0xFFFFE000  }
0x15a: {  	_ =	swait.ge [sflag:s25], $0x2000  }
0x15b: {  	[sflag:s25] =	ssyncset.done $0x0  }
0x15c: {  	[sflag:s25] =	ssyncadd.s32 $0xFFFFE000  }
0x15d: {  	[tilespmem:s24], [sflag:$0x1] =	stream.indirect.gather [hbm4b:s4+s20], $0x80, s1, s20, $0xb8;
	[tilespmem:$0x1EC00] =	vst v63  }
0x15e: {  	_ = 	snop  }
0x15f: {  	[spmem:s2] =	stream.indirect.scatter.add.f32 [tilespmem:s24], [sflag:$0x2], $0x80, s6, s20, $0xb8;
	[tilespmem:$0x1EC00] =	vst v63  }
0x160: {  	_ =	swait.ge [sflag:s18], $0x2000  }
0x161: {  	[sflag:s18] =	ssyncset.done $0x0  }
0x162: {  	[sflag:s18] =	ssyncadd.s32 $0xFFFFE000  }
0x163: {  	_ =	swait.ge [sflag:s25], $0x2000  }
0x164: {  	[sflag:s25] =	ssyncset.done $0x0  }
0x165: {  	[sflag:s25] =	ssyncadd.s32 $0xFFFFE000  }
0x166: {  	[tilespmem:s17], [sflag:$0x1] =	stream.indirect.gather [hbm4b:s4+s20], $0x80, s7, s20, $0xb8;
	[tilespmem:$0x1EC00] =	vst v63  }
0x167: {  	_ = 	snop  }
0x168: {  	[spmem:s2] =	stream.indirect.scatter.add.f32 [tilespmem:s17], [sflag:$0x2], $0x80, s8, s20, $0xb8;
	[tilespmem:$0x1EC00] =	vst v63  }
0x169: {  	_ =	swait.ge [sflag:s18], $0x2000  }
0x16a: {  	[sflag:s18] =	ssyncset.done $0x0  }
0x16b: {  	[sflag:s18] =	ssyncadd.s32 $0xFFFFE000  }
0x16c: {  	_ =	swait.ge [sflag:s25], $0x2000  }
0x16d: {  	[sflag:s25] =	ssyncset.done $0x0  }
0x16e: {  	[sflag:s25] =	ssyncadd.s32 $0xFFFFE000  }
0x16f: {  	[spmem:s2] =	stream.indirect.scatter.add.f32 [tilespmem:s21], [sflag:$0x2], $0x80, s9, s20, $0xb8;
	[tilespmem:$0x1EC00] =	vst v63  }
0x170: {  	_ =	swait.ge [sflag:s18], $0x2000  }
0x171: {  	[sflag:s18] =	ssyncset.done $0x0  }
0x172: {  	[sflag:s18] =	ssyncadd.s32 $0xFFFFE000  }
0x173: {  	_ =	swait.ge [sflag:s25], $0x2000  }
0x174: {  	[sflag:s25] =	ssyncset.done $0x0  }
0x175: {  	[sflag:s25] =	ssyncadd.s32 $0xFFFFE000  }
0x176: {  	[spmem:s2] =	stream.indirect.scatter.add.f32 [tilespmem:s22], [sflag:$0x2], $0x80, s10, s20, $0xb8;
	[tilespmem:$0x1EC00] =	vst v63  }
0x177: {  	_ =	swait.ge [sflag:s18], $0x2000  }
0x178: {  	[sflag:s18] =	ssyncset.done $0x0  }
0x179: {  	[sflag:s18] =	ssyncadd.s32 $0xFFFFE000  }
0x17a: {  	_ =	swait.ge [sflag:s25], $0x2000  }
0x17b: {  	[sflag:s25] =	ssyncset.done $0x0  }
0x17c: {  	[sflag:s25] =	ssyncadd.s32 $0xFFFFE000  }
0x17d: {  	[spmem:s2] =	stream.indirect.scatter.add.f32 [tilespmem:s23], [sflag:$0x2], $0x80, s11, s20, $0xb8;
	[tilespmem:$0x1EC00] =	vst v63  }
0x17e: {  	_ =	swait.ge [sflag:s18], $0x2000  }
0x17f: {  	[sflag:s18] =	ssyncset.done $0x0  }
0x180: {  	[sflag:s18] =	ssyncadd.s32 $0xFFFFE000  }
0x181: {  	_ =	swait.ge [sflag:s25], $0x2000  }
0x182: {  	[sflag:s25] =	ssyncset.done $0x0  }
0x183: {  	[sflag:s25] =	ssyncadd.s32 $0xFFFFE000  }
0x184: {  	[spmem:s2] =	stream.indirect.scatter.add.f32 [tilespmem:s24], [sflag:$0x2], $0x80, s12, s20, $0xb8;
	[tilespmem:$0x1EC00] =	vst v63  }
0x185: {  	_ =	swait.ge [sflag:s18], $0x2000  }
0x186: {  	[sflag:s18] =	ssyncset.done $0x0  }
0x187: {  	[sflag:s18] =	ssyncadd.s32 $0xFFFFE000  }
0x188: {  	p0 =	sne.s32 s16, $0x900;
	_ =	swait.ge [sflag:s25], $0x2000  }
.Ltmp1:
0x189: {  	[sflag:s25] =	ssyncset.done $0x0;
	(pc) =	sbr.rel @p0 .LBB2_4-.Ltmp1, $4  }
0x18a: {  	[sflag:s25] =	ssyncadd.s32 $0xFFFFE000  }
0x18b: {  	[spmem:s2] =	stream.indirect.scatter.add.f32 [tilespmem:s17], [sflag:$0x2], $0x80, s13, s20, $0xb8;
	[tilespmem:$0x1EC00] =	vst v63  }
0x18c: {  	_ =	swait.ge [sflag:s18], $0x2000  }
0x18d: {  	s16 =	sadd.s32 $0x100, s16;
	s5 =	rddreg [dreg:$0x4];
	[sflag:s18] =	ssyncset.done $0x0  }
0x18e: {  	[sflag:s18] =	ssyncadd.s32 $0xFFFFE000;
	s5 =	sadd.s32 s15, s5  }
0x18f: {  	[tilespmem:s3], [sflag:$0x2] =	stream.linear.gather [hbm4b:s5+s3], $0x800, $0x38;
	[tilespmem:$0x1EC00] =	vst v63  }
0x190: {  	_ =	swait.ge [sflag:s18], $0x800  }
0x191: {  	s14 =	rddreg [dreg:$0x3];
	[sflag:s18] =	ssyncset.done $0x0  }
0x192: {  	[sflag:s18] =	ssyncadd.s32 $0xFFFFF800;
	s5 =	sadd.s32 s15, s14  }
0x193: {  	[tilespmem:s19], [sflag:$0x2] =	stream.linear.gather [hbm4b:s5+s3], $0x800, $0x38;
	[tilespmem:$0x1EC00] =	vst v63  }
0x194: {  	_ =	swait.ge [sflag:s18], $0x800  }
0x195: {  	[sflag:s18] =	ssyncset.done $0x0  }
0x196: {  	[sflag:s18] =	ssyncadd.s32 $0xFFFFF800  }
0x197: {  	[tilespmem:s17], [sflag:$0x1] =	stream.indirect.gather [hbm4b:s4+s20], $0x80, s3, s20, $0xb8;
	[tilespmem:$0x1EC00] =	vst v63  }
0x198: {  	s16 =	rddreg [dreg:$0x5]  }
0x199: {  	[tilespmem:s21], [sflag:$0x1] =	stream.indirect.gather [hbm4b:s4+s20], $0x80, s16, s20, $0xb8;
	[tilespmem:$0x1EC00] =	vst v63  }
0x19a: {  	s14 =	rddreg [dreg:$0x6]  }
0x19b: {  	[tilespmem:s22], [sflag:$0x1] =	stream.indirect.gather [hbm4b:s4+s20], $0x80, s14, s20, $0xb8;
	[tilespmem:$0x1EC00] =	vst v63  }
0x19c: {  	s15 =	rddreg [dreg:$0x7]  }
0x19d: {  	[tilespmem:s23], [sflag:$0x1] =	stream.indirect.gather [hbm4b:s4+s20], $0x80, s15, s20, $0xb8;
	[tilespmem:$0x1EC00] =	vst v63  }
0x19e: {  	s16 =	rddreg [dreg:$0x8]  }
0x19f: {  	[tilespmem:s24], [sflag:$0x1] =	stream.indirect.gather [hbm4b:s4+s20], $0x80, s16, s20, $0xb8;
	[tilespmem:$0x1EC00] =	vst v63  }
0x1a0: {  	_ =	swait.ge [sflag:s25], $0x2000  }
0x1a1: {  	[sflag:s25] =	ssyncset.done $0x0  }
0x1a2: {  	s14 =	rddreg [dreg:$0x9];
	[sflag:s25] =	ssyncadd.s32 $0xFFFFE000  }
0x1a3: {  	[tilespmem:s17], [sflag:$0x1] =	stream.indirect.gather [hbm4b:s4+s20], $0x80, s14, s20, $0xb8;
	[tilespmem:$0x1EC00] =	vst v63  }
0x1a4: {  	_ = 	snop  }
0x1a5: {  	[spmem:s2] =	stream.indirect.scatter.add.f32 [tilespmem:s17], [sflag:$0x2], $0x80, s19, s20, $0xb8;
	[tilespmem:$0x1EC00] =	vst v63  }
0x1a6: {  	_ =	swait.ge [sflag:s18], $0x2000  }
0x1a7: {  	[sflag:s18] =	ssyncset.done $0x0  }
0x1a8: {  	[sflag:s18] =	ssyncadd.s32 $0xFFFFE000  }
0x1a9: {  	_ =	swait.ge [sflag:s25], $0x2000  }
0x1aa: {  	[sflag:s25] =	ssyncset.done $0x0  }
0x1ab: {  	s15 =	rddreg [dreg:$0xa];
	[sflag:s25] =	ssyncadd.s32 $0xFFFFE000  }
0x1ac: {  	[tilespmem:s21], [sflag:$0x1] =	stream.indirect.gather [hbm4b:s4+s20], $0x80, s15, s20, $0xb8;
	[tilespmem:$0x1EC00] =	vst v63  }
0x1ad: {  	s16 =	rddreg [dreg:$0xb]  }
0x1ae: {  	[spmem:s2] =	stream.indirect.scatter.add.f32 [tilespmem:s21], [sflag:$0x2], $0x80, s16, s20, $0xb8;
	[tilespmem:$0x1EC00] =	vst v63  }
0x1af: {  	_ =	swait.ge [sflag:s18], $0x2000  }
0x1b0: {  	[sflag:s18] =	ssyncset.done $0x0  }
0x1b1: {  	[sflag:s18] =	ssyncadd.s32 $0xFFFFE000  }
0x1b2: {  	_ =	swait.ge [sflag:s25], $0x2000  }
0x1b3: {  	[sflag:s25] =	ssyncset.done $0x0  }
0x1b4: {  	s15 =	rddreg [dreg:$0xc];
	[sflag:s25] =	ssyncadd.s32 $0xFFFFE000  }
0x1b5: {  	[tilespmem:s22], [sflag:$0x1] =	stream.indirect.gather [hbm4b:s4+s20], $0x80, s15, s20, $0xb8;
	[tilespmem:$0x1EC00] =	vst v63  }
0x1b6: {  	s16 =	rddreg [dreg:$0xd]  }
0x1b7: {  	[spmem:s2] =	stream.indirect.scatter.add.f32 [tilespmem:s22], [sflag:$0x2], $0x80, s16, s20, $0xb8;
	[tilespmem:$0x1EC00] =	vst v63  }
0x1b8: {  	_ =	swait.ge [sflag:s18], $0x2000  }
0x1b9: {  	[sflag:s18] =	ssyncset.done $0x0  }
0x1ba: {  	[sflag:s18] =	ssyncadd.s32 $0xFFFFE000  }
0x1bb: {  	_ =	swait.ge [sflag:s25], $0x2000  }
0x1bc: {  	[sflag:s25] =	ssyncset.done $0x0  }
0x1bd: {  	s15 =	rddreg [dreg:$0xe];
	[sflag:s25] =	ssyncadd.s32 $0xFFFFE000  }
0x1be: {  	[tilespmem:s23], [sflag:$0x1] =	stream.indirect.gather [hbm4b:s4+s20], $0x80, s15, s20, $0xb8;
	[tilespmem:$0x1EC00] =	vst v63  }
0x1bf: {  	s16 =	rddreg [dreg:$0xf]  }
0x1c0: {  	[spmem:s2] =	stream.indirect.scatter.add.f32 [tilespmem:s23], [sflag:$0x2], $0x80, s16, s20, $0xb8;
	[tilespmem:$0x1EC00] =	vst v63  }
0x1c1: {  	_ =	swait.ge [sflag:s18], $0x2000  }
0x1c2: {  	[sflag:s18] =	ssyncset.done $0x0  }
0x1c3: {  	[sflag:s18] =	ssyncadd.s32 $0xFFFFE000  }
0x1c4: {  	_ =	swait.ge [sflag:s25], $0x2000  }
0x1c5: {  	[sflag:s25] =	ssyncset.done $0x0  }
0x1c6: {  	s15 =	rddreg [dreg:$0x10];
	[sflag:s25] =	ssyncadd.s32 $0xFFFFE000  }
0x1c7: {  	[tilespmem:s24], [sflag:$0x1] =	stream.indirect.gather [hbm4b:s4+s20], $0x80, s15, s20, $0xb8;
	[tilespmem:$0x1EC00] =	vst v63  }
0x1c8: {  	s16 =	rddreg [dreg:$0x11]  }
0x1c9: {  	[spmem:s2] =	stream.indirect.scatter.add.f32 [tilespmem:s24], [sflag:$0x2], $0x80, s16, s20, $0xb8;
	[tilespmem:$0x1EC00] =	vst v63  }
0x1ca: {  	_ =	swait.ge [sflag:s18], $0x2000  }
0x1cb: {  	[sflag:s18] =	ssyncset.done $0x0  }
0x1cc: {  	[sflag:s18] =	ssyncadd.s32 $0xFFFFE000  }
0x1cd: {  	_ =	swait.ge [sflag:s25], $0x2000  }
0x1ce: {  	[sflag:s25] =	ssyncset.done $0x0  }
0x1cf: {  	s15 =	rddreg [dreg:$0x12];
	[sflag:s25] =	ssyncadd.s32 $0xFFFFE000  }
0x1d0: {  	[tilespmem:s17], [sflag:$0x1] =	stream.indirect.gather [hbm4b:s4+s20], $0x80, s15, s20, $0xb8;
	[tilespmem:$0x1EC00] =	vst v63  }
0x1d1: {  	s16 =	rddreg [dreg:$0x13]  }
0x1d2: {  	[spmem:s2] =	stream.indirect.scatter.add.f32 [tilespmem:s17], [sflag:$0x2], $0x80, s16, s20, $0xb8;
	[tilespmem:$0x1EC00] =	vst v63  }
0x1d3: {  	_ =	swait.ge [sflag:s18], $0x2000  }
0x1d4: {  	[sflag:s18] =	ssyncset.done $0x0  }
0x1d5: {  	[sflag:s18] =	ssyncadd.s32 $0xFFFFE000  }
0x1d6: {  	_ =	swait.ge [sflag:s25], $0x2000  }
0x1d7: {  	[sflag:s25] =	ssyncset.done $0x0  }
0x1d8: {  	[sflag:s25] =	ssyncadd.s32 $0xFFFFE000  }
0x1d9: {  	[tilespmem:s21], [sflag:$0x1] =	stream.indirect.gather [hbm4b:s4+s20], $0x80, s26, s20, $0xb8;
	[tilespmem:$0x1EC00] =	vst v63  }
0x1da: {  	_ = 	snop  }
0x1db: {  	[spmem:s2] =	stream.indirect.scatter.add.f32 [tilespmem:s21], [sflag:$0x2], $0x80, s28, s20, $0xb8;
	[tilespmem:$0x1EC00] =	vst v63  }
0x1dc: {  	_ =	swait.ge [sflag:s18], $0x2000  }
0x1dd: {  	[sflag:s18] =	ssyncset.done $0x0  }
0x1de: {  	[sflag:s18] =	ssyncadd.s32 $0xFFFFE000  }
0x1df: {  	_ =	swait.ge [sflag:s25], $0x2000  }
0x1e0: {  	[sflag:s25] =	ssyncset.done $0x0  }
0x1e1: {  	[sflag:s25] =	ssyncadd.s32 $0xFFFFE000  }
0x1e2: {  	[tilespmem:s22], [sflag:$0x1] =	stream.indirect.gather [hbm4b:s4+s20], $0x80, s29, s20, $0xb8;
	[tilespmem:$0x1EC00] =	vst v63  }
0x1e3: {  	_ = 	snop  }
0x1e4: {  	[spmem:s2] =	stream.indirect.scatter.add.f32 [tilespmem:s22], [sflag:$0x2], $0x80, s30, s20, $0xb8;
	[tilespmem:$0x1EC00] =	vst v63  }
0x1e5: {  	_ =	swait.ge [sflag:s18], $0x2000  }
0x1e6: {  	[sflag:s18] =	ssyncset.done $0x0  }
0x1e7: {  	[sflag:s18] =	ssyncadd.s32 $0xFFFFE000  }
0x1e8: {  	_ =	swait.ge [sflag:s25], $0x2000  }
0x1e9: {  	[sflag:s25] =	ssyncset.done $0x0  }
0x1ea: {  	[sflag:s25] =	ssyncadd.s32 $0xFFFFE000  }
0x1eb: {  	[tilespmem:s23], [sflag:$0x1] =	stream.indirect.gather [hbm4b:s4+s20], $0x80, s31, s20, $0xb8;
	[tilespmem:$0x1EC00] =	vst v63  }
0x1ec: {  	_ = 	snop  }
0x1ed: {  	[spmem:s2] =	stream.indirect.scatter.add.f32 [tilespmem:s23], [sflag:$0x2], $0x80, s0, s20, $0xb8;
	[tilespmem:$0x1EC00] =	vst v63  }
0x1ee: {  	_ =	swait.ge [sflag:s18], $0x2000  }
0x1ef: {  	[sflag:s18] =	ssyncset.done $0x0  }
0x1f0: {  	[sflag:s18] =	ssyncadd.s32 $0xFFFFE000  }
0x1f1: {  	_ =	swait.ge [sflag:s25], $0x2000  }
0x1f2: {  	[sflag:s25] =	ssyncset.done $0x0  }
0x1f3: {  	[sflag:s25] =	ssyncadd.s32 $0xFFFFE000  }
0x1f4: {  	[tilespmem:s24], [sflag:$0x1] =	stream.indirect.gather [hbm4b:s4+s20], $0x80, s1, s20, $0xb8;
	[tilespmem:$0x1EC00] =	vst v63  }
0x1f5: {  	_ = 	snop  }
0x1f6: {  	[spmem:s2] =	stream.indirect.scatter.add.f32 [tilespmem:s24], [sflag:$0x2], $0x80, s6, s20, $0xb8;
	[tilespmem:$0x1EC00] =	vst v63  }
0x1f7: {  	_ =	swait.ge [sflag:s18], $0x2000  }
0x1f8: {  	[sflag:s18] =	ssyncset.done $0x0  }
0x1f9: {  	[sflag:s18] =	ssyncadd.s32 $0xFFFFE000  }
0x1fa: {  	_ =	swait.ge [sflag:s25], $0x2000  }
0x1fb: {  	[sflag:s25] =	ssyncset.done $0x0  }
0x1fc: {  	[sflag:s25] =	ssyncadd.s32 $0xFFFFE000  }
0x1fd: {  	[tilespmem:s17], [sflag:$0x1] =	stream.indirect.gather [hbm4b:s4+s20], $0x80, s7, s20, $0xb8;
	[tilespmem:$0x1EC00] =	vst v63  }
0x1fe: {  	_ = 	snop  }
0x1ff: {  	[spmem:s2] =	stream.indirect.scatter.add.f32 [tilespmem:s17], [sflag:$0x2], $0x80, s8, s20, $0xb8;
	[tilespmem:$0x1EC00] =	vst v63  }
0x200: {  	_ =	swait.ge [sflag:s18], $0x2000  }
0x201: {  	[sflag:s18] =	ssyncset.done $0x0  }
0x202: {  	[sflag:s18] =	ssyncadd.s32 $0xFFFFE000  }
0x203: {  	_ =	swait.ge [sflag:s25], $0x2000  }
0x204: {  	[sflag:s25] =	ssyncset.done $0x0  }
0x205: {  	[sflag:s25] =	ssyncadd.s32 $0xFFFFE000  }
0x206: {  	[spmem:s2] =	stream.indirect.scatter.add.f32 [tilespmem:s21], [sflag:$0x2], $0x80, s9, s20, $0xb8;
	[tilespmem:$0x1EC00] =	vst v63  }
0x207: {  	_ =	swait.ge [sflag:s18], $0x2000  }
0x208: {  	[sflag:s18] =	ssyncset.done $0x0  }
0x209: {  	[sflag:s18] =	ssyncadd.s32 $0xFFFFE000  }
0x20a: {  	_ =	swait.ge [sflag:s25], $0x2000  }
0x20b: {  	[sflag:s25] =	ssyncset.done $0x0  }
0x20c: {  	[sflag:s25] =	ssyncadd.s32 $0xFFFFE000  }
0x20d: {  	[spmem:s2] =	stream.indirect.scatter.add.f32 [tilespmem:s22], [sflag:$0x2], $0x80, s10, s20, $0xb8;
	[tilespmem:$0x1EC00] =	vst v63  }
0x20e: {  	_ =	swait.ge [sflag:s18], $0x2000  }
0x20f: {  	[sflag:s18] =	ssyncset.done $0x0  }
0x210: {  	[sflag:s18] =	ssyncadd.s32 $0xFFFFE000  }
0x211: {  	_ =	swait.ge [sflag:s25], $0x2000  }
0x212: {  	[sflag:s25] =	ssyncset.done $0x0  }
0x213: {  	[sflag:s25] =	ssyncadd.s32 $0xFFFFE000  }
0x214: {  	[spmem:s2] =	stream.indirect.scatter.add.f32 [tilespmem:s23], [sflag:$0x2], $0x80, s11, s20, $0xb8;
	[tilespmem:$0x1EC00] =	vst v63  }
0x215: {  	_ =	swait.ge [sflag:s18], $0x2000  }
0x216: {  	[sflag:s18] =	ssyncset.done $0x0  }
0x217: {  	[sflag:s18] =	ssyncadd.s32 $0xFFFFE000  }
0x218: {  	_ =	swait.ge [sflag:s25], $0x2000  }
0x219: {  	[sflag:s25] =	ssyncset.done $0x0  }
0x21a: {  	[sflag:s25] =	ssyncadd.s32 $0xFFFFE000  }
0x21b: {  	[spmem:s2] =	stream.indirect.scatter.add.f32 [tilespmem:s24], [sflag:$0x2], $0x80, s12, s20, $0xb8;
	[tilespmem:$0x1EC00] =	vst v63  }
0x21c: {  	_ =	swait.ge [sflag:s18], $0x2000  }
0x21d: {  	[sflag:s18] =	ssyncset.done $0x0  }
0x21e: {  	[sflag:s18] =	ssyncadd.s32 $0xFFFFE000  }
0x21f: {  	_ =	swait.ge [sflag:s25], $0x2000  }
0x220: {  	[sflag:s25] =	ssyncset.done $0x0  }
0x221: {  	[sflag:s25] =	ssyncadd.s32 $0xFFFFE000  }
0x222: {  	[spmem:s2] =	stream.indirect.scatter.add.f32 [tilespmem:s17], [sflag:$0x2], $0x80, s13, s20, $0xb8;
	[tilespmem:$0x1EC00] =	vst v63  }
0x223: {  	_ =	swait.ge [sflag:s18], $0x2000  }
0x224: {  	[sflag:s18] =	ssyncset.done $0x0  }
0x225: {  	[sflag:s18] =	ssyncadd.s32 $0xFFFFE000  }
0x226: {  	s14 =	stileid.u32;
	[bflag:$0x0] =	sbarrier.arrive $0xFFFF  }
0x227: {  	s5 =	sshll.u32 s14, $0x6;
	s15 =	rddreg [dreg:$0x14]  }
0x228: {  	s5 =	sor.u32 $0x1C02, s5;
	s16 =	rddreg [dreg:$0x1e];
	s14 =	sshrl.u32 s15, $0x3  }
0x229: {  	[hbm:s16], [sflag:s5] =	dma.local [spmem:s14], $0x2780  }
0x22a: {  	_ =	swait.ge [sflag:s18], $0x2780  }
0x22b: {  	s15 =	sld [smem:$0x7FD];
	_ =	sdelay $0x2  }
0x22c: {  	s16 =	rddreg [dreg:$0x1f];
	s14 =	sadd.s32 $0x1, s15  }
0x22d: {  	p0 =	sne.s32 s14, s16  }
.Ltmp2:
0x22e: {  	_ = 	snop;
	(pc) =	sbr.rel @p0 .LBB2_1-.Ltmp2, $3  }
0x22f: {  	_ =	sdelay $0x1  }
0x230: {  	[sflag:s18] =	ssyncset.done $0x0  }
0x231: {  	[sflag:s18] =	ssyncadd.s32 $0xFFFFD880  }
0x232: {  	_ =	sfence.sel $0x180000  }
0x233: {  	[bflag:$0x0] =	sbarrier.arrive $0xFFFF  }
0x234: {  	_ =	strace $0x9000004A  }
0x235: {  	s0 =	stileid.u32;
	[bflag:$0x2] =	sbarrier.arrive $0xFFFF  }
0x236: {  	p0 =	sne.s32 s0, $0x0;
	s0 =	rddreg [dreg:$0x2]  }
0x237: {  	s0 =	sadd.s32 @!p0 $0x100000, s0  }
0x238: {  	[sflag:s0] =	ssyncadd.tile.s32 @!p0 $0x1;
	_ =	shalt  }
.Lfunc_end2:
_tile_overlayer_lowered:
.L_overlay_start_2:
0x239: {  	(tag) =	ssettag $0x2  }
0x23a: {  	s0 =	rddreg [dreg:$0x0];
	s2 =	stileid.u32  }
0x23b: {  	s1 =	rddreg [dreg:$0x1];
	p0 =	sne.s32 s2, $0x0  }
0x23c: {  	s3 =	rddreg [dreg:$0x2];
	[bflag:$0x3] =	sbarrier.arrive $0xFFFF;
	s2 =	simm.s32 @!p0 $0x1C02  }
0x23d: {  	[timem:s3], [sflag:s2] =	dma.local @!p0 [hbm:s0], s1  }
0x23e: {  	s0 =	simm.s32 @!p0 $0x2  }
0x23f: {  	_ =	swait.ge @!p0 [sflag:s0], s1  }
0x240: {  	s1 =	ssub.s32 @!p0 $0x0, s1;
	[sflag:s0] =	ssyncset.done @!p0 $0x0  }
0x241: {  	[sflag:s0] =	ssyncadd.s32 @!p0 s1  }
0x242: {  	[bflag:$0x3] =	sbarrier.arrive $0xFFFF  }
0x243: {  	_ =	shalt  }

// kernel: kernel.4.cloned.1.call-start
scs
__scs_entry_jumppad:
0x0: {  	(pc) =	sbr.rel $0x88, $3  }
0x1: {  	(tag) =	ssettag $0x0;
	lr =	simm.s32 $0x1  }
0x2: {  	[smem:$0x3F92] =	sst lr;
	_ =	strace $0xD0000000  }
0x3: {  	_ = 	snop  }
0x4: {  	_ = 	snop  }
0x5: {  	_ = 	snop  }
0x6: {  	_ = 	snop  }
0x7: {  	_ = 	snop  }
__scs_overlays_trampoline_lowered:
0x8: {  	[smem:$0x3FA1] =	sst s0  }
0x9: {  	[smem:$0x3FA2] =	sst s1  }
0xa: {  	[smem:$0x3FA3] =	sst s2  }
0xb: {  	[smem:$0x3FA4] =	sst s3  }
0xc: {  	[smem:$0x3FA5] =	sst s4  }
0xd: {  	[smem:$0x3FA6] =	sst s5  }
0xe: {  	[smem:$0x3FA7] =	sst s6  }
0xf: {  	[smem:$0x3FA8] =	sst s7  }
0x10: {  	[smem:$0x3FA9] =	sst s8  }
0x11: {  	[smem:$0x3FAA] =	sst s9;
	s0 =	simm.s32 @!p0 $0x0  }
0x12: {  	s1 =	sld [smem:$0x3F90];
	s0 =	simm.s32 @p0 $0x1  }
0x13: {  	[smem:$0x3FAB] =	sst s0;
	s0 =	simm.s32 @!p1 $0x0  }
0x14: {  	s2 =	sld [smem:$0x3F8F];
	s0 =	simm.s32 @p1 $0x1  }
0x15: {  	[smem:$0x3FAC] =	sst s0;
	s0 =	simm.s32 @!p2 $0x0  }
0x16: {  	s3 =	sld [smem:$0x3FDB];
	s0 =	simm.s32 @p2 $0x1  }
0x17: {  	s4 =	simm.s32 $0x1BF5;
	[smem:$0x3FAE] =	sst s0  }
0x18: {  	s0 =	sld [smem:$0x3F91];
	_ =	swait.ge [sflag:s4], $0x0  }
0x19: {  	s7 =	sld [smem:$0x3F92]  }
0x1a: {  	s8 =	sadd.s32 $0xFFFFE003, lr  }
0x1b: {  	s9 =	sadd.s32 $0xFFFFFEF7, lr;
	s5 =	simm.s32 $0xFFFFFFFF;
	p2 =	slt.u32 s8, $0xFFFFF086  }
0x1c: {  	p1 =	slt.u32 s9, $0xF7A;
	s5 =	simm.s32 @!p2 $0x0  }
0x1d: {  	s5 =	simm.s32 @p1 $0x1;
	p0 =	seq.s32 s7, s2  }
0x1e: {  	s7 =	smul.u32 @!p0 $0xF7A, s2;
	p2 =	seq.s32 @!p0 s5, $0x0  }
0x1f: {  	s9 =	smul.u32 $0xF7A, s1;
	s8 =	simm.s32 @!p0 $0x1BF5;
	p2 =	por !p2, p0  }
0x20: {  	[sflag:s8] =	ssyncset.s32 @!p0 $0xFFFFF086;
	s6 =	sadd.s32 @!p0 s3, s7;
	s7 =	simm.s32 @!p0 $0x108  }
0x21: {  	s3 =	sadd.s32 s3, s9;
	s6 =	sadd.s32 @!p0 $0x88, s6;
	s7 =	simm.s32 @p2 $0x1082  }
0x22: {  	[simem:s7], [sflag:s8] =	dma.local @!p0 [hbm:s6], $0xF7A  }
0x23: {  	s9 =	sor.u32 $0xD0000000, s2;
	s6 =	simm.s32 $0x108;
	_ =	swait.ge @!p0 [sflag:s8], $0x0  }
0x24: {  	s3 =	sadd.s32 $0x88, s3;
	s6 =	simm.s32 @!p1 $0x1082;
	[sflag:s4] =	ssyncset.s32 $0xFFFFF086  }
0x25: {  	[simem:s6], [sflag:s4] =	dma.local [hbm:s3], $0xF7A  }
0x26: {  	[smem:$0x3F92] =	sst s1;
	(tag) =	ssettag s2;
	_ =	strace s9  }
0x27: {  	s1 =	sld [smem:$0x3FA2]  }
0x28: {  	s2 =	sld [smem:$0x3FA3]  }
0x29: {  	s4 =	sld [smem:$0x3FA5]  }
0x2a: {  	p0 =	seq.s32 s5, $0x0;
	s5 =	sld [smem:$0x3FA6]  }
0x2b: {  	s6 =	sld [smem:$0x3FA7]  }
0x2c: {  	s7 =	sld [smem:$0x3FA8]  }
0x2d: {  	s3 =	simm.s32 $0x108;
	s8 =	sld [smem:$0x3FA9]  }
0x2e: {  	s3 =	simm.s32 @!p0 $0x1082;
	s9 =	sld [smem:$0x3FAA]  }
0x2f: {  	lr =	sadd.s32 s0, s3;
	s0 =	sld [smem:$0x3FA1]  }
0x30: {  	s3 =	sld [smem:$0x3FA4]  }
0x31: {  	[smem:$0x3FAD] =	sst s10  }
0x32: {  	s10 =	sld [smem:$0x3FAB];
	_ =	sdelay $0x3  }
0x33: {  	p0 =	seq.s32 s10, $0x1;
	s10 =	sld [smem:$0x3FAD];
	_ =	sdelay $0x3  }
0x34: {  	[smem:$0x3FAD] =	sst s10  }
0x35: {  	s10 =	sld [smem:$0x3FAC];
	_ =	sdelay $0x3  }
0x36: {  	p1 =	seq.s32 s10, $0x1;
	s10 =	sld [smem:$0x3FAD];
	_ =	sdelay $0x3  }
0x37: {  	[smem:$0x3FAD] =	sst s10  }
0x38: {  	s10 =	sld [smem:$0x3FAE]  }
0x39: {  	_ = 	snop;
	(pc) =	sbr.ind lr, $3  }
0x3a: {  	_ = 	snop  }
0x3b: {  	_ = 	snop  }
0x3c: {  	p2 =	seq.s32 s10, $0x1;
	s10 =	sld [smem:$0x3FAD]  }
0x3d: {  	_ =	shalt  }
0x3e: {  	_ =	shalt  }
0x3f: {  	_ =	shalt  }
0x40: {  	_ =	shalt  }
0x41: {  	_ =	shalt  }
0x42: {  	_ =	shalt  }
0x43: {  	_ =	shalt  }
0x44: {  	_ =	shalt  }
0x45: {  	_ =	shalt  }
0x46: {  	_ =	shalt  }
0x47: {  	_ =	shalt  }
0x48: {  	_ =	shalt  }
0x49: {  	_ =	shalt  }
0x4a: {  	_ =	shalt  }
0x4b: {  	_ =	shalt  }
0x4c: {  	_ =	shalt  }
0x4d: {  	_ =	shalt  }
0x4e: {  	_ =	shalt  }
0x4f: {  	_ =	shalt  }
0x50: {  	_ =	shalt  }
0x51: {  	_ =	shalt  }
0x52: {  	_ =	shalt  }
0x53: {  	_ =	shalt  }
0x54: {  	_ =	shalt  }
0x55: {  	_ =	shalt  }
0x56: {  	_ =	shalt  }
0x57: {  	_ =	shalt  }
0x58: {  	_ =	shalt  }
0x59: {  	_ =	shalt  }
0x5a: {  	_ =	shalt  }
0x5b: {  	_ =	shalt  }
0x5c: {  	_ =	shalt  }
0x5d: {  	_ =	shalt  }
0x5e: {  	_ =	shalt  }
0x5f: {  	_ =	shalt  }
0x60: {  	_ =	shalt  }
0x61: {  	_ =	shalt  }
0x62: {  	_ =	shalt  }
0x63: {  	_ =	shalt  }
0x64: {  	_ =	shalt  }
0x65: {  	_ =	shalt  }
0x66: {  	_ =	shalt  }
0x67: {  	_ =	shalt  }
0x68: {  	_ =	shalt  }
0x69: {  	_ =	shalt  }
0x6a: {  	_ =	shalt  }
0x6b: {  	_ =	shalt  }
0x6c: {  	_ =	shalt  }
0x6d: {  	_ =	shalt  }
0x6e: {  	_ =	shalt  }
0x6f: {  	_ =	shalt  }
0x70: {  	_ =	shalt  }
0x71: {  	_ =	shalt  }
0x72: {  	_ =	shalt  }
0x73: {  	_ =	shalt  }
0x74: {  	_ =	shalt  }
0x75: {  	_ =	shalt  }
0x76: {  	_ =	shalt  }
0x77: {  	_ =	shalt  }
0x78: {  	_ =	shalt  }
0x79: {  	_ =	shalt  }
0x7a: {  	_ =	shalt  }
0x7b: {  	_ =	shalt  }
0x7c: {  	_ =	shalt  }
0x7d: {  	_ =	shalt  }
0x7e: {  	_ =	shalt  }
0x7f: {  	_ =	shalt  }
0x80: {  	_ =	shalt  }
0x81: {  	_ =	shalt  }
0x82: {  	_ =	shalt  }
0x83: {  	_ =	shalt  }
0x84: {  	_ =	shalt  }
0x85: {  	_ =	shalt  }
0x86: {  	_ =	shalt  }
0x87: {  	_ =	shalt  }
.Lfunc_end0:
.L_simem_size_0:
called_computation.1_lowered:
.L_overlay_start_0:
0x88: {  	s2 =	sld [smem:$0x3FD9]  }
0x89: {  	s3 =	sld [smem:$0x3FFE];
	_ =	sdelay $0x1  }
0x8a: {  	s1 =	srdreg.scid  }
0x8b: {  	s0 =	sand.u32 $0x1, s1  }
0x8c: {  	s16 =	sshll.u32 s0, $0xA;
	s2 =	sadd.s32 s3, s2  }
0x8d: {  	s2 =	sadd.s32 s2, s16  }
0x8e: {  	[smem:$0x3FB9] =	sst s2  }
0x8f: {  	_ = 	snop  }
0x90: {  	(tm) =	ssettm $0x1  }
0x91: {  	s17 =	sld [smem:$0x3FFB];
	_ =	sdelay $0x3  }
0x92: {  	_ =	strace s17  }
0x93: {  	s2 =	sld [smem:$0x3FFC];
	_ =	sdelay $0x3  }
0x94: {  	_ =	strace s2  }
0x95: {  	s2 =	sld [smem:$0x3FFD];
	_ =	sdelay $0x3  }
0x96: {  	_ =	strace s2  }
0x97: {  	_ =	strace $0x8FFFFFFF  }
0x98: {  	s18 =	sld [smem:$0x3FDB];
	_ =	sdelay $0x1  }
0x99: {  	s19 =	simm.s32 $_scs_section_size  }
0x9a: {  	s4 =	simm.s32 $_size__tile_overlayer_lowered;
	s5 =	simm.s32 $_tile_overlayer_lowered  }
0x9b: {  	s22 =	simm.s32 $0x1BFF;
	s21 =	sshll.u32 s5, $0x1;
	s2 =	sadd.s32 s19, s18  }
0x9c: {  	s6 =	simm.s32 $0x0;
	s20 =	sshll.u32 s4, $0x1;
	s4 =	sadd.s32 s21, s2  }
0x9d: {  	[timem:s6], [sflag:s22] =	dma.local [hbm:s4], s20  }
0x9e: {  	_ =	swait.ge [sflag:s22], s20  }
0x9f: {  	s3 =	ssub.s32 $0x0, s20;
	[sflag:s22] =	ssyncset.done $0x0  }
0xa0: {  	[sflag:s22] =	ssyncadd.s32 s3;
	_ =	sdelay $0x1  }
0xa1: {  	s23 =	simm.s32 $0x1B8B  }
0xa2: {  	_ =	swait.ge [sflag:s23], $0x1  }
0xa3: {  	[sflag:s23] =	ssyncset.done $0x0  }
0xa4: {  	s25 =	simm.s32 $0x1B8E;
	s24 =	sld [smem:$0x3FFE];
	[sflag:s23] =	ssyncadd.s32 $0xFFFFFFFF  }
0xa5: {  	s26 =	simm.s32 $execute0_lowered;
	[smem:$0x3FD2] =	sst s25  }
0xa6: {  	s4 =	sshll.u32 s26, $0x1;
	_ =	strace $0x80000046;
	[dreg:$0x1] =	wrdreg $0xFFFFFFFF  }
0xa7: {  	s28 =	simm.s32 $_size_execute0_lowered;
	s2 =	sadd.s32 s2, s4;
	[dreg:$0x0] =	wrdreg $0x0  }
0xa8: {  	s4 =	sshll.u32 s28, $0x1;
	[dreg:$0x2] =	wrdreg s2  }
0xa9: {  	[dreg:$0x3] =	wrdreg s4  }
0xaa: {  	[dreg:$0x4] =	wrdreg $0xC0  }
0xab: {  	_ =	task [dreg:s6], $0x5FFFF  }
0xac: {  	[dreg:$0x1] =	wrdreg $0xFFFFFFFF  }
0xad: {  	[dreg:$0x0] =	wrdreg $0x60  }
0xae: {  	[dreg:$0x2] =	wrdreg s24  }
0xaf: {  	[dreg:$0x3] =	wrdreg $0x90000  }
0xb0: {  	[dreg:$0x4] =	wrdreg $0x9  }
0xb1: {  	_ =	task.clear_ibuf [dreg:s6], $0x5FFFF;
	_ =	strace $0x90000046  }
0xb2: {  	s29 =	simm.s32 $0x9;
	_ =	strace $0x80000048  }
0xb3: {  	_ =	swait.ge [sflag:s29], $0x1  }
0xb4: {  	[sflag:s29] =	ssyncadd.s32 $0xFFFFFFFF  }
0xb5: {  	_ =	strace $0x90000048  }
0xb6: {  	_ =	sfence  }
0xb7: {  	s30 =	sld [smem:$0x0];
	_ =	sdelay $0x2  }
0xb8: {  	s31 =	sshll.u32 s1, $0xD;
	s1 =	sshrl.u32 s1, $0x2  }
0xb9: {  	s3 =	sand.u32 $0x4000, s31;
	s1 =	sadd.s32 s1, s30  }
0xba: {  	s0 =	sor.u32 s3, s0;
	s1 =	sshll.u32 s1, $0x11  }
0xbb: {  	s0 =	sor.u32 s1, s0  }
0xbc: {  	s0 =	sadd.s32 $0x8F2B, s0  }
0xbd: {  	[sflag:s0] =	ssyncadd.remote.s32 $0x1  }
0xbe: {  	_ =	sfence.sel $0xFFFF  }
0xbf: {  	[dreg:$0x0] =	wrdreg $0xFFFFFFFF;
	(pc) =	sbr.abs _section_cstart, $3  }
0xc0: {  	[dreg:$0x1] =	wrdreg $0xFFFFFFFF  }
0xc1: {  	_ =	task.clear_ibuf [dreg:s6], $0x2FFFF;
	_ =	strace $0x9FFFFFFF  }
0xc2: {  	(tm) =	ssettm $0x7FFFFFFF  }
0xc3: {  	_ =	shalt  }
tec
execute0_lowered:
.L_overlay_start_1:
0x0: {  	(tag) =	ssettag $0x1  }
0x1: {  	s5 =	rddreg [dreg:$0x0]  }
0x2: {  	s0 =	srdreg.scid;
	s2 =	rddreg [dreg:$0x1]  }
0x3: {  	s3 =	simm.s32 $0x0;
	s17 =	simm.s32 $0x7000;
	s18 =	simm.s32 $0x1  }
0x4: {  	s19 =	simm.s32 $0x40;
	s4 =	sand.u32 $0x1, s0;
	s0 =	stileid.u32  }
0x5: {  	s20 =	simm.s32 $0x5000;
	[smem:$0x7FF] =	sst s3;
	s7 =	smul.u32 $0x2780, s0  }
0x6: {  	s1 =	sshll.u32 s4, $0x4;
	s8 =	smul.u32 $0x4F000, s0;
	s29 =	ssub.s32 $0x2, s4  }
0x7: {  	s9 =	smul.u32 $0x27800, s4;
	s1 =	sor.u32 s0, s1;
	s31 =	sshrl.u32 s29, $0x1  }
0x8: {  	s6 =	smul.u32 $0xA00, s1;
	s1 =	rddreg [dreg:$0x2];
	_ =	strace $0x80000047  }
0x9: {  	s30 =	sshrl.u32 s8, $0x2;
	s7 =	sadd.s32 s7, s9;
	s16 =	ssub.s32 s29, s31  }
0xa: {  	s4 =	sadd.s32 s30, s2;
	s15 =	sadd.s32 s7, s5;
	s16 =	smax.u32 s16, $0x1  }
0xb: {  	s14 =	sadd.s32 s6, s5;
	s5 =	sadd.s32 $0x2000, s4;
	s6 =	sadd.s32 $0x4000, s4  }
0xc: {  	s7 =	sadd.s32 $0x6000, s4;
	s8 =	sadd.s32 $0x8000, s4;
	s9 =	sadd.s32 $0xA000, s4  }
0xd: {  	s10 =	sadd.s32 $0xC000, s4;
	s11 =	sadd.s32 $0xE000, s4;
	s12 =	sadd.s32 $0x10000, s4  }
0xe: {  	v0 =	vimm.f32 $1.000000000e+00;
	v1 =	vimm.f32 $0.0e+00;
	s13 =	sadd.s32 $0x12000, s4;
	s15 =	sadd.s32 $0x17C00, s15;
	s14 =	sadd.s32 $0x3C00, s14  }
.LBB2_1:
0xf: {  	s21 =	simm.s32 $0x0  }
.LBB2_2:
0x10: {  	p0 =	sne.s32 s21, $0x7E00  }
.Ltmp0:
0x11: {  	_ = 	snop;
	(pc) =	sbr.rel @p0 .LBB2_2-.Ltmp0, $3  }
0x12: {  	_ =	sdelay $0x1  }
0x13: {  	s22 =	sshra.s32 s21, $0x2  }
0x14: {  	s21 =	sadd.s32 $0x200, s21;
	[tilespmem:s22+$0x5000] =	vst v0  }
0x15: {  	s21 =	simm.s32 $0x200;
	s22 =	simm.s32 $0x0  }
.LBB2_4:
0x16: {  	p0 =	sne.s32 s21, $0x7E00;
	[tilespmem:s22+$0x7000] =	vst v1;
	s22 =	smov.u32 s21;
	s21 =	sadd.s32 $0x200, s21  }
.Ltmp1:
0x17: {  	(pc) =	sbr.rel @p0 .LBB2_4-.Ltmp1, $2  }
0x18: {  	_ =	sdelay $0x2  }
0x19: {  	s22 =	sshra.s32 s22, $0x2  }
0x1a: {  	[tilespmem:s22+$0x7000] =	vst v1  }
0x1b: {  	[spmem:s4] =	stream.linear.scatter [tilespmem:s17], [sflag:$0x1], $0x2000, $0x38;
	[tilespmem:$0xB780] =	vst v63  }
0x1c: {  	_ =	swait.ge [sflag:s18], $0x2000  }
0x1d: {  	[sflag:s18] =	ssyncset.done $0x0  }
0x1e: {  	[sflag:s18] =	ssyncadd.s32 $0xFFFFE000  }
0x1f: {  	[spmem:s5] =	stream.linear.scatter [tilespmem:s17], [sflag:$0x1], $0x2000, $0x38;
	[tilespmem:$0xB780] =	vst v63  }
0x20: {  	_ =	swait.ge [sflag:s18], $0x2000  }
0x21: {  	[sflag:s18] =	ssyncset.done $0x0  }
0x22: {  	[sflag:s18] =	ssyncadd.s32 $0xFFFFE000  }
0x23: {  	[spmem:s6] =	stream.linear.scatter [tilespmem:s17], [sflag:$0x1], $0x2000, $0x38;
	[tilespmem:$0xB780] =	vst v63  }
0x24: {  	_ =	swait.ge [sflag:s18], $0x2000  }
0x25: {  	[sflag:s18] =	ssyncset.done $0x0  }
0x26: {  	[sflag:s18] =	ssyncadd.s32 $0xFFFFE000  }
0x27: {  	[spmem:s7] =	stream.linear.scatter [tilespmem:s17], [sflag:$0x1], $0x2000, $0x38;
	[tilespmem:$0xB780] =	vst v63  }
0x28: {  	_ =	swait.ge [sflag:s18], $0x2000  }
0x29: {  	[sflag:s18] =	ssyncset.done $0x0  }
0x2a: {  	[sflag:s18] =	ssyncadd.s32 $0xFFFFE000  }
0x2b: {  	[spmem:s8] =	stream.linear.scatter [tilespmem:s17], [sflag:$0x1], $0x2000, $0x38;
	[tilespmem:$0xB780] =	vst v63  }
0x2c: {  	_ =	swait.ge [sflag:s18], $0x2000  }
0x2d: {  	[sflag:s18] =	ssyncset.done $0x0  }
0x2e: {  	[sflag:s18] =	ssyncadd.s32 $0xFFFFE000  }
0x2f: {  	[spmem:s9] =	stream.linear.scatter [tilespmem:s17], [sflag:$0x1], $0x2000, $0x38;
	[tilespmem:$0xB780] =	vst v63  }
0x30: {  	_ =	swait.ge [sflag:s18], $0x2000  }
0x31: {  	[sflag:s18] =	ssyncset.done $0x0  }
0x32: {  	[sflag:s18] =	ssyncadd.s32 $0xFFFFE000  }
0x33: {  	[spmem:s10] =	stream.linear.scatter [tilespmem:s17], [sflag:$0x1], $0x2000, $0x38;
	[tilespmem:$0xB780] =	vst v63  }
0x34: {  	_ =	swait.ge [sflag:s18], $0x2000  }
0x35: {  	[sflag:s18] =	ssyncset.done $0x0  }
0x36: {  	[sflag:s18] =	ssyncadd.s32 $0xFFFFE000  }
0x37: {  	[spmem:s11] =	stream.linear.scatter [tilespmem:s17], [sflag:$0x1], $0x2000, $0x38;
	[tilespmem:$0xB780] =	vst v63  }
0x38: {  	_ =	swait.ge [sflag:s18], $0x2000  }
0x39: {  	[sflag:s18] =	ssyncset.done $0x0  }
0x3a: {  	[sflag:s18] =	ssyncadd.s32 $0xFFFFE000  }
0x3b: {  	[spmem:s12] =	stream.linear.scatter [tilespmem:s17], [sflag:$0x1], $0x2000, $0x38;
	[tilespmem:$0xB780] =	vst v63  }
0x3c: {  	_ =	swait.ge [sflag:s18], $0x2000  }
0x3d: {  	[sflag:s18] =	ssyncset.done $0x0  }
0x3e: {  	[sflag:s18] =	ssyncadd.s32 $0xFFFFE000  }
0x3f: {  	[spmem:s13] =	stream.linear.scatter [tilespmem:s17], [sflag:$0x1], $0x1C00, $0x38;
	[tilespmem:$0xB780] =	vst v63  }
0x40: {  	_ =	swait.ge [sflag:s18], $0x1C00  }
0x41: {  	[sflag:s18] =	ssyncset.done $0x0  }
0x42: {  	s21 =	simm.s32 $0x0;
	[sflag:s18] =	ssyncadd.s32 $0xFFFFE400  }
0x43: {  	[tilespmem:s21], [sflag:$0x1] =	stream.linear.gather [hbm4b:s14+s21], $0x5000, $0x38;
	[tilespmem:$0xB780] =	vst v63  }
0x44: {  	_ =	swait.ge [sflag:s18], $0x5000  }
0x45: {  	[sflag:s18] =	ssyncset.done $0x0  }
0x46: {  	[sflag:s18] =	ssyncadd.s32 $0xFFFFB000  }
0x47: {  	s31 =	simm.s32 $0x0;
	[bflag:$0x0] =	sbarrier.arrive $0xFFFF  }
0x48: {  	[spmem:s2] =	stream.indirect.scatter.add.f32 [tilespmem:s20], [sflag:$0x1], $0x10, s31, s19, $0xb8;
	[tilespmem:$0xB780] =	vst v63  }
0x49: {  	_ =	swait.ge [sflag:s18], $0x400  }
0x4a: {  	s21 =	simm.s32 $0x200;
	[sflag:s18] =	ssyncset.done $0x0  }
.LBB2_6:
0x4b: {  	s22 =	sshra.s32 s21, $0x2;
	[sflag:s18] =	ssyncadd.s32 $0xFFFFFC00;
	p0 =	sne.s32 s21, $0x13E00  }
0x4c: {  	[spmem:s2] =	stream.indirect.scatter.add.f32 [tilespmem:s20], [sflag:$0x1], $0x10, s22, s19, $0xb8;
	[tilespmem:$0xB780] =	vst v63  }
.Ltmp2:
0x4d: {  	_ = 	snop;
	(pc) =	sbr.rel @p0 .LBB2_6-.Ltmp2, $4  }
0x4e: {  	_ = 	snop  }
0x4f: {  	s21 =	sadd.s32 $0x200, s21  }
0x50: {  	_ =	swait.ge [sflag:s18], $0x400  }
0x51: {  	[sflag:s18] =	ssyncset.done $0x0  }
0x52: {  	[sflag:s18] =	ssyncadd.s32 $0xFFFFFC00;
	s3 =	sadd.s32 $0x1, s3  }
0x53: {  	s21 =	sshll.u32 s0, $0x6;
	s22 =	sshrl.u32 s4, $0x3;
	p0 =	sne.s32 s3, s16  }
.Ltmp3:
0x54: {  	[bflag:$0x0] =	sbarrier.arrive $0xFFFF;
	s21 =	sor.u32 $0x1C01, s21;
	(pc) =	sbr.rel @p0 .LBB2_1-.Ltmp3, $4  }
0x55: {  	[hbm:s15], [sflag:s21] =	dma.local [spmem:s22], $0x2780  }
0x56: {  	_ =	swait.ge [sflag:s18], $0x2780  }
0x57: {  	[sflag:s18] =	ssyncset.done $0x0  }
0x58: {  	[sflag:s18] =	ssyncadd.s32 $0xFFFFD880  }
0x59: {  	_ =	sfence.sel $0x180000  }
0x5a: {  	[bflag:$0x0] =	sbarrier.arrive $0xFFFF  }
0x5b: {  	p0 =	sne.s32 s0, $0x0;
	_ =	strace $0x90000047  }
0x5c: {  	s0 =	sadd.s32 @!p0 $0x100000, s1;
	[bflag:$0x2] =	sbarrier.arrive $0xFFFF  }
0x5d: {  	[sflag:s0] =	ssyncadd.tile.s32 @!p0 $0x1;
	_ =	shalt  }
.Lfunc_end2:
_tile_overlayer_lowered:
.L_overlay_start_2:
0x5e: {  	(tag) =	ssettag $0x2  }
0x5f: {  	s0 =	rddreg [dreg:$0x0];
	s2 =	stileid.u32  }
0x60: {  	s1 =	rddreg [dreg:$0x1];
	p0 =	sne.s32 s2, $0x0  }
0x61: {  	s3 =	rddreg [dreg:$0x2];
	[bflag:$0x3] =	sbarrier.arrive $0xFFFF;
	s2 =	simm.s32 @!p0 $0x1C01  }
0x62: {  	[timem:s3], [sflag:s2] =	dma.local @!p0 [hbm:s0], s1  }
0x63: {  	s0 =	simm.s32 @!p0 $0x1  }
0x64: {  	_ =	swait.ge @!p0 [sflag:s0], s1  }
0x65: {  	s1 =	ssub.s32 @!p0 $0x0, s1;
	[sflag:s0] =	ssyncset.done @!p0 $0x0  }
0x66: {  	[sflag:s0] =	ssyncadd.s32 @!p0 s1  }
0x67: {  	[bflag:$0x3] =	sbarrier.arrive $0xFFFF  }
0x68: {  	_ =	shalt  }

</sc_bundles>
